<compile_context>
chip_gen: v7x
topology: tpu7x:2x2x1
jax: 0.10.2.dev20260603
libtpu: 0.0.44.dev20260713+nightly
codegen_flags: <defaults>
</compile_context>

<pallas_src>
import functools

import jax
import jax.numpy as jnp
from jax import lax
from jax.experimental import pallas as pl
from jax.experimental.pallas import tpu as pltpu
from jax.experimental.pallas import tpu_sc as plsc

_NC = 2
_NS = 16
_NW = _NC * _NS
_L = 16


def _embedding_bag_sc(indices, table):
    B, A = indices.shape
    _, D = table.shape
    rpw = B // _NW
    nvec = D // _L
    assert rpw % 4 == 0 and rpw >= 8

    mesh = plsc.VectorSubcoreMesh(core_axis_name="c", subcore_axis_name="s")

    @functools.partial(
        pl.kernel,
        out_type=jax.ShapeDtypeStruct((B, D), jnp.float32),
        mesh=mesh,
        scratch_types=[
            pltpu.VMEM((A,), jnp.int32),
            pltpu.VMEM((A,), jnp.int32),
            pltpu.VMEM((A,), jnp.int32),
            pltpu.VMEM((A,), jnp.int32),
            pltpu.VMEM((A, D), jnp.float32),
            pltpu.VMEM((A, D), jnp.float32),
            pltpu.VMEM((rpw, D), jnp.float32),
            pltpu.SemaphoreType.DMA,
            pltpu.SemaphoreType.DMA,
            pltpu.SemaphoreType.DMA,
            pltpu.SemaphoreType.DMA,
            pltpu.SemaphoreType.DMA,
            pltpu.SemaphoreType.DMA,
        ],
    )
    def bag(idx_hbm, table_hbm, out_hbm, ib0, ib1, ib2, ib3, rows0, rows1,
            acc_v, si0, si1, si2, si3, sg0, sg1):
        wid = lax.axis_index("s") * _NC + lax.axis_index("c")
        base = wid * rpw

        def aidx(r, ib, si):
            pltpu.async_copy(idx_hbm.at[base + r], ib, si)

        def widx(ib, si):
            pltpu.make_async_copy(idx_hbm.at[base], ib, si).wait()

        def gat(ib, buf, sg):
            pltpu.async_copy(table_hbm.at[ib], buf, sg)

        def wgat(buf, sg):
            pltpu.make_async_copy(table_hbm.at[ib0], buf, sg).wait()

        def accumulate(r, buf):
            def body(i, accs):
                out = []
                for t in range(nvec):
                    sl = pl.ds(t * _L, _L)
                    out.append(accs[t] + (buf[2 * i, sl] + buf[2 * i + 1, sl]))
                return tuple(out)

            accs = lax.fori_loop(
                0, A // 2, body,
                tuple(jnp.zeros((_L,), jnp.float32) for _ in range(nvec)),
            )
            for j in range(A // 2 * 2, A):
                accs = tuple(
                    accs[t] + buf[j, pl.ds(t * _L, _L)] for t in range(nvec)
                )
            for t in range(nvec):
                acc_v[r, pl.ds(t * _L, _L)] = accs[t]

        def super_iter(r, tail):
            wgat(rows0, sg0)
            if not tail:
                aidx(r + 4, ib0, si0)
            accumulate(r, rows0)
            widx(ib2, si2)
            gat(ib2, rows0, sg0)
            wgat(rows1, sg1)
            if not tail:
                aidx(r + 5, ib1, si1)
            accumulate(r + 1, rows1)
            widx(ib3, si3)
            gat(ib3, rows1, sg1)
            wgat(rows0, sg0)
            if not tail:
                aidx(r + 6, ib2, si2)
            accumulate(r + 2, rows0)
            if not tail:
                widx(ib0, si0)
                gat(ib0, rows0, sg0)
            wgat(rows1, sg1)
            if not tail:
                aidx(r + 7, ib3, si3)
            accumulate(r + 3, rows1)
            if not tail:
                widx(ib1, si1)
                gat(ib1, rows1, sg1)

        aidx(0, ib0, si0)
        aidx(1, ib1, si1)
        aidx(2, ib2, si2)
        aidx(3, ib3, si3)
        widx(ib0, si0)
        gat(ib0, rows0, sg0)
        widx(ib1, si1)
        gat(ib1, rows1, sg1)

        @pl.loop(0, rpw - 4, step=4)
        def _(r):
            super_iter(r, False)

        super_iter(rpw - 4, True)
        pltpu.sync_copy(acc_v, out_hbm.at[pl.ds(base, rpw)])

    return bag(indices, table)


def _mlp_tc(sums, b_enc, W1, b1, W2, b2, W3, b3):
    B = sums.shape[0]

    def body(x_ref, be_ref, w1_ref, b1_ref, w2_ref, b2_ref, w3_ref, b3_ref,
             o_ref):
        pr = jax.lax.Precision.DEFAULT
        c1 = jnp.clip(x_ref[...] + be_ref[...], 0.0, 1.0)
        c2 = jnp.clip(jnp.dot(c1, w1_ref[...], precision=pr) + b1_ref[...],
                      0.0, 1.0)
        c3 = jnp.clip(jnp.dot(c2, w2_ref[...], precision=pr) + b2_ref[...],
                      0.0, 1.0)
        l4 = jnp.dot(c3, w3_ref[...], precision=pr) + b3_ref[...]
        lane = lax.broadcasted_iota(jnp.int32, l4.shape, 1)
        o_ref[...] = jnp.where(lane == 0,
                               1000.0 * jnp.minimum(l4, 0.0),
                               jnp.maximum(l4, 0.0))

    return pl.pallas_call(
        body,
        out_shape=jax.ShapeDtypeStruct((B, 2), jnp.float32),
    )(sums, b_enc.reshape(1, -1), W1, b1.reshape(1, -1),
      W2, b2.reshape(1, -1), W3, b3.reshape(1, -1))


def kernel(indices, W_enc, b_enc, W1, b1, W2, b2, W3, b3):
    sums = _embedding_bag_sc(indices, W_enc)
    return _mlp_tc(sums, b_enc, W1, b1, W2, b2, W3, b3)

# --- scband reference (transcript-rebuilt; emitter-appended) ---
"""Pipeline reference for scband-nnue-70970039599408 (READ-ONLY COPY).

The authoritative reference and input builder live on the scoring server;
editing this copy changes nothing except your own understanding.
"""

import jax, jax.numpy as jnp
import numpy as np

VOCAB = 1253446
BATCH = 1024
N_ACTIVE = 350


def setup_inputs(seed: int = 0) -> dict:
    key = jax.random.key(seed)
    ks = jax.random.split(key, 9)
    indices = jax.random.randint(ks[0], (BATCH, N_ACTIVE), 0, VOCAB, dtype=jnp.int64 if jax.config.jax_enable_x64 else jnp.int32).astype(jnp.int32)
    W_enc = jax.random.normal(ks[1], (VOCAB, 128), dtype=jnp.float32) * 0.02
    b_enc = jnp.zeros((128,), dtype=jnp.float32)
    W1 = jax.random.normal(ks[2], (128, 64), dtype=jnp.float32) * (1.0 / np.sqrt(128.0))
    b1 = jnp.zeros((64,), dtype=jnp.float32)
    W2 = jax.random.normal(ks[3], (64, 32), dtype=jnp.float32) * (1.0 / np.sqrt(64.0))
    b2 = jnp.zeros((32,), dtype=jnp.float32)
    W3 = jax.random.normal(ks[4], (32, 2), dtype=jnp.float32) * (1.0 / np.sqrt(32.0))
    b3 = jnp.zeros((2,), dtype=jnp.float32)
    return {"indices": indices, "W_enc": W_enc, "b_enc": b_enc, "W1": W1, "b1": b1, "W2": W2, "b2": b2, "W3": W3, "b3": b3}


def reference(indices, W_enc, b_enc, W1, b1, W2, b2, W3, b3):
    # NNUE: sparse binary features (values all 1) hit a Linear(VOCAB, 128).
    # Equivalent to gathering rows of the weight matrix at the active indices
    # and summing, plus bias. This is the SparseCore-friendly embedding form.
    emb = jnp.take(W_enc, indices, axis=0)          # [B, A, 128] gather
    layer1 = jnp.sum(emb, axis=1) + b_enc           # [B, 128]
    c1 = jnp.clip(layer1, 0.0, 1.0)
    layer2 = c1 @ W1 + b1
    c2 = jnp.clip(layer2, 0.0, 1.0)
    layer3 = c2 @ W2 + b2
    c3 = jnp.clip(layer3, 0.0, 1.0)
    layer4 = c3 @ W3 + b3                           # [B, 2]
    out0 = 1000.0 * jnp.minimum(layer4[:, 0], 0.0)  # clamp(max=0) * 1000
    out1 = jnp.maximum(layer4[:, 1], 0.0)           # clamp(min=0)
    return jnp.stack([out0, out1], axis=1)

if __name__ == "__main__":
    import jax
    _d = setup_inputs()
    print(jax.jit(kernel)(*tuple(_d.values())))

</pallas_src>

<mosaic_0001>
#map = affine_map<(d0, d1) -> (0, 0)>
module attributes {stable_mosaic.version = 14 : i64} {
  func.func @bag(%arg0: i32, %arg1: i32, %arg2: memref<1024x350xi32, #tpu.memory_space<hbm>>, %arg3: memref<1253446x128xf32, #tpu.memory_space<hbm>>, %arg4: memref<1024x128xf32, #tpu.memory_space<hbm>>, %arg5: memref<350xi32, #tpu.memory_space<vmem>>, %arg6: memref<350xi32, #tpu.memory_space<vmem>>, %arg7: memref<350xi32, #tpu.memory_space<vmem>>, %arg8: memref<350xi32, #tpu.memory_space<vmem>>, %arg9: memref<350x128xf32, #tpu.memory_space<vmem>>, %arg10: memref<350x128xf32, #tpu.memory_space<vmem>>, %arg11: memref<32x128xf32, #tpu.memory_space<vmem>>, %arg12: memref<!tpu.dma_semaphore, #tpu.memory_space<semaphore_mem>>, %arg13: memref<!tpu.dma_semaphore, #tpu.memory_space<semaphore_mem>>, %arg14: memref<!tpu.dma_semaphore, #tpu.memory_space<semaphore_mem>>, %arg15: memref<!tpu.dma_semaphore, #tpu.memory_space<semaphore_mem>>, %arg16: memref<!tpu.dma_semaphore, #tpu.memory_space<semaphore_mem>>, %arg17: memref<!tpu.dma_semaphore, #tpu.memory_space<semaphore_mem>>) attributes {dimension_semantics = [#tpu.dimension_semantics<core_parallel>, #tpu.dimension_semantics<subcore_parallel>], iteration_bounds = array<i64: 2, 16>, scalar_prefetch = 0 : i64, scratch_operands = 13 : i64, tpu.core_type = #tpu.core_type<sc_vector_subcore>, window_params = [{transform_indices = #map}, {transform_indices = #map}, {transform_indices = #map}]} {
    %mul3A = arith.constant 2 : i32
    %mul3A_0 = arith.muli %arg1, %mul3A : i32
    %add3A = arith.addi %mul3A_0, %arg0 : i32
    %mul3A_1 = arith.constant 32 : i32
    %mul3A_2 = arith.muli %add3A, %mul3A_1 : i32
    %add3A_3 = arith.constant 0 : i32
    %add3A_4 = arith.addi %mul3A_2, %add3A_3 : i32
    %dma_start3A = arith.constant 0 : i32
    %dma_start3A_5 = tpu.memref_slice %arg2[%add3A_4, %dma_start3A] : memref<1024x350xi32, #tpu.memory_space<hbm>> -> memref<1x350xi32, #tpu.memory_space<hbm>>
    %dma_start3A_6 = tpu.memref_squeeze %dma_start3A_5 : memref<1x350xi32, #tpu.memory_space<hbm>> -> memref<350xi32, #tpu.memory_space<hbm>>
    %dma_start3A_7 = arith.constant 0 : i32
    %dma_start3A_8 = tpu.memref_slice %arg2[%add3A_4, %dma_start3A_7] : memref<1024x350xi32, #tpu.memory_space<hbm>> -> memref<1x350xi32, #tpu.memory_space<hbm>>
    %dma_start3A_9 = tpu.memref_squeeze %dma_start3A_8 : memref<1x350xi32, #tpu.memory_space<hbm>> -> memref<350xi32, #tpu.memory_space<hbm>>
    tpu.enqueue_dma source(%dma_start3A_9 : memref<350xi32, #tpu.memory_space<hbm>>) target(%arg5 : memref<350xi32, #tpu.memory_space<vmem>>) target_semaphore(%arg12 : memref<!tpu.dma_semaphore, #tpu.memory_space<semaphore_mem>>)
    %add3A_10 = arith.constant 1 : i32
    %add3A_11 = arith.addi %mul3A_2, %add3A_10 : i32
    %dma_start3A_12 = arith.constant 0 : i32
    %dma_start3A_13 = tpu.memref_slice %arg2[%add3A_11, %dma_start3A_12] : memref<1024x350xi32, #tpu.memory_space<hbm>> -> memref<1x350xi32, #tpu.memory_space<hbm>>
    %dma_start3A_14 = tpu.memref_squeeze %dma_start3A_13 : memref<1x350xi32, #tpu.memory_space<hbm>> -> memref<350xi32, #tpu.memory_space<hbm>>
    %dma_start3A_15 = arith.constant 0 : i32
    %dma_start3A_16 = tpu.memref_slice %arg2[%add3A_11, %dma_start3A_15] : memref<1024x350xi32, #tpu.memory_space<hbm>> -> memref<1x350xi32, #tpu.memory_space<hbm>>
    %dma_start3A_17 = tpu.memref_squeeze %dma_start3A_16 : memref<1x350xi32, #tpu.memory_space<hbm>> -> memref<350xi32, #tpu.memory_space<hbm>>
    tpu.enqueue_dma source(%dma_start3A_17 : memref<350xi32, #tpu.memory_space<hbm>>) target(%arg6 : memref<350xi32, #tpu.memory_space<vmem>>) target_semaphore(%arg13 : memref<!tpu.dma_semaphore, #tpu.memory_space<semaphore_mem>>)
    %add3A_18 = arith.constant 2 : i32
    %add3A_19 = arith.addi %mul3A_2, %add3A_18 : i32
    %dma_start3A_20 = arith.constant 0 : i32
    %dma_start3A_21 = tpu.memref_slice %arg2[%add3A_19, %dma_start3A_20] : memref<1024x350xi32, #tpu.memory_space<hbm>> -> memref<1x350xi32, #tpu.memory_space<hbm>>
    %dma_start3A_22 = tpu.memref_squeeze %dma_start3A_21 : memref<1x350xi32, #tpu.memory_space<hbm>> -> memref<350xi32, #tpu.memory_space<hbm>>
    %dma_start3A_23 = arith.constant 0 : i32
    %dma_start3A_24 = tpu.memref_slice %arg2[%add3A_19, %dma_start3A_23] : memref<1024x350xi32, #tpu.memory_space<hbm>> -> memref<1x350xi32, #tpu.memory_space<hbm>>
    %dma_start3A_25 = tpu.memref_squeeze %dma_start3A_24 : memref<1x350xi32, #tpu.memory_space<hbm>> -> memref<350xi32, #tpu.memory_space<hbm>>
    tpu.enqueue_dma source(%dma_start3A_25 : memref<350xi32, #tpu.memory_space<hbm>>) target(%arg7 : memref<350xi32, #tpu.memory_space<vmem>>) target_semaphore(%arg14 : memref<!tpu.dma_semaphore, #tpu.memory_space<semaphore_mem>>)
    %add3A_26 = arith.constant 3 : i32
    %add3A_27 = arith.addi %mul3A_2, %add3A_26 : i32
    %dma_start3A_28 = arith.constant 0 : i32
    %dma_start3A_29 = tpu.memref_slice %arg2[%add3A_27, %dma_start3A_28] : memref<1024x350xi32, #tpu.memory_space<hbm>> -> memref<1x350xi32, #tpu.memory_space<hbm>>
    %dma_start3A_30 = tpu.memref_squeeze %dma_start3A_29 : memref<1x350xi32, #tpu.memory_space<hbm>> -> memref<350xi32, #tpu.memory_space<hbm>>
    %dma_start3A_31 = arith.constant 0 : i32
    %dma_start3A_32 = tpu.memref_slice %arg2[%add3A_27, %dma_start3A_31] : memref<1024x350xi32, #tpu.memory_space<hbm>> -> memref<1x350xi32, #tpu.memory_space<hbm>>
    %dma_start3A_33 = tpu.memref_squeeze %dma_start3A_32 : memref<1x350xi32, #tpu.memory_space<hbm>> -> memref<350xi32, #tpu.memory_space<hbm>>
    tpu.enqueue_dma source(%dma_start3A_33 : memref<350xi32, #tpu.memory_space<hbm>>) target(%arg8 : memref<350xi32, #tpu.memory_space<vmem>>) target_semaphore(%arg15 : memref<!tpu.dma_semaphore, #tpu.memory_space<semaphore_mem>>)
    %dma_wait3A = arith.constant 0 : i32
    %dma_wait3A_34 = tpu.memref_slice %arg2[%mul3A_2, %dma_wait3A] : memref<1024x350xi32, #tpu.memory_space<hbm>> -> memref<1x350xi32, #tpu.memory_space<hbm>>
    %dma_wait3A_35 = tpu.memref_squeeze %dma_wait3A_34 : memref<1x350xi32, #tpu.memory_space<hbm>> -> memref<350xi32, #tpu.memory_space<hbm>>
    %dma_wait3A_36 = arith.constant 0 : i32
    %dma_wait3A_37 = tpu.memref_slice %arg2[%mul3A_2, %dma_wait3A_36] : memref<1024x350xi32, #tpu.memory_space<hbm>> -> memref<1x350xi32, #tpu.memory_space<hbm>>
    %dma_wait3A_38 = tpu.memref_squeeze %dma_wait3A_37 : memref<1x350xi32, #tpu.memory_space<hbm>> -> memref<350xi32, #tpu.memory_space<hbm>>
    tpu.wait_dma2 semaphore(%arg12 : memref<!tpu.dma_semaphore, #tpu.memory_space<semaphore_mem>>) src(%dma_wait3A_38 : memref<350xi32, #tpu.memory_space<hbm>>) dst(%arg5 : memref<350xi32, #tpu.memory_space<vmem>>)
    %dma_start3A_39 = arith.constant 0 : i32
    %dma_start3A_40 = arith.constant 0 : i32
    %dma_start3A_41 = tpu.memref_slice %arg3[%dma_start3A_39, %dma_start3A_40] : memref<1253446x128xf32, #tpu.memory_space<hbm>> -> memref<1253446x128xf32, #tpu.memory_space<hbm>>
    tpu.enqueue_indirect_dma source(%dma_start3A_41 : memref<1253446x128xf32, #tpu.memory_space<hbm>>) target(%arg9 : memref<350x128xf32, #tpu.memory_space<vmem>>) offsets(%arg5 : memref<350xi32, #tpu.memory_space<vmem>>) semaphore(%arg16 : memref<!tpu.dma_semaphore, #tpu.memory_space<semaphore_mem>>)
    %dma_wait3A_42 = arith.constant 0 : i32
    %dma_wait3A_43 = tpu.memref_slice %arg2[%mul3A_2, %dma_wait3A_42] : memref<1024x350xi32, #tpu.memory_space<hbm>> -> memref<1x350xi32, #tpu.memory_space<hbm>>
    %dma_wait3A_44 = tpu.memref_squeeze %dma_wait3A_43 : memref<1x350xi32, #tpu.memory_space<hbm>> -> memref<350xi32, #tpu.memory_space<hbm>>
    %dma_wait3A_45 = arith.constant 0 : i32
    %dma_wait3A_46 = tpu.memref_slice %arg2[%mul3A_2, %dma_wait3A_45] : memref<1024x350xi32, #tpu.memory_space<hbm>> -> memref<1x350xi32, #tpu.memory_space<hbm>>
    %dma_wait3A_47 = tpu.memref_squeeze %dma_wait3A_46 : memref<1x350xi32, #tpu.memory_space<hbm>> -> memref<350xi32, #tpu.memory_space<hbm>>
    tpu.wait_dma2 semaphore(%arg13 : memref<!tpu.dma_semaphore, #tpu.memory_space<semaphore_mem>>) src(%dma_wait3A_47 : memref<350xi32, #tpu.memory_space<hbm>>) dst(%arg6 : memref<350xi32, #tpu.memory_space<vmem>>)
    %dma_start3A_48 = arith.constant 0 : i32
    %dma_start3A_49 = arith.constant 0 : i32
    %dma_start3A_50 = tpu.memref_slice %arg3[%dma_start3A_48, %dma_start3A_49] : memref<1253446x128xf32, #tpu.memory_space<hbm>> -> memref<1253446x128xf32, #tpu.memory_space<hbm>>
    tpu.enqueue_indirect_dma source(%dma_start3A_50 : memref<1253446x128xf32, #tpu.memory_space<hbm>>) target(%arg10 : memref<350x128xf32, #tpu.memory_space<vmem>>) offsets(%arg6 : memref<350xi32, #tpu.memory_space<vmem>>) semaphore(%arg17 : memref<!tpu.dma_semaphore, #tpu.memory_space<semaphore_mem>>)
    %scan3A = arith.constant 0 : i32
    %scan3A_51 = arith.constant 7 : i32
    %scan3A_52 = arith.addi %scan3A, %scan3A_51 : i32
    %scan3A_53 = arith.constant 1 : i32
    scf.for %scan3A_363 = %scan3A to %scan3A_52 step %scan3A_53  : i32 {
      %mul3A_364 = arith.constant 4 : i32
      %mul3A_365 = arith.muli %scan3A_363, %mul3A_364 : i32
      %add3A_366 = arith.constant 0 : i32
      %add3A_367 = arith.addi %add3A_366, %mul3A_365 : i32
      %dma_wait3A_368 = arith.constant 0 : i32
      %dma_wait3A_369 = arith.constant 0 : i32
      %dma_wait3A_370 = tpu.memref_slice %arg3[%dma_wait3A_368, %dma_wait3A_369] : memref<1253446x128xf32, #tpu.memory_space<hbm>> -> memref<1253446x128xf32, #tpu.memory_space<hbm>>
      tpu.wait_indirect_dma semaphore(%arg16 : memref<!tpu.dma_semaphore, #tpu.memory_space<semaphore_mem>>) src(%dma_wait3A_370 : memref<1253446x128xf32, #tpu.memory_space<hbm>>) dst(%arg9 : memref<350x128xf32, #tpu.memory_space<vmem>>)
      %add3A_371 = arith.constant 4 : i32
      %add3A_372 = arith.addi %add3A_367, %add3A_371 : i32
      %add3A_373 = arith.addi %mul3A_2, %add3A_372 : i32
      %dma_start3A_374 = arith.constant 0 : i32
      %dma_start3A_375 = tpu.memref_slice %arg2[%add3A_373, %dma_start3A_374] : memref<1024x350xi32, #tpu.memory_space<hbm>> -> memref<1x350xi32, #tpu.memory_space<hbm>>
      %dma_start3A_376 = tpu.memref_squeeze %dma_start3A_375 : memref<1x350xi32, #tpu.memory_space<hbm>> -> memref<350xi32, #tpu.memory_space<hbm>>
      %dma_start3A_377 = arith.constant 0 : i32
      %dma_start3A_378 = tpu.memref_slice %arg2[%add3A_373, %dma_start3A_377] : memref<1024x350xi32, #tpu.memory_space<hbm>> -> memref<1x350xi32, #tpu.memory_space<hbm>>
      %dma_start3A_379 = tpu.memref_squeeze %dma_start3A_378 : memref<1x350xi32, #tpu.memory_space<hbm>> -> memref<350xi32, #tpu.memory_space<hbm>>
      tpu.enqueue_dma source(%dma_start3A_379 : memref<350xi32, #tpu.memory_space<hbm>>) target(%arg5 : memref<350xi32, #tpu.memory_space<vmem>>) target_semaphore(%arg12 : memref<!tpu.dma_semaphore, #tpu.memory_space<semaphore_mem>>)
      %broadcast_in_dim3A_380 = arith.constant 0.000000e+00 : f32
      %broadcast_in_dim3A_381 = vector.broadcast %broadcast_in_dim3A_380 : f32 to vector<16xf32>
      %broadcast_in_dim3A_382 = arith.constant 0.000000e+00 : f32
      %broadcast_in_dim3A_383 = vector.broadcast %broadcast_in_dim3A_382 : f32 to vector<16xf32>
      %broadcast_in_dim3A_384 = arith.constant 0.000000e+00 : f32
      %broadcast_in_dim3A_385 = vector.broadcast %broadcast_in_dim3A_384 : f32 to vector<16xf32>
      %broadcast_in_dim3A_386 = arith.constant 0.000000e+00 : f32
      %broadcast_in_dim3A_387 = vector.broadcast %broadcast_in_dim3A_386 : f32 to vector<16xf32>
      %broadcast_in_dim3A_388 = arith.constant 0.000000e+00 : f32
      %broadcast_in_dim3A_389 = vector.broadcast %broadcast_in_dim3A_388 : f32 to vector<16xf32>
      %broadcast_in_dim3A_390 = arith.constant 0.000000e+00 : f32
      %broadcast_in_dim3A_391 = vector.broadcast %broadcast_in_dim3A_390 : f32 to vector<16xf32>
      %broadcast_in_dim3A_392 = arith.constant 0.000000e+00 : f32
      %broadcast_in_dim3A_393 = vector.broadcast %broadcast_in_dim3A_392 : f32 to vector<16xf32>
      %broadcast_in_dim3A_394 = arith.constant 0.000000e+00 : f32
      %broadcast_in_dim3A_395 = vector.broadcast %broadcast_in_dim3A_394 : f32 to vector<16xf32>
      %scan3A_396 = arith.constant 0 : i32
      %scan3A_397 = arith.constant 175 : i32
      %scan3A_398 = arith.addi %scan3A_396, %scan3A_397 : i32
      %scan3A_399 = arith.constant 1 : i32
      %scan3A_400:8 = scf.for %scan3A_706 = %scan3A_396 to %scan3A_398 step %scan3A_399 iter_args(%scan3A_707 = %broadcast_in_dim3A_381, %scan3A_708 = %broadcast_in_dim3A_383, %scan3A_709 = %broadcast_in_dim3A_385, %scan3A_710 = %broadcast_in_dim3A_387, %scan3A_711 = %broadcast_in_dim3A_389, %scan3A_712 = %broadcast_in_dim3A_391, %scan3A_713 = %broadcast_in_dim3A_393, %scan3A_714 = %broadcast_in_dim3A_395) -> (vector<16xf32>, vector<16xf32>, vector<16xf32>, vector<16xf32>, vector<16xf32>, vector<16xf32>, vector<16xf32>, vector<16xf32>)  : i32 {
        %mul3A_715 = arith.constant 2 : i32
        %mul3A_716 = arith.muli %mul3A_715, %scan3A_706 : i32
        %get3A = arith.index_cast %mul3A_716 : i32 to index
        %get3A_717 = arith.constant 0 : index
        %get3A_718 = tpu.vector_load %arg9[%get3A, %get3A_717] {strides = array<i32>} : memref<350x128xf32, #tpu.memory_space<vmem>>, vector<1x16xf32>,
        %get3A_719 = vector.shape_cast %get3A_718 : vector<1x16xf32> to vector<16xf32>
        %mul3A_720 = arith.constant 2 : i32
        %mul3A_721 = arith.muli %mul3A_720, %scan3A_706 : i32
        %add3A_722 = arith.constant 1 : i32
        %add3A_723 = arith.addi %mul3A_721, %add3A_722 : i32
        %get3A_724 = arith.index_cast %add3A_723 : i32 to index
        %get3A_725 = arith.constant 0 : index
        %get3A_726 = tpu.vector_load %arg9[%get3A_724, %get3A_725] {strides = array<i32>} : memref<350x128xf32, #tpu.memory_space<vmem>>, vector<1x16xf32>,
        %get3A_727 = vector.shape_cast %get3A_726 : vector<1x16xf32> to vector<16xf32>
        %add3A_728 = arith.addf %get3A_719, %get3A_727 : vector<16xf32>
        %add3A_729 = arith.addf %scan3A_707, %add3A_728 : vector<16xf32>
        %mul3A_730 = arith.constant 2 : i32
        %mul3A_731 = arith.muli %mul3A_730, %scan3A_706 : i32
        %get3A_732 = arith.index_cast %mul3A_731 : i32 to index
        %get3A_733 = arith.constant 16 : index
        %get3A_734 = tpu.vector_load %arg9[%get3A_732, %get3A_733] {strides = array<i32>} : memref<350x128xf32, #tpu.memory_space<vmem>>, vector<1x16xf32>,
        %get3A_735 = vector.shape_cast %get3A_734 : vector<1x16xf32> to vector<16xf32>
        %mul3A_736 = arith.constant 2 : i32
        %mul3A_737 = arith.muli %mul3A_736, %scan3A_706 : i32
        %add3A_738 = arith.constant 1 : i32
        %add3A_739 = arith.addi %mul3A_737, %add3A_738 : i32
        %get3A_740 = arith.index_cast %add3A_739 : i32 to index
        %get3A_741 = arith.constant 16 : index
        %get3A_742 = tpu.vector_load %arg9[%get3A_740, %get3A_741] {strides = array<i32>} : memref<350x128xf32, #tpu.memory_space<vmem>>, vector<1x16xf32>,
        %get3A_743 = vector.shape_cast %get3A_742 : vector<1x16xf32> to vector<16xf32>
        %add3A_744 = arith.addf %get3A_735, %get3A_743 : vector<16xf32>
        %add3A_745 = arith.addf %scan3A_708, %add3A_744 : vector<16xf32>
        %mul3A_746 = arith.constant 2 : i32
        %mul3A_747 = arith.muli %mul3A_746, %scan3A_706 : i32
        %get3A_748 = arith.index_cast %mul3A_747 : i32 to index
        %get3A_749 = arith.constant 32 : index
        %get3A_750 = tpu.vector_load %arg9[%get3A_748, %get3A_749] {strides = array<i32>} : memref<350x128xf32, #tpu.memory_space<vmem>>, vector<1x16xf32>,
        %get3A_751 = vector.shape_cast %get3A_750 : vector<1x16xf32> to vector<16xf32>
        %mul3A_752 = arith.constant 2 : i32
        %mul3A_753 = arith.muli %mul3A_752, %scan3A_706 : i32
        %add3A_754 = arith.constant 1 : i32
        %add3A_755 = arith.addi %mul3A_753, %add3A_754 : i32
        %get3A_756 = arith.index_cast %add3A_755 : i32 to index
        %get3A_757 = arith.constant 32 : index
        %get3A_758 = tpu.vector_load %arg9[%get3A_756, %get3A_757] {strides = array<i32>} : memref<350x128xf32, #tpu.memory_space<vmem>>, vector<1x16xf32>,
        %get3A_759 = vector.shape_cast %get3A_758 : vector<1x16xf32> to vector<16xf32>
        %add3A_760 = arith.addf %get3A_751, %get3A_759 : vector<16xf32>
        %add3A_761 = arith.addf %scan3A_709, %add3A_760 : vector<16xf32>
        %mul3A_762 = arith.constant 2 : i32
        %mul3A_763 = arith.muli %mul3A_762, %scan3A_706 : i32
        %get3A_764 = arith.index_cast %mul3A_763 : i32 to index
        %get3A_765 = arith.constant 48 : index
        %get3A_766 = tpu.vector_load %arg9[%get3A_764, %get3A_765] {strides = array<i32>} : memref<350x128xf32, #tpu.memory_space<vmem>>, vector<1x16xf32>,
        %get3A_767 = vector.shape_cast %get3A_766 : vector<1x16xf32> to vector<16xf32>
        %mul3A_768 = arith.constant 2 : i32
        %mul3A_769 = arith.muli %mul3A_768, %scan3A_706 : i32
        %add3A_770 = arith.constant 1 : i32
        %add3A_771 = arith.addi %mul3A_769, %add3A_770 : i32
        %get3A_772 = arith.index_cast %add3A_771 : i32 to index
        %get3A_773 = arith.constant 48 : index
        %get3A_774 = tpu.vector_load %arg9[%get3A_772, %get3A_773] {strides = array<i32>} : memref<350x128xf32, #tpu.memory_space<vmem>>, vector<1x16xf32>,
        %get3A_775 = vector.shape_cast %get3A_774 : vector<1x16xf32> to vector<16xf32>
        %add3A_776 = arith.addf %get3A_767, %get3A_775 : vector<16xf32>
        %add3A_777 = arith.addf %scan3A_710, %add3A_776 : vector<16xf32>
        %mul3A_778 = arith.constant 2 : i32
        %mul3A_779 = arith.muli %mul3A_778, %scan3A_706 : i32
        %get3A_780 = arith.index_cast %mul3A_779 : i32 to index
        %get3A_781 = arith.constant 64 : index
        %get3A_782 = tpu.vector_load %arg9[%get3A_780, %get3A_781] {strides = array<i32>} : memref<350x128xf32, #tpu.memory_space<vmem>>, vector<1x16xf32>,
        %get3A_783 = vector.shape_cast %get3A_782 : vector<1x16xf32> to vector<16xf32>
        %mul3A_784 = arith.constant 2 : i32
        %mul3A_785 = arith.muli %mul3A_784, %scan3A_706 : i32
        %add3A_786 = arith.constant 1 : i32
        %add3A_787 = arith.addi %mul3A_785, %add3A_786 : i32
        %get3A_788 = arith.index_cast %add3A_787 : i32 to index
        %get3A_789 = arith.constant 64 : index
        %get3A_790 = tpu.vector_load %arg9[%get3A_788, %get3A_789] {strides = array<i32>} : memref<350x128xf32, #tpu.memory_space<vmem>>, vector<1x16xf32>,
        %get3A_791 = vector.shape_cast %get3A_790 : vector<1x16xf32> to vector<16xf32>
        %add3A_792 = arith.addf %get3A_783, %get3A_791 : vector<16xf32>
        %add3A_793 = arith.addf %scan3A_711, %add3A_792 : vector<16xf32>
        %mul3A_794 = arith.constant 2 : i32
        %mul3A_795 = arith.muli %mul3A_794, %scan3A_706 : i32
        %get3A_796 = arith.index_cast %mul3A_795 : i32 to index
        %get3A_797 = arith.constant 80 : index
        %get3A_798 = tpu.vector_load %arg9[%get3A_796, %get3A_797] {strides = array<i32>} : memref<350x128xf32, #tpu.memory_space<vmem>>, vector<1x16xf32>,
        %get3A_799 = vector.shape_cast %get3A_798 : vector<1x16xf32> to vector<16xf32>
        %mul3A_800 = arith.constant 2 : i32
        %mul3A_801 = arith.muli %mul3A_800, %scan3A_706 : i32
        %add3A_802 = arith.constant 1 : i32
        %add3A_803 = arith.addi %mul3A_801, %add3A_802 : i32
        %get3A_804 = arith.index_cast %add3A_803 : i32 to index
        %get3A_805 = arith.constant 80 : index
        %get3A_806 = tpu.vector_load %arg9[%get3A_804, %get3A_805] {strides = array<i32>} : memref<350x128xf32, #tpu.memory_space<vmem>>, vector<1x16xf32>,
        %get3A_807 = vector.shape_cast %get3A_806 : vector<1x16xf32> to vector<16xf32>
        %add3A_808 = arith.addf %get3A_799, %get3A_807 : vector<16xf32>
        %add3A_809 = arith.addf %scan3A_712, %add3A_808 : vector<16xf32>
        %mul3A_810 = arith.constant 2 : i32
        %mul3A_811 = arith.muli %mul3A_810, %scan3A_706 : i32
        %get3A_812 = arith.index_cast %mul3A_811 : i32 to index
        %get3A_813 = arith.constant 96 : index
        %get3A_814 = tpu.vector_load %arg9[%get3A_812, %get3A_813] {strides = array<i32>} : memref<350x128xf32, #tpu.memory_space<vmem>>, vector<1x16xf32>,
        %get3A_815 = vector.shape_cast %get3A_814 : vector<1x16xf32> to vector<16xf32>
        %mul3A_816 = arith.constant 2 : i32
        %mul3A_817 = arith.muli %mul3A_816, %scan3A_706 : i32
        %add3A_818 = arith.constant 1 : i32
        %add3A_819 = arith.addi %mul3A_817, %add3A_818 : i32
        %get3A_820 = arith.index_cast %add3A_819 : i32 to index
        %get3A_821 = arith.constant 96 : index
        %get3A_822 = tpu.vector_load %arg9[%get3A_820, %get3A_821] {strides = array<i32>} : memref<350x128xf32, #tpu.memory_space<vmem>>, vector<1x16xf32>,
        %get3A_823 = vector.shape_cast %get3A_822 : vector<1x16xf32> to vector<16xf32>
        %add3A_824 = arith.addf %get3A_815, %get3A_823 : vector<16xf32>
        %add3A_825 = arith.addf %scan3A_713, %add3A_824 : vector<16xf32>
        %mul3A_826 = arith.constant 2 : i32
        %mul3A_827 = arith.muli %mul3A_826, %scan3A_706 : i32
        %get3A_828 = arith.index_cast %mul3A_827 : i32 to index
        %get3A_829 = arith.constant 112 : index
        %get3A_830 = tpu.vector_load %arg9[%get3A_828, %get3A_829] {strides = array<i32>} : memref<350x128xf32, #tpu.memory_space<vmem>>, vector<1x16xf32>,
        %get3A_831 = vector.shape_cast %get3A_830 : vector<1x16xf32> to vector<16xf32>
        %mul3A_832 = arith.constant 2 : i32
        %mul3A_833 = arith.muli %mul3A_832, %scan3A_706 : i32
        %add3A_834 = arith.constant 1 : i32
        %add3A_835 = arith.addi %mul3A_833, %add3A_834 : i32
        %get3A_836 = arith.index_cast %add3A_835 : i32 to index
        %get3A_837 = arith.constant 112 : index
        %get3A_838 = tpu.vector_load %arg9[%get3A_836, %get3A_837] {strides = array<i32>} : memref<350x128xf32, #tpu.memory_space<vmem>>, vector<1x16xf32>,
        %get3A_839 = vector.shape_cast %get3A_838 : vector<1x16xf32> to vector<16xf32>
        %add3A_840 = arith.addf %get3A_831, %get3A_839 : vector<16xf32>
        %add3A_841 = arith.addf %scan3A_714, %add3A_840 : vector<16xf32>
        scf.yield %add3A_729, %add3A_745, %add3A_761, %add3A_777, %add3A_793, %add3A_809, %add3A_825, %add3A_841 : vector<16xf32>, vector<16xf32>, vector<16xf32>, vector<16xf32>, vector<16xf32>, vector<16xf32>, vector<16xf32>, vector<16xf32>
      }
      %scan3A_401 = arith.constant 175 : i32
      %swap3A_402 = arith.index_cast %add3A_367 : i32 to index
      %swap3A_403 = arith.constant 0 : index
      %swap3A_404 = tpu.vector_load %arg11[%swap3A_402, %swap3A_403] {strides = array<i32>} : memref<32x128xf32, #tpu.memory_space<vmem>>, vector<1x16xf32>,
      %swap3A_405 = vector.shape_cast %swap3A_404 : vector<1x16xf32> to vector<16xf32>
      %swap3A_406 = vector.shape_cast %scan3A_400#0 : vector<16xf32> to vector<1x16xf32>
      tpu.vector_store %arg11[%swap3A_402, %swap3A_403], %swap3A_406 {strides = array<i32>} : memref<32x128xf32, #tpu.memory_space<vmem>>, vector<1x16xf32>,
      %swap3A_407 = arith.index_cast %add3A_367 : i32 to index
      %swap3A_408 = arith.constant 16 : index
      %swap3A_409 = tpu.vector_load %arg11[%swap3A_407, %swap3A_408] {strides = array<i32>} : memref<32x128xf32, #tpu.memory_space<vmem>>, vector<1x16xf32>,
      %swap3A_410 = vector.shape_cast %swap3A_409 : vector<1x16xf32> to vector<16xf32>
      %swap3A_411 = vector.shape_cast %scan3A_400#1 : vector<16xf32> to vector<1x16xf32>
      tpu.vector_store %arg11[%swap3A_407, %swap3A_408], %swap3A_411 {strides = array<i32>} : memref<32x128xf32, #tpu.memory_space<vmem>>, vector<1x16xf32>,
      %swap3A_412 = arith.index_cast %add3A_367 : i32 to index
      %swap3A_413 = arith.constant 32 : index
      %swap3A_414 = tpu.vector_load %arg11[%swap3A_412, %swap3A_413] {strides = array<i32>} : memref<32x128xf32, #tpu.memory_space<vmem>>, vector<1x16xf32>,
      %swap3A_415 = vector.shape_cast %swap3A_414 : vector<1x16xf32> to vector<16xf32>
      %swap3A_416 = vector.shape_cast %scan3A_400#2 : vector<16xf32> to vector<1x16xf32>
      tpu.vector_store %arg11[%swap3A_412, %swap3A_413], %swap3A_416 {strides = array<i32>} : memref<32x128xf32, #tpu.memory_space<vmem>>, vector<1x16xf32>,
      %swap3A_417 = arith.index_cast %add3A_367 : i32 to index
      %swap3A_418 = arith.constant 48 : index
      %swap3A_419 = tpu.vector_load %arg11[%swap3A_417, %swap3A_418] {strides = array<i32>} : memref<32x128xf32, #tpu.memory_space<vmem>>, vector<1x16xf32>,
      %swap3A_420 = vector.shape_cast %swap3A_419 : vector<1x16xf32> to vector<16xf32>
      %swap3A_421 = vector.shape_cast %scan3A_400#3 : vector<16xf32> to vector<1x16xf32>
      tpu.vector_store %arg11[%swap3A_417, %swap3A_418], %swap3A_421 {strides = array<i32>} : memref<32x128xf32, #tpu.memory_space<vmem>>, vector<1x16xf32>,
      %swap3A_422 = arith.index_cast %add3A_367 : i32 to index
      %swap3A_423 = arith.constant 64 : index
      %swap3A_424 = tpu.vector_load %arg11[%swap3A_422, %swap3A_423] {strides = array<i32>} : memref<32x128xf32, #tpu.memory_space<vmem>>, vector<1x16xf32>,
      %swap3A_425 = vector.shape_cast %swap3A_424 : vector<1x16xf32> to vector<16xf32>
      %swap3A_426 = vector.shape_cast %scan3A_400#4 : vector<16xf32> to vector<1x16xf32>
      tpu.vector_store %arg11[%swap3A_422, %swap3A_423], %swap3A_426 {strides = array<i32>} : memref<32x128xf32, #tpu.memory_space<vmem>>, vector<1x16xf32>,
      %swap3A_427 = arith.index_cast %add3A_367 : i32 to index
      %swap3A_428 = arith.constant 80 : index
      %swap3A_429 = tpu.vector_load %arg11[%swap3A_427, %swap3A_428] {strides = array<i32>} : memref<32x128xf32, #tpu.memory_space<vmem>>, vector<1x16xf32>,
      %swap3A_430 = vector.shape_cast %swap3A_429 : vector<1x16xf32> to vector<16xf32>
      %swap3A_431 = vector.shape_cast %scan3A_400#5 : vector<16xf32> to vector<1x16xf32>
      tpu.vector_store %arg11[%swap3A_427, %swap3A_428], %swap3A_431 {strides = array<i32>} : memref<32x128xf32, #tpu.memory_space<vmem>>, vector<1x16xf32>,
      %swap3A_432 = arith.index_cast %add3A_367 : i32 to index
      %swap3A_433 = arith.constant 96 : index
      %swap3A_434 = tpu.vector_load %arg11[%swap3A_432, %swap3A_433] {strides = array<i32>} : memref<32x128xf32, #tpu.memory_space<vmem>>, vector<1x16xf32>,
      %swap3A_435 = vector.shape_cast %swap3A_434 : vector<1x16xf32> to vector<16xf32>
      %swap3A_436 = vector.shape_cast %scan3A_400#6 : vector<16xf32> to vector<1x16xf32>
      tpu.vector_store %arg11[%swap3A_432, %swap3A_433], %swap3A_436 {strides = array<i32>} : memref<32x128xf32, #tpu.memory_space<vmem>>, vector<1x16xf32>,
      %swap3A_437 = arith.index_cast %add3A_367 : i32 to index
      %swap3A_438 = arith.constant 112 : index
      %swap3A_439 = tpu.vector_load %arg11[%swap3A_437, %swap3A_438] {strides = array<i32>} : memref<32x128xf32, #tpu.memory_space<vmem>>, vector<1x16xf32>,
      %swap3A_440 = vector.shape_cast %swap3A_439 : vector<1x16xf32> to vector<16xf32>
      %swap3A_441 = vector.shape_cast %scan3A_400#7 : vector<16xf32> to vector<1x16xf32>
      tpu.vector_store %arg11[%swap3A_437, %swap3A_438], %swap3A_441 {strides = array<i32>} : memref<32x128xf32, #tpu.memory_space<vmem>>, vector<1x16xf32>,
      %dma_wait3A_442 = arith.constant 0 : i32
      %dma_wait3A_443 = tpu.memref_slice %arg2[%mul3A_2, %dma_wait3A_442] : memref<1024x350xi32, #tpu.memory_space<hbm>> -> memref<1x350xi32, #tpu.memory_space<hbm>>
      %dma_wait3A_444 = tpu.memref_squeeze %dma_wait3A_443 : memref<1x350xi32, #tpu.memory_space<hbm>> -> memref<350xi32, #tpu.memory_space<hbm>>
      %dma_wait3A_445 = arith.constant 0 : i32
      %dma_wait3A_446 = tpu.memref_slice %arg2[%mul3A_2, %dma_wait3A_445] : memref<1024x350xi32, #tpu.memory_space<hbm>> -> memref<1x350xi32, #tpu.memory_space<hbm>>
      %dma_wait3A_447 = tpu.memref_squeeze %dma_wait3A_446 : memref<1x350xi32, #tpu.memory_space<hbm>> -> memref<350xi32, #tpu.memory_space<hbm>>
      tpu.wait_dma2 semaphore(%arg14 : memref<!tpu.dma_semaphore, #tpu.memory_space<semaphore_mem>>) src(%dma_wait3A_447 : memref<350xi32, #tpu.memory_space<hbm>>) dst(%arg7 : memref<350xi32, #tpu.memory_space<vmem>>)
      %dma_start3A_448 = arith.constant 0 : i32
      %dma_start3A_449 = arith.constant 0 : i32
      %dma_start3A_450 = tpu.memref_slice %arg3[%dma_start3A_448, %dma_start3A_449] : memref<1253446x128xf32, #tpu.memory_space<hbm>> -> memref<1253446x128xf32, #tpu.memory_space<hbm>>
      tpu.enqueue_indirect_dma source(%dma_start3A_450 : memref<1253446x128xf32, #tpu.memory_space<hbm>>) target(%arg9 : memref<350x128xf32, #tpu.memory_space<vmem>>) offsets(%arg7 : memref<350xi32, #tpu.memory_space<vmem>>) semaphore(%arg16 : memref<!tpu.dma_semaphore, #tpu.memory_space<semaphore_mem>>)
      %dma_wait3A_451 = arith.constant 0 : i32
      %dma_wait3A_452 = arith.constant 0 : i32
      %dma_wait3A_453 = tpu.memref_slice %arg3[%dma_wait3A_451, %dma_wait3A_452] : memref<1253446x128xf32, #tpu.memory_space<hbm>> -> memref<1253446x128xf32, #tpu.memory_space<hbm>>
      tpu.wait_indirect_dma semaphore(%arg17 : memref<!tpu.dma_semaphore, #tpu.memory_space<semaphore_mem>>) src(%dma_wait3A_453 : memref<1253446x128xf32, #tpu.memory_space<hbm>>) dst(%arg10 : memref<350x128xf32, #tpu.memory_space<vmem>>)
      %add3A_454 = arith.constant 5 : i32
      %add3A_455 = arith.addi %add3A_367, %add3A_454 : i32
      %add3A_456 = arith.addi %mul3A_2, %add3A_455 : i32
      %dma_start3A_457 = arith.constant 0 : i32
      %dma_start3A_458 = tpu.memref_slice %arg2[%add3A_456, %dma_start3A_457] : memref<1024x350xi32, #tpu.memory_space<hbm>> -> memref<1x350xi32, #tpu.memory_space<hbm>>
      %dma_start3A_459 = tpu.memref_squeeze %dma_start3A_458 : memref<1x350xi32, #tpu.memory_space<hbm>> -> memref<350xi32, #tpu.memory_space<hbm>>
      %dma_start3A_460 = arith.constant 0 : i32
      %dma_start3A_461 = tpu.memref_slice %arg2[%add3A_456, %dma_start3A_460] : memref<1024x350xi32, #tpu.memory_space<hbm>> -> memref<1x350xi32, #tpu.memory_space<hbm>>
      %dma_start3A_462 = tpu.memref_squeeze %dma_start3A_461 : memref<1x350xi32, #tpu.memory_space<hbm>> -> memref<350xi32, #tpu.memory_space<hbm>>
      tpu.enqueue_dma source(%dma_start3A_462 : memref<350xi32, #tpu.memory_space<hbm>>) target(%arg6 : memref<350xi32, #tpu.memory_space<vmem>>) target_semaphore(%arg13 : memref<!tpu.dma_semaphore, #tpu.memory_space<semaphore_mem>>)
      %add3A_463 = arith.constant 1 : i32
      %add3A_464 = arith.addi %add3A_367, %add3A_463 : i32
      %broadcast_in_dim3A_465 = arith.constant 0.000000e+00 : f32
      %broadcast_in_dim3A_466 = vector.broadcast %broadcast_in_dim3A_465 : f32 to vector<16xf32>
      %broadcast_in_dim3A_467 = arith.constant 0.000000e+00 : f32
      %broadcast_in_dim3A_468 = vector.broadcast %broadcast_in_dim3A_467 : f32 to vector<16xf32>
      %broadcast_in_dim3A_469 = arith.constant 0.000000e+00 : f32
      %broadcast_in_dim3A_470 = vector.broadcast %broadcast_in_dim3A_469 : f32 to vector<16xf32>
      %broadcast_in_dim3A_471 = arith.constant 0.000000e+00 : f32
      %broadcast_in_dim3A_472 = vector.broadcast %broadcast_in_dim3A_471 : f32 to vector<16xf32>
      %broadcast_in_dim3A_473 = arith.constant 0.000000e+00 : f32
      %broadcast_in_dim3A_474 = vector.broadcast %broadcast_in_dim3A_473 : f32 to vector<16xf32>
      %broadcast_in_dim3A_475 = arith.constant 0.000000e+00 : f32
      %broadcast_in_dim3A_476 = vector.broadcast %broadcast_in_dim3A_475 : f32 to vector<16xf32>
      %broadcast_in_dim3A_477 = arith.constant 0.000000e+00 : f32
      %broadcast_in_dim3A_478 = vector.broadcast %broadcast_in_dim3A_477 : f32 to vector<16xf32>
      %broadcast_in_dim3A_479 = arith.constant 0.000000e+00 : f32
      %broadcast_in_dim3A_480 = vector.broadcast %broadcast_in_dim3A_479 : f32 to vector<16xf32>
      %scan3A_481 = arith.constant 0 : i32
      %scan3A_482 = arith.constant 175 : i32
      %scan3A_483 = arith.addi %scan3A_481, %scan3A_482 : i32
      %scan3A_484 = arith.constant 1 : i32
      %scan3A_485:8 = scf.for %scan3A_706 = %scan3A_481 to %scan3A_483 step %scan3A_484 iter_args(%scan3A_707 = %broadcast_in_dim3A_466, %scan3A_708 = %broadcast_in_dim3A_468, %scan3A_709 = %broadcast_in_dim3A_470, %scan3A_710 = %broadcast_in_dim3A_472, %scan3A_711 = %broadcast_in_dim3A_474, %scan3A_712 = %broadcast_in_dim3A_476, %scan3A_713 = %broadcast_in_dim3A_478, %scan3A_714 = %broadcast_in_dim3A_480) -> (vector<16xf32>, vector<16xf32>, vector<16xf32>, vector<16xf32>, vector<16xf32>, vector<16xf32>, vector<16xf32>, vector<16xf32>)  : i32 {
        %mul3A_715 = arith.constant 2 : i32
        %mul3A_716 = arith.muli %mul3A_715, %scan3A_706 : i32
        %get3A = arith.index_cast %mul3A_716 : i32 to index
        %get3A_717 = arith.constant 0 : index
        %get3A_718 = tpu.vector_load %arg10[%get3A, %get3A_717] {strides = array<i32>} : memref<350x128xf32, #tpu.memory_space<vmem>>, vector<1x16xf32>,
        %get3A_719 = vector.shape_cast %get3A_718 : vector<1x16xf32> to vector<16xf32>
        %mul3A_720 = arith.constant 2 : i32
        %mul3A_721 = arith.muli %mul3A_720, %scan3A_706 : i32
        %add3A_722 = arith.constant 1 : i32
        %add3A_723 = arith.addi %mul3A_721, %add3A_722 : i32
        %get3A_724 = arith.index_cast %add3A_723 : i32 to index
        %get3A_725 = arith.constant 0 : index
        %get3A_726 = tpu.vector_load %arg10[%get3A_724, %get3A_725] {strides = array<i32>} : memref<350x128xf32, #tpu.memory_space<vmem>>, vector<1x16xf32>,
        %get3A_727 = vector.shape_cast %get3A_726 : vector<1x16xf32> to vector<16xf32>
        %add3A_728 = arith.addf %get3A_719, %get3A_727 : vector<16xf32>
        %add3A_729 = arith.addf %scan3A_707, %add3A_728 : vector<16xf32>
        %mul3A_730 = arith.constant 2 : i32
        %mul3A_731 = arith.muli %mul3A_730, %scan3A_706 : i32
        %get3A_732 = arith.index_cast %mul3A_731 : i32 to index
        %get3A_733 = arith.constant 16 : index
        %get3A_734 = tpu.vector_load %arg10[%get3A_732, %get3A_733] {strides = array<i32>} : memref<350x128xf32, #tpu.memory_space<vmem>>, vector<1x16xf32>,
        %get3A_735 = vector.shape_cast %get3A_734 : vector<1x16xf32> to vector<16xf32>
        %mul3A_736 = arith.constant 2 : i32
        %mul3A_737 = arith.muli %mul3A_736, %scan3A_706 : i32
        %add3A_738 = arith.constant 1 : i32
        %add3A_739 = arith.addi %mul3A_737, %add3A_738 : i32
        %get3A_740 = arith.index_cast %add3A_739 : i32 to index
        %get3A_741 = arith.constant 16 : index
        %get3A_742 = tpu.vector_load %arg10[%get3A_740, %get3A_741] {strides = array<i32>} : memref<350x128xf32, #tpu.memory_space<vmem>>, vector<1x16xf32>,
        %get3A_743 = vector.shape_cast %get3A_742 : vector<1x16xf32> to vector<16xf32>
        %add3A_744 = arith.addf %get3A_735, %get3A_743 : vector<16xf32>
        %add3A_745 = arith.addf %scan3A_708, %add3A_744 : vector<16xf32>
        %mul3A_746 = arith.constant 2 : i32
        %mul3A_747 = arith.muli %mul3A_746, %scan3A_706 : i32
        %get3A_748 = arith.index_cast %mul3A_747 : i32 to index
        %get3A_749 = arith.constant 32 : index
        %get3A_750 = tpu.vector_load %arg10[%get3A_748, %get3A_749] {strides = array<i32>} : memref<350x128xf32, #tpu.memory_space<vmem>>, vector<1x16xf32>,
        %get3A_751 = vector.shape_cast %get3A_750 : vector<1x16xf32> to vector<16xf32>
        %mul3A_752 = arith.constant 2 : i32
        %mul3A_753 = arith.muli %mul3A_752, %scan3A_706 : i32
        %add3A_754 = arith.constant 1 : i32
        %add3A_755 = arith.addi %mul3A_753, %add3A_754 : i32
        %get3A_756 = arith.index_cast %add3A_755 : i32 to index
        %get3A_757 = arith.constant 32 : index
        %get3A_758 = tpu.vector_load %arg10[%get3A_756, %get3A_757] {strides = array<i32>} : memref<350x128xf32, #tpu.memory_space<vmem>>, vector<1x16xf32>,
        %get3A_759 = vector.shape_cast %get3A_758 : vector<1x16xf32> to vector<16xf32>
        %add3A_760 = arith.addf %get3A_751, %get3A_759 : vector<16xf32>
        %add3A_761 = arith.addf %scan3A_709, %add3A_760 : vector<16xf32>
        %mul3A_762 = arith.constant 2 : i32
        %mul3A_763 = arith.muli %mul3A_762, %scan3A_706 : i32
        %get3A_764 = arith.index_cast %mul3A_763 : i32 to index
        %get3A_765 = arith.constant 48 : index
        %get3A_766 = tpu.vector_load %arg10[%get3A_764, %get3A_765] {strides = array<i32>} : memref<350x128xf32, #tpu.memory_space<vmem>>, vector<1x16xf32>,
        %get3A_767 = vector.shape_cast %get3A_766 : vector<1x16xf32> to vector<16xf32>
        %mul3A_768 = arith.constant 2 : i32
        %mul3A_769 = arith.muli %mul3A_768, %scan3A_706 : i32
        %add3A_770 = arith.constant 1 : i32
        %add3A_771 = arith.addi %mul3A_769, %add3A_770 : i32
        %get3A_772 = arith.index_cast %add3A_771 : i32 to index
        %get3A_773 = arith.constant 48 : index
        %get3A_774 = tpu.vector_load %arg10[%get3A_772, %get3A_773] {strides = array<i32>} : memref<350x128xf32, #tpu.memory_space<vmem>>, vector<1x16xf32>,
        %get3A_775 = vector.shape_cast %get3A_774 : vector<1x16xf32> to vector<16xf32>
        %add3A_776 = arith.addf %get3A_767, %get3A_775 : vector<16xf32>
        %add3A_777 = arith.addf %scan3A_710, %add3A_776 : vector<16xf32>
        %mul3A_778 = arith.constant 2 : i32
        %mul3A_779 = arith.muli %mul3A_778, %scan3A_706 : i32
        %get3A_780 = arith.index_cast %mul3A_779 : i32 to index
        %get3A_781 = arith.constant 64 : index
        %get3A_782 = tpu.vector_load %arg10[%get3A_780, %get3A_781] {strides = array<i32>} : memref<350x128xf32, #tpu.memory_space<vmem>>, vector<1x16xf32>,
        %get3A_783 = vector.shape_cast %get3A_782 : vector<1x16xf32> to vector<16xf32>
        %mul3A_784 = arith.constant 2 : i32
        %mul3A_785 = arith.muli %mul3A_784, %scan3A_706 : i32
        %add3A_786 = arith.constant 1 : i32
        %add3A_787 = arith.addi %mul3A_785, %add3A_786 : i32
        %get3A_788 = arith.index_cast %add3A_787 : i32 to index
        %get3A_789 = arith.constant 64 : index
        %get3A_790 = tpu.vector_load %arg10[%get3A_788, %get3A_789] {strides = array<i32>} : memref<350x128xf32, #tpu.memory_space<vmem>>, vector<1x16xf32>,
        %get3A_791 = vector.shape_cast %get3A_790 : vector<1x16xf32> to vector<16xf32>
        %add3A_792 = arith.addf %get3A_783, %get3A_791 : vector<16xf32>
        %add3A_793 = arith.addf %scan3A_711, %add3A_792 : vector<16xf32>
        %mul3A_794 = arith.constant 2 : i32
        %mul3A_795 = arith.muli %mul3A_794, %scan3A_706 : i32
        %get3A_796 = arith.index_cast %mul3A_795 : i32 to index
        %get3A_797 = arith.constant 80 : index
        %get3A_798 = tpu.vector_load %arg10[%get3A_796, %get3A_797] {strides = array<i32>} : memref<350x128xf32, #tpu.memory_space<vmem>>, vector<1x16xf32>,
        %get3A_799 = vector.shape_cast %get3A_798 : vector<1x16xf32> to vector<16xf32>
        %mul3A_800 = arith.constant 2 : i32
        %mul3A_801 = arith.muli %mul3A_800, %scan3A_706 : i32
        %add3A_802 = arith.constant 1 : i32
        %add3A_803 = arith.addi %mul3A_801, %add3A_802 : i32
        %get3A_804 = arith.index_cast %add3A_803 : i32 to index
        %get3A_805 = arith.constant 80 : index
        %get3A_806 = tpu.vector_load %arg10[%get3A_804, %get3A_805] {strides = array<i32>} : memref<350x128xf32, #tpu.memory_space<vmem>>, vector<1x16xf32>,
        %get3A_807 = vector.shape_cast %get3A_806 : vector<1x16xf32> to vector<16xf32>
        %add3A_808 = arith.addf %get3A_799, %get3A_807 : vector<16xf32>
        %add3A_809 = arith.addf %scan3A_712, %add3A_808 : vector<16xf32>
        %mul3A_810 = arith.constant 2 : i32
        %mul3A_811 = arith.muli %mul3A_810, %scan3A_706 : i32
        %get3A_812 = arith.index_cast %mul3A_811 : i32 to index
        %get3A_813 = arith.constant 96 : index
        %get3A_814 = tpu.vector_load %arg10[%get3A_812, %get3A_813] {strides = array<i32>} : memref<350x128xf32, #tpu.memory_space<vmem>>, vector<1x16xf32>,
        %get3A_815 = vector.shape_cast %get3A_814 : vector<1x16xf32> to vector<16xf32>
        %mul3A_816 = arith.constant 2 : i32
        %mul3A_817 = arith.muli %mul3A_816, %scan3A_706 : i32
        %add3A_818 = arith.constant 1 : i32
        %add3A_819 = arith.addi %mul3A_817, %add3A_818 : i32
        %get3A_820 = arith.index_cast %add3A_819 : i32 to index
        %get3A_821 = arith.constant 96 : index
        %get3A_822 = tpu.vector_load %arg10[%get3A_820, %get3A_821] {strides = array<i32>} : memref<350x128xf32, #tpu.memory_space<vmem>>, vector<1x16xf32>,
        %get3A_823 = vector.shape_cast %get3A_822 : vector<1x16xf32> to vector<16xf32>
        %add3A_824 = arith.addf %get3A_815, %get3A_823 : vector<16xf32>
        %add3A_825 = arith.addf %scan3A_713, %add3A_824 : vector<16xf32>
        %mul3A_826 = arith.constant 2 : i32
        %mul3A_827 = arith.muli %mul3A_826, %scan3A_706 : i32
        %get3A_828 = arith.index_cast %mul3A_827 : i32 to index
        %get3A_829 = arith.constant 112 : index
        %get3A_830 = tpu.vector_load %arg10[%get3A_828, %get3A_829] {strides = array<i32>} : memref<350x128xf32, #tpu.memory_space<vmem>>, vector<1x16xf32>,
        %get3A_831 = vector.shape_cast %get3A_830 : vector<1x16xf32> to vector<16xf32>
        %mul3A_832 = arith.constant 2 : i32
        %mul3A_833 = arith.muli %mul3A_832, %scan3A_706 : i32
        %add3A_834 = arith.constant 1 : i32
        %add3A_835 = arith.addi %mul3A_833, %add3A_834 : i32
        %get3A_836 = arith.index_cast %add3A_835 : i32 to index
        %get3A_837 = arith.constant 112 : index
        %get3A_838 = tpu.vector_load %arg10[%get3A_836, %get3A_837] {strides = array<i32>} : memref<350x128xf32, #tpu.memory_space<vmem>>, vector<1x16xf32>,
        %get3A_839 = vector.shape_cast %get3A_838 : vector<1x16xf32> to vector<16xf32>
        %add3A_840 = arith.addf %get3A_831, %get3A_839 : vector<16xf32>
        %add3A_841 = arith.addf %scan3A_714, %add3A_840 : vector<16xf32>
        scf.yield %add3A_729, %add3A_745, %add3A_761, %add3A_777, %add3A_793, %add3A_809, %add3A_825, %add3A_841 : vector<16xf32>, vector<16xf32>, vector<16xf32>, vector<16xf32>, vector<16xf32>, vector<16xf32>, vector<16xf32>, vector<16xf32>
      }
      %scan3A_486 = arith.constant 175 : i32
      %swap3A_487 = arith.index_cast %add3A_464 : i32 to index
      %swap3A_488 = arith.constant 0 : index
      %swap3A_489 = tpu.vector_load %arg11[%swap3A_487, %swap3A_488] {strides = array<i32>} : memref<32x128xf32, #tpu.memory_space<vmem>>, vector<1x16xf32>,
      %swap3A_490 = vector.shape_cast %swap3A_489 : vector<1x16xf32> to vector<16xf32>
      %swap3A_491 = vector.shape_cast %scan3A_485#0 : vector<16xf32> to vector<1x16xf32>
      tpu.vector_store %arg11[%swap3A_487, %swap3A_488], %swap3A_491 {strides = array<i32>} : memref<32x128xf32, #tpu.memory_space<vmem>>, vector<1x16xf32>,
      %swap3A_492 = arith.index_cast %add3A_464 : i32 to index
      %swap3A_493 = arith.constant 16 : index
      %swap3A_494 = tpu.vector_load %arg11[%swap3A_492, %swap3A_493] {strides = array<i32>} : memref<32x128xf32, #tpu.memory_space<vmem>>, vector<1x16xf32>,
      %swap3A_495 = vector.shape_cast %swap3A_494 : vector<1x16xf32> to vector<16xf32>
      %swap3A_496 = vector.shape_cast %scan3A_485#1 : vector<16xf32> to vector<1x16xf32>
      tpu.vector_store %arg11[%swap3A_492, %swap3A_493], %swap3A_496 {strides = array<i32>} : memref<32x128xf32, #tpu.memory_space<vmem>>, vector<1x16xf32>,
      %swap3A_497 = arith.index_cast %add3A_464 : i32 to index
      %swap3A_498 = arith.constant 32 : index
      %swap3A_499 = tpu.vector_load %arg11[%swap3A_497, %swap3A_498] {strides = array<i32>} : memref<32x128xf32, #tpu.memory_space<vmem>>, vector<1x16xf32>,
      %swap3A_500 = vector.shape_cast %swap3A_499 : vector<1x16xf32> to vector<16xf32>
      %swap3A_501 = vector.shape_cast %scan3A_485#2 : vector<16xf32> to vector<1x16xf32>
      tpu.vector_store %arg11[%swap3A_497, %swap3A_498], %swap3A_501 {strides = array<i32>} : memref<32x128xf32, #tpu.memory_space<vmem>>, vector<1x16xf32>,
      %swap3A_502 = arith.index_cast %add3A_464 : i32 to index
      %swap3A_503 = arith.constant 48 : index
      %swap3A_504 = tpu.vector_load %arg11[%swap3A_502, %swap3A_503] {strides = array<i32>} : memref<32x128xf32, #tpu.memory_space<vmem>>, vector<1x16xf32>,
      %swap3A_505 = vector.shape_cast %swap3A_504 : vector<1x16xf32> to vector<16xf32>
      %swap3A_506 = vector.shape_cast %scan3A_485#3 : vector<16xf32> to vector<1x16xf32>
      tpu.vector_store %arg11[%swap3A_502, %swap3A_503], %swap3A_506 {strides = array<i32>} : memref<32x128xf32, #tpu.memory_space<vmem>>, vector<1x16xf32>,
      %swap3A_507 = arith.index_cast %add3A_464 : i32 to index
      %swap3A_508 = arith.constant 64 : index
      %swap3A_509 = tpu.vector_load %arg11[%swap3A_507, %swap3A_508] {strides = array<i32>} : memref<32x128xf32, #tpu.memory_space<vmem>>, vector<1x16xf32>,
      %swap3A_510 = vector.shape_cast %swap3A_509 : vector<1x16xf32> to vector<16xf32>
      %swap3A_511 = vector.shape_cast %scan3A_485#4 : vector<16xf32> to vector<1x16xf32>
      tpu.vector_store %arg11[%swap3A_507, %swap3A_508], %swap3A_511 {strides = array<i32>} : memref<32x128xf32, #tpu.memory_space<vmem>>, vector<1x16xf32>,
      %swap3A_512 = arith.index_cast %add3A_464 : i32 to index
      %swap3A_513 = arith.constant 80 : index
      %swap3A_514 = tpu.vector_load %arg11[%swap3A_512, %swap3A_513] {strides = array<i32>} : memref<32x128xf32, #tpu.memory_space<vmem>>, vector<1x16xf32>,
      %swap3A_515 = vector.shape_cast %swap3A_514 : vector<1x16xf32> to vector<16xf32>
      %swap3A_516 = vector.shape_cast %scan3A_485#5 : vector<16xf32> to vector<1x16xf32>
      tpu.vector_store %arg11[%swap3A_512, %swap3A_513], %swap3A_516 {strides = array<i32>} : memref<32x128xf32, #tpu.memory_space<vmem>>, vector<1x16xf32>,
      %swap3A_517 = arith.index_cast %add3A_464 : i32 to index
      %swap3A_518 = arith.constant 96 : index
      %swap3A_519 = tpu.vector_load %arg11[%swap3A_517, %swap3A_518] {strides = array<i32>} : memref<32x128xf32, #tpu.memory_space<vmem>>, vector<1x16xf32>,
      %swap3A_520 = vector.shape_cast %swap3A_519 : vector<1x16xf32> to vector<16xf32>
      %swap3A_521 = vector.shape_cast %scan3A_485#6 : vector<16xf32> to vector<1x16xf32>
      tpu.vector_store %arg11[%swap3A_517, %swap3A_518], %swap3A_521 {strides = array<i32>} : memref<32x128xf32, #tpu.memory_space<vmem>>, vector<1x16xf32>,
      %swap3A_522 = arith.index_cast %add3A_464 : i32 to index
      %swap3A_523 = arith.constant 112 : index
      %swap3A_524 = tpu.vector_load %arg11[%swap3A_522, %swap3A_523] {strides = array<i32>} : memref<32x128xf32, #tpu.memory_space<vmem>>, vector<1x16xf32>,
      %swap3A_525 = vector.shape_cast %swap3A_524 : vector<1x16xf32> to vector<16xf32>
      %swap3A_526 = vector.shape_cast %scan3A_485#7 : vector<16xf32> to vector<1x16xf32>
      tpu.vector_store %arg11[%swap3A_522, %swap3A_523], %swap3A_526 {strides = array<i32>} : memref<32x128xf32, #tpu.memory_space<vmem>>, vector<1x16xf32>,
      %dma_wait3A_527 = arith.constant 0 : i32
      %dma_wait3A_528 = tpu.memref_slice %arg2[%mul3A_2, %dma_wait3A_527] : memref<1024x350xi32, #tpu.memory_space<hbm>> -> memref<1x350xi32, #tpu.memory_space<hbm>>
      %dma_wait3A_529 = tpu.memref_squeeze %dma_wait3A_528 : memref<1x350xi32, #tpu.memory_space<hbm>> -> memref<350xi32, #tpu.memory_space<hbm>>
      %dma_wait3A_530 = arith.constant 0 : i32
      %dma_wait3A_531 = tpu.memref_slice %arg2[%mul3A_2, %dma_wait3A_530] : memref<1024x350xi32, #tpu.memory_space<hbm>> -> memref<1x350xi32, #tpu.memory_space<hbm>>
      %dma_wait3A_532 = tpu.memref_squeeze %dma_wait3A_531 : memref<1x350xi32, #tpu.memory_space<hbm>> -> memref<350xi32, #tpu.memory_space<hbm>>
      tpu.wait_dma2 semaphore(%arg15 : memref<!tpu.dma_semaphore, #tpu.memory_space<semaphore_mem>>) src(%dma_wait3A_532 : memref<350xi32, #tpu.memory_space<hbm>>) dst(%arg8 : memref<350xi32, #tpu.memory_space<vmem>>)
      %dma_start3A_533 = arith.constant 0 : i32
      %dma_start3A_534 = arith.constant 0 : i32
      %dma_start3A_535 = tpu.memref_slice %arg3[%dma_start3A_533, %dma_start3A_534] : memref<1253446x128xf32, #tpu.memory_space<hbm>> -> memref<1253446x128xf32, #tpu.memory_space<hbm>>
      tpu.enqueue_indirect_dma source(%dma_start3A_535 : memref<1253446x128xf32, #tpu.memory_space<hbm>>) target(%arg10 : memref<350x128xf32, #tpu.memory_space<vmem>>) offsets(%arg8 : memref<350xi32, #tpu.memory_space<vmem>>) semaphore(%arg17 : memref<!tpu.dma_semaphore, #tpu.memory_space<semaphore_mem>>)
      %dma_wait3A_536 = arith.constant 0 : i32
      %dma_wait3A_537 = arith.constant 0 : i32
      %dma_wait3A_538 = tpu.memref_slice %arg3[%dma_wait3A_536, %dma_wait3A_537] : memref<1253446x128xf32, #tpu.memory_space<hbm>> -> memref<1253446x128xf32, #tpu.memory_space<hbm>>
      tpu.wait_indirect_dma semaphore(%arg16 : memref<!tpu.dma_semaphore, #tpu.memory_space<semaphore_mem>>) src(%dma_wait3A_538 : memref<1253446x128xf32, #tpu.memory_space<hbm>>) dst(%arg9 : memref<350x128xf32, #tpu.memory_space<vmem>>)
      %add3A_539 = arith.constant 6 : i32
      %add3A_540 = arith.addi %add3A_367, %add3A_539 : i32
      %add3A_541 = arith.addi %mul3A_2, %add3A_540 : i32
      %dma_start3A_542 = arith.constant 0 : i32
      %dma_start3A_543 = tpu.memref_slice %arg2[%add3A_541, %dma_start3A_542] : memref<1024x350xi32, #tpu.memory_space<hbm>> -> memref<1x350xi32, #tpu.memory_space<hbm>>
      %dma_start3A_544 = tpu.memref_squeeze %dma_start3A_543 : memref<1x350xi32, #tpu.memory_space<hbm>> -> memref<350xi32, #tpu.memory_space<hbm>>
      %dma_start3A_545 = arith.constant 0 : i32
      %dma_start3A_546 = tpu.memref_slice %arg2[%add3A_541, %dma_start3A_545] : memref<1024x350xi32, #tpu.memory_space<hbm>> -> memref<1x350xi32, #tpu.memory_space<hbm>>
      %dma_start3A_547 = tpu.memref_squeeze %dma_start3A_546 : memref<1x350xi32, #tpu.memory_space<hbm>> -> memref<350xi32, #tpu.memory_space<hbm>>
      tpu.enqueue_dma source(%dma_start3A_547 : memref<350xi32, #tpu.memory_space<hbm>>) target(%arg7 : memref<350xi32, #tpu.memory_space<vmem>>) target_semaphore(%arg14 : memref<!tpu.dma_semaphore, #tpu.memory_space<semaphore_mem>>)
      %add3A_548 = arith.constant 2 : i32
      %add3A_549 = arith.addi %add3A_367, %add3A_548 : i32
      %broadcast_in_dim3A_550 = arith.constant 0.000000e+00 : f32
      %broadcast_in_dim3A_551 = vector.broadcast %broadcast_in_dim3A_550 : f32 to vector<16xf32>
      %broadcast_in_dim3A_552 = arith.constant 0.000000e+00 : f32
      %broadcast_in_dim3A_553 = vector.broadcast %broadcast_in_dim3A_552 : f32 to vector<16xf32>
      %broadcast_in_dim3A_554 = arith.constant 0.000000e+00 : f32
      %broadcast_in_dim3A_555 = vector.broadcast %broadcast_in_dim3A_554 : f32 to vector<16xf32>
      %broadcast_in_dim3A_556 = arith.constant 0.000000e+00 : f32
      %broadcast_in_dim3A_557 = vector.broadcast %broadcast_in_dim3A_556 : f32 to vector<16xf32>
      %broadcast_in_dim3A_558 = arith.constant 0.000000e+00 : f32
      %broadcast_in_dim3A_559 = vector.broadcast %broadcast_in_dim3A_558 : f32 to vector<16xf32>
      %broadcast_in_dim3A_560 = arith.constant 0.000000e+00 : f32
      %broadcast_in_dim3A_561 = vector.broadcast %broadcast_in_dim3A_560 : f32 to vector<16xf32>
      %broadcast_in_dim3A_562 = arith.constant 0.000000e+00 : f32
      %broadcast_in_dim3A_563 = vector.broadcast %broadcast_in_dim3A_562 : f32 to vector<16xf32>
      %broadcast_in_dim3A_564 = arith.constant 0.000000e+00 : f32
      %broadcast_in_dim3A_565 = vector.broadcast %broadcast_in_dim3A_564 : f32 to vector<16xf32>
      %scan3A_566 = arith.constant 0 : i32
      %scan3A_567 = arith.constant 175 : i32
      %scan3A_568 = arith.addi %scan3A_566, %scan3A_567 : i32
      %scan3A_569 = arith.constant 1 : i32
      %scan3A_570:8 = scf.for %scan3A_706 = %scan3A_566 to %scan3A_568 step %scan3A_569 iter_args(%scan3A_707 = %broadcast_in_dim3A_551, %scan3A_708 = %broadcast_in_dim3A_553, %scan3A_709 = %broadcast_in_dim3A_555, %scan3A_710 = %broadcast_in_dim3A_557, %scan3A_711 = %broadcast_in_dim3A_559, %scan3A_712 = %broadcast_in_dim3A_561, %scan3A_713 = %broadcast_in_dim3A_563, %scan3A_714 = %broadcast_in_dim3A_565) -> (vector<16xf32>, vector<16xf32>, vector<16xf32>, vector<16xf32>, vector<16xf32>, vector<16xf32>, vector<16xf32>, vector<16xf32>)  : i32 {
        %mul3A_715 = arith.constant 2 : i32
        %mul3A_716 = arith.muli %mul3A_715, %scan3A_706 : i32
        %get3A = arith.index_cast %mul3A_716 : i32 to index
        %get3A_717 = arith.constant 0 : index
        %get3A_718 = tpu.vector_load %arg9[%get3A, %get3A_717] {strides = array<i32>} : memref<350x128xf32, #tpu.memory_space<vmem>>, vector<1x16xf32>,
        %get3A_719 = vector.shape_cast %get3A_718 : vector<1x16xf32> to vector<16xf32>
        %mul3A_720 = arith.constant 2 : i32
        %mul3A_721 = arith.muli %mul3A_720, %scan3A_706 : i32
        %add3A_722 = arith.constant 1 : i32
        %add3A_723 = arith.addi %mul3A_721, %add3A_722 : i32
        %get3A_724 = arith.index_cast %add3A_723 : i32 to index
        %get3A_725 = arith.constant 0 : index
        %get3A_726 = tpu.vector_load %arg9[%get3A_724, %get3A_725] {strides = array<i32>} : memref<350x128xf32, #tpu.memory_space<vmem>>, vector<1x16xf32>,
        %get3A_727 = vector.shape_cast %get3A_726 : vector<1x16xf32> to vector<16xf32>
        %add3A_728 = arith.addf %get3A_719, %get3A_727 : vector<16xf32>
        %add3A_729 = arith.addf %scan3A_707, %add3A_728 : vector<16xf32>
        %mul3A_730 = arith.constant 2 : i32
        %mul3A_731 = arith.muli %mul3A_730, %scan3A_706 : i32
        %get3A_732 = arith.index_cast %mul3A_731 : i32 to index
        %get3A_733 = arith.constant 16 : index
        %get3A_734 = tpu.vector_load %arg9[%get3A_732, %get3A_733] {strides = array<i32>} : memref<350x128xf32, #tpu.memory_space<vmem>>, vector<1x16xf32>,
        %get3A_735 = vector.shape_cast %get3A_734 : vector<1x16xf32> to vector<16xf32>
        %mul3A_736 = arith.constant 2 : i32
        %mul3A_737 = arith.muli %mul3A_736, %scan3A_706 : i32
        %add3A_738 = arith.constant 1 : i32
        %add3A_739 = arith.addi %mul3A_737, %add3A_738 : i32
        %get3A_740 = arith.index_cast %add3A_739 : i32 to index
        %get3A_741 = arith.constant 16 : index
        %get3A_742 = tpu.vector_load %arg9[%get3A_740, %get3A_741] {strides = array<i32>} : memref<350x128xf32, #tpu.memory_space<vmem>>, vector<1x16xf32>,
        %get3A_743 = vector.shape_cast %get3A_742 : vector<1x16xf32> to vector<16xf32>
        %add3A_744 = arith.addf %get3A_735, %get3A_743 : vector<16xf32>
        %add3A_745 = arith.addf %scan3A_708, %add3A_744 : vector<16xf32>
        %mul3A_746 = arith.constant 2 : i32
        %mul3A_747 = arith.muli %mul3A_746, %scan3A_706 : i32
        %get3A_748 = arith.index_cast %mul3A_747 : i32 to index
        %get3A_749 = arith.constant 32 : index
        %get3A_750 = tpu.vector_load %arg9[%get3A_748, %get3A_749] {strides = array<i32>} : memref<350x128xf32, #tpu.memory_space<vmem>>, vector<1x16xf32>,
        %get3A_751 = vector.shape_cast %get3A_750 : vector<1x16xf32> to vector<16xf32>
        %mul3A_752 = arith.constant 2 : i32
        %mul3A_753 = arith.muli %mul3A_752, %scan3A_706 : i32
        %add3A_754 = arith.constant 1 : i32
        %add3A_755 = arith.addi %mul3A_753, %add3A_754 : i32
        %get3A_756 = arith.index_cast %add3A_755 : i32 to index
        %get3A_757 = arith.constant 32 : index
        %get3A_758 = tpu.vector_load %arg9[%get3A_756, %get3A_757] {strides = array<i32>} : memref<350x128xf32, #tpu.memory_space<vmem>>, vector<1x16xf32>,
        %get3A_759 = vector.shape_cast %get3A_758 : vector<1x16xf32> to vector<16xf32>
        %add3A_760 = arith.addf %get3A_751, %get3A_759 : vector<16xf32>
        %add3A_761 = arith.addf %scan3A_709, %add3A_760 : vector<16xf32>
        %mul3A_762 = arith.constant 2 : i32
        %mul3A_763 = arith.muli %mul3A_762, %scan3A_706 : i32
        %get3A_764 = arith.index_cast %mul3A_763 : i32 to index
        %get3A_765 = arith.constant 48 : index
        %get3A_766 = tpu.vector_load %arg9[%get3A_764, %get3A_765] {strides = array<i32>} : memref<350x128xf32, #tpu.memory_space<vmem>>, vector<1x16xf32>,
        %get3A_767 = vector.shape_cast %get3A_766 : vector<1x16xf32> to vector<16xf32>
        %mul3A_768 = arith.constant 2 : i32
        %mul3A_769 = arith.muli %mul3A_768, %scan3A_706 : i32
        %add3A_770 = arith.constant 1 : i32
        %add3A_771 = arith.addi %mul3A_769, %add3A_770 : i32
        %get3A_772 = arith.index_cast %add3A_771 : i32 to index
        %get3A_773 = arith.constant 48 : index
        %get3A_774 = tpu.vector_load %arg9[%get3A_772, %get3A_773] {strides = array<i32>} : memref<350x128xf32, #tpu.memory_space<vmem>>, vector<1x16xf32>,
        %get3A_775 = vector.shape_cast %get3A_774 : vector<1x16xf32> to vector<16xf32>
        %add3A_776 = arith.addf %get3A_767, %get3A_775 : vector<16xf32>
        %add3A_777 = arith.addf %scan3A_710, %add3A_776 : vector<16xf32>
        %mul3A_778 = arith.constant 2 : i32
        %mul3A_779 = arith.muli %mul3A_778, %scan3A_706 : i32
        %get3A_780 = arith.index_cast %mul3A_779 : i32 to index
        %get3A_781 = arith.constant 64 : index
        %get3A_782 = tpu.vector_load %arg9[%get3A_780, %get3A_781] {strides = array<i32>} : memref<350x128xf32, #tpu.memory_space<vmem>>, vector<1x16xf32>,
        %get3A_783 = vector.shape_cast %get3A_782 : vector<1x16xf32> to vector<16xf32>
        %mul3A_784 = arith.constant 2 : i32
        %mul3A_785 = arith.muli %mul3A_784, %scan3A_706 : i32
        %add3A_786 = arith.constant 1 : i32
        %add3A_787 = arith.addi %mul3A_785, %add3A_786 : i32
        %get3A_788 = arith.index_cast %add3A_787 : i32 to index
        %get3A_789 = arith.constant 64 : index
        %get3A_790 = tpu.vector_load %arg9[%get3A_788, %get3A_789] {strides = array<i32>} : memref<350x128xf32, #tpu.memory_space<vmem>>, vector<1x16xf32>,
        %get3A_791 = vector.shape_cast %get3A_790 : vector<1x16xf32> to vector<16xf32>
        %add3A_792 = arith.addf %get3A_783, %get3A_791 : vector<16xf32>
        %add3A_793 = arith.addf %scan3A_711, %add3A_792 : vector<16xf32>
        %mul3A_794 = arith.constant 2 : i32
        %mul3A_795 = arith.muli %mul3A_794, %scan3A_706 : i32
        %get3A_796 = arith.index_cast %mul3A_795 : i32 to index
        %get3A_797 = arith.constant 80 : index
        %get3A_798 = tpu.vector_load %arg9[%get3A_796, %get3A_797] {strides = array<i32>} : memref<350x128xf32, #tpu.memory_space<vmem>>, vector<1x16xf32>,
        %get3A_799 = vector.shape_cast %get3A_798 : vector<1x16xf32> to vector<16xf32>
        %mul3A_800 = arith.constant 2 : i32
        %mul3A_801 = arith.muli %mul3A_800, %scan3A_706 : i32
        %add3A_802 = arith.constant 1 : i32
        %add3A_803 = arith.addi %mul3A_801, %add3A_802 : i32
        %get3A_804 = arith.index_cast %add3A_803 : i32 to index
        %get3A_805 = arith.constant 80 : index
        %get3A_806 = tpu.vector_load %arg9[%get3A_804, %get3A_805] {strides = array<i32>} : memref<350x128xf32, #tpu.memory_space<vmem>>, vector<1x16xf32>,
        %get3A_807 = vector.shape_cast %get3A_806 : vector<1x16xf32> to vector<16xf32>
        %add3A_808 = arith.addf %get3A_799, %get3A_807 : vector<16xf32>
        %add3A_809 = arith.addf %scan3A_712, %add3A_808 : vector<16xf32>
        %mul3A_810 = arith.constant 2 : i32
        %mul3A_811 = arith.muli %mul3A_810, %scan3A_706 : i32
        %get3A_812 = arith.index_cast %mul3A_811 : i32 to index
        %get3A_813 = arith.constant 96 : index
        %get3A_814 = tpu.vector_load %arg9[%get3A_812, %get3A_813] {strides = array<i32>} : memref<350x128xf32, #tpu.memory_space<vmem>>, vector<1x16xf32>,
        %get3A_815 = vector.shape_cast %get3A_814 : vector<1x16xf32> to vector<16xf32>
        %mul3A_816 = arith.constant 2 : i32
        %mul3A_817 = arith.muli %mul3A_816, %scan3A_706 : i32
        %add3A_818 = arith.constant 1 : i32
        %add3A_819 = arith.addi %mul3A_817, %add3A_818 : i32
        %get3A_820 = arith.index_cast %add3A_819 : i32 to index
        %get3A_821 = arith.constant 96 : index
        %get3A_822 = tpu.vector_load %arg9[%get3A_820, %get3A_821] {strides = array<i32>} : memref<350x128xf32, #tpu.memory_space<vmem>>, vector<1x16xf32>,
        %get3A_823 = vector.shape_cast %get3A_822 : vector<1x16xf32> to vector<16xf32>
        %add3A_824 = arith.addf %get3A_815, %get3A_823 : vector<16xf32>
        %add3A_825 = arith.addf %scan3A_713, %add3A_824 : vector<16xf32>
        %mul3A_826 = arith.constant 2 : i32
        %mul3A_827 = arith.muli %mul3A_826, %scan3A_706 : i32
        %get3A_828 = arith.index_cast %mul3A_827 : i32 to index
        %get3A_829 = arith.constant 112 : index
        %get3A_830 = tpu.vector_load %arg9[%get3A_828, %get3A_829] {strides = array<i32>} : memref<350x128xf32, #tpu.memory_space<vmem>>, vector<1x16xf32>,
        %get3A_831 = vector.shape_cast %get3A_830 : vector<1x16xf32> to vector<16xf32>
        %mul3A_832 = arith.constant 2 : i32
        %mul3A_833 = arith.muli %mul3A_832, %scan3A_706 : i32
        %add3A_834 = arith.constant 1 : i32
        %add3A_835 = arith.addi %mul3A_833, %add3A_834 : i32
        %get3A_836 = arith.index_cast %add3A_835 : i32 to index
        %get3A_837 = arith.constant 112 : index
        %get3A_838 = tpu.vector_load %arg9[%get3A_836, %get3A_837] {strides = array<i32>} : memref<350x128xf32, #tpu.memory_space<vmem>>, vector<1x16xf32>,
        %get3A_839 = vector.shape_cast %get3A_838 : vector<1x16xf32> to vector<16xf32>
        %add3A_840 = arith.addf %get3A_831, %get3A_839 : vector<16xf32>
        %add3A_841 = arith.addf %scan3A_714, %add3A_840 : vector<16xf32>
        scf.yield %add3A_729, %add3A_745, %add3A_761, %add3A_777, %add3A_793, %add3A_809, %add3A_825, %add3A_841 : vector<16xf32>, vector<16xf32>, vector<16xf32>, vector<16xf32>, vector<16xf32>, vector<16xf32>, vector<16xf32>, vector<16xf32>
      }
      %scan3A_571 = arith.constant 175 : i32
      %swap3A_572 = arith.index_cast %add3A_549 : i32 to index
      %swap3A_573 = arith.constant 0 : index
      %swap3A_574 = tpu.vector_load %arg11[%swap3A_572, %swap3A_573] {strides = array<i32>} : memref<32x128xf32, #tpu.memory_space<vmem>>, vector<1x16xf32>,
      %swap3A_575 = vector.shape_cast %swap3A_574 : vector<1x16xf32> to vector<16xf32>
      %swap3A_576 = vector.shape_cast %scan3A_570#0 : vector<16xf32> to vector<1x16xf32>
      tpu.vector_store %arg11[%swap3A_572, %swap3A_573], %swap3A_576 {strides = array<i32>} : memref<32x128xf32, #tpu.memory_space<vmem>>, vector<1x16xf32>,
      %swap3A_577 = arith.index_cast %add3A_549 : i32 to index
      %swap3A_578 = arith.constant 16 : index
      %swap3A_579 = tpu.vector_load %arg11[%swap3A_577, %swap3A_578] {strides = array<i32>} : memref<32x128xf32, #tpu.memory_space<vmem>>, vector<1x16xf32>,
      %swap3A_580 = vector.shape_cast %swap3A_579 : vector<1x16xf32> to vector<16xf32>
      %swap3A_581 = vector.shape_cast %scan3A_570#1 : vector<16xf32> to vector<1x16xf32>
      tpu.vector_store %arg11[%swap3A_577, %swap3A_578], %swap3A_581 {strides = array<i32>} : memref<32x128xf32, #tpu.memory_space<vmem>>, vector<1x16xf32>,
      %swap3A_582 = arith.index_cast %add3A_549 : i32 to index
      %swap3A_583 = arith.constant 32 : index
      %swap3A_584 = tpu.vector_load %arg11[%swap3A_582, %swap3A_583] {strides = array<i32>} : memref<32x128xf32, #tpu.memory_space<vmem>>, vector<1x16xf32>,
      %swap3A_585 = vector.shape_cast %swap3A_584 : vector<1x16xf32> to vector<16xf32>
      %swap3A_586 = vector.shape_cast %scan3A_570#2 : vector<16xf32> to vector<1x16xf32>
      tpu.vector_store %arg11[%swap3A_582, %swap3A_583], %swap3A_586 {strides = array<i32>} : memref<32x128xf32, #tpu.memory_space<vmem>>, vector<1x16xf32>,
      %swap3A_587 = arith.index_cast %add3A_549 : i32 to index
      %swap3A_588 = arith.constant 48 : index
      %swap3A_589 = tpu.vector_load %arg11[%swap3A_587, %swap3A_588] {strides = array<i32>} : memref<32x128xf32, #tpu.memory_space<vmem>>, vector<1x16xf32>,
      %swap3A_590 = vector.shape_cast %swap3A_589 : vector<1x16xf32> to vector<16xf32>
      %swap3A_591 = vector.shape_cast %scan3A_570#3 : vector<16xf32> to vector<1x16xf32>
      tpu.vector_store %arg11[%swap3A_587, %swap3A_588], %swap3A_591 {strides = array<i32>} : memref<32x128xf32, #tpu.memory_space<vmem>>, vector<1x16xf32>,
      %swap3A_592 = arith.index_cast %add3A_549 : i32 to index
      %swap3A_593 = arith.constant 64 : index
      %swap3A_594 = tpu.vector_load %arg11[%swap3A_592, %swap3A_593] {strides = array<i32>} : memref<32x128xf32, #tpu.memory_space<vmem>>, vector<1x16xf32>,
      %swap3A_595 = vector.shape_cast %swap3A_594 : vector<1x16xf32> to vector<16xf32>
      %swap3A_596 = vector.shape_cast %scan3A_570#4 : vector<16xf32> to vector<1x16xf32>
      tpu.vector_store %arg11[%swap3A_592, %swap3A_593], %swap3A_596 {strides = array<i32>} : memref<32x128xf32, #tpu.memory_space<vmem>>, vector<1x16xf32>,
      %swap3A_597 = arith.index_cast %add3A_549 : i32 to index
      %swap3A_598 = arith.constant 80 : index
      %swap3A_599 = tpu.vector_load %arg11[%swap3A_597, %swap3A_598] {strides = array<i32>} : memref<32x128xf32, #tpu.memory_space<vmem>>, vector<1x16xf32>,
      %swap3A_600 = vector.shape_cast %swap3A_599 : vector<1x16xf32> to vector<16xf32>
      %swap3A_601 = vector.shape_cast %scan3A_570#5 : vector<16xf32> to vector<1x16xf32>
      tpu.vector_store %arg11[%swap3A_597, %swap3A_598], %swap3A_601 {strides = array<i32>} : memref<32x128xf32, #tpu.memory_space<vmem>>, vector<1x16xf32>,
      %swap3A_602 = arith.index_cast %add3A_549 : i32 to index
      %swap3A_603 = arith.constant 96 : index
      %swap3A_604 = tpu.vector_load %arg11[%swap3A_602, %swap3A_603] {strides = array<i32>} : memref<32x128xf32, #tpu.memory_space<vmem>>, vector<1x16xf32>,
      %swap3A_605 = vector.shape_cast %swap3A_604 : vector<1x16xf32> to vector<16xf32>
      %swap3A_606 = vector.shape_cast %scan3A_570#6 : vector<16xf32> to vector<1x16xf32>
      tpu.vector_store %arg11[%swap3A_602, %swap3A_603], %swap3A_606 {strides = array<i32>} : memref<32x128xf32, #tpu.memory_space<vmem>>, vector<1x16xf32>,
      %swap3A_607 = arith.index_cast %add3A_549 : i32 to index
      %swap3A_608 = arith.constant 112 : index
      %swap3A_609 = tpu.vector_load %arg11[%swap3A_607, %swap3A_608] {strides = array<i32>} : memref<32x128xf32, #tpu.memory_space<vmem>>, vector<1x16xf32>,
      %swap3A_610 = vector.shape_cast %swap3A_609 : vector<1x16xf32> to vector<16xf32>
      %swap3A_611 = vector.shape_cast %scan3A_570#7 : vector<16xf32> to vector<1x16xf32>
      tpu.vector_store %arg11[%swap3A_607, %swap3A_608], %swap3A_611 {strides = array<i32>} : memref<32x128xf32, #tpu.memory_space<vmem>>, vector<1x16xf32>,
      %dma_wait3A_612 = arith.constant 0 : i32
      %dma_wait3A_613 = tpu.memref_slice %arg2[%mul3A_2, %dma_wait3A_612] : memref<1024x350xi32, #tpu.memory_space<hbm>> -> memref<1x350xi32, #tpu.memory_space<hbm>>
      %dma_wait3A_614 = tpu.memref_squeeze %dma_wait3A_613 : memref<1x350xi32, #tpu.memory_space<hbm>> -> memref<350xi32, #tpu.memory_space<hbm>>
      %dma_wait3A_615 = arith.constant 0 : i32
      %dma_wait3A_616 = tpu.memref_slice %arg2[%mul3A_2, %dma_wait3A_615] : memref<1024x350xi32, #tpu.memory_space<hbm>> -> memref<1x350xi32, #tpu.memory_space<hbm>>
      %dma_wait3A_617 = tpu.memref_squeeze %dma_wait3A_616 : memref<1x350xi32, #tpu.memory_space<hbm>> -> memref<350xi32, #tpu.memory_space<hbm>>
      tpu.wait_dma2 semaphore(%arg12 : memref<!tpu.dma_semaphore, #tpu.memory_space<semaphore_mem>>) src(%dma_wait3A_617 : memref<350xi32, #tpu.memory_space<hbm>>) dst(%arg5 : memref<350xi32, #tpu.memory_space<vmem>>)
      %dma_start3A_618 = arith.constant 0 : i32
      %dma_start3A_619 = arith.constant 0 : i32
      %dma_start3A_620 = tpu.memref_slice %arg3[%dma_start3A_618, %dma_start3A_619] : memref<1253446x128xf32, #tpu.memory_space<hbm>> -> memref<1253446x128xf32, #tpu.memory_space<hbm>>
      tpu.enqueue_indirect_dma source(%dma_start3A_620 : memref<1253446x128xf32, #tpu.memory_space<hbm>>) target(%arg9 : memref<350x128xf32, #tpu.memory_space<vmem>>) offsets(%arg5 : memref<350xi32, #tpu.memory_space<vmem>>) semaphore(%arg16 : memref<!tpu.dma_semaphore, #tpu.memory_space<semaphore_mem>>)
      %dma_wait3A_621 = arith.constant 0 : i32
      %dma_wait3A_622 = arith.constant 0 : i32
      %dma_wait3A_623 = tpu.memref_slice %arg3[%dma_wait3A_621, %dma_wait3A_622] : memref<1253446x128xf32, #tpu.memory_space<hbm>> -> memref<1253446x128xf32, #tpu.memory_space<hbm>>
      tpu.wait_indirect_dma semaphore(%arg17 : memref<!tpu.dma_semaphore, #tpu.memory_space<semaphore_mem>>) src(%dma_wait3A_623 : memref<1253446x128xf32, #tpu.memory_space<hbm>>) dst(%arg10 : memref<350x128xf32, #tpu.memory_space<vmem>>)
      %add3A_624 = arith.constant 7 : i32
      %add3A_625 = arith.addi %add3A_367, %add3A_624 : i32
      %add3A_626 = arith.addi %mul3A_2, %add3A_625 : i32
      %dma_start3A_627 = arith.constant 0 : i32
      %dma_start3A_628 = tpu.memref_slice %arg2[%add3A_626, %dma_start3A_627] : memref<1024x350xi32, #tpu.memory_space<hbm>> -> memref<1x350xi32, #tpu.memory_space<hbm>>
      %dma_start3A_629 = tpu.memref_squeeze %dma_start3A_628 : memref<1x350xi32, #tpu.memory_space<hbm>> -> memref<350xi32, #tpu.memory_space<hbm>>
      %dma_start3A_630 = arith.constant 0 : i32
      %dma_start3A_631 = tpu.memref_slice %arg2[%add3A_626, %dma_start3A_630] : memref<1024x350xi32, #tpu.memory_space<hbm>> -> memref<1x350xi32, #tpu.memory_space<hbm>>
      %dma_start3A_632 = tpu.memref_squeeze %dma_start3A_631 : memref<1x350xi32, #tpu.memory_space<hbm>> -> memref<350xi32, #tpu.memory_space<hbm>>
      tpu.enqueue_dma source(%dma_start3A_632 : memref<350xi32, #tpu.memory_space<hbm>>) target(%arg8 : memref<350xi32, #tpu.memory_space<vmem>>) target_semaphore(%arg15 : memref<!tpu.dma_semaphore, #tpu.memory_space<semaphore_mem>>)
      %add3A_633 = arith.constant 3 : i32
      %add3A_634 = arith.addi %add3A_367, %add3A_633 : i32
      %broadcast_in_dim3A_635 = arith.constant 0.000000e+00 : f32
      %broadcast_in_dim3A_636 = vector.broadcast %broadcast_in_dim3A_635 : f32 to vector<16xf32>
      %broadcast_in_dim3A_637 = arith.constant 0.000000e+00 : f32
      %broadcast_in_dim3A_638 = vector.broadcast %broadcast_in_dim3A_637 : f32 to vector<16xf32>
      %broadcast_in_dim3A_639 = arith.constant 0.000000e+00 : f32
      %broadcast_in_dim3A_640 = vector.broadcast %broadcast_in_dim3A_639 : f32 to vector<16xf32>
      %broadcast_in_dim3A_641 = arith.constant 0.000000e+00 : f32
      %broadcast_in_dim3A_642 = vector.broadcast %broadcast_in_dim3A_641 : f32 to vector<16xf32>
      %broadcast_in_dim3A_643 = arith.constant 0.000000e+00 : f32
      %broadcast_in_dim3A_644 = vector.broadcast %broadcast_in_dim3A_643 : f32 to vector<16xf32>
      %broadcast_in_dim3A_645 = arith.constant 0.000000e+00 : f32
      %broadcast_in_dim3A_646 = vector.broadcast %broadcast_in_dim3A_645 : f32 to vector<16xf32>
      %broadcast_in_dim3A_647 = arith.constant 0.000000e+00 : f32
      %broadcast_in_dim3A_648 = vector.broadcast %broadcast_in_dim3A_647 : f32 to vector<16xf32>
      %broadcast_in_dim3A_649 = arith.constant 0.000000e+00 : f32
      %broadcast_in_dim3A_650 = vector.broadcast %broadcast_in_dim3A_649 : f32 to vector<16xf32>
      %scan3A_651 = arith.constant 0 : i32
      %scan3A_652 = arith.constant 175 : i32
      %scan3A_653 = arith.addi %scan3A_651, %scan3A_652 : i32
      %scan3A_654 = arith.constant 1 : i32
      %scan3A_655:8 = scf.for %scan3A_706 = %scan3A_651 to %scan3A_653 step %scan3A_654 iter_args(%scan3A_707 = %broadcast_in_dim3A_636, %scan3A_708 = %broadcast_in_dim3A_638, %scan3A_709 = %broadcast_in_dim3A_640, %scan3A_710 = %broadcast_in_dim3A_642, %scan3A_711 = %broadcast_in_dim3A_644, %scan3A_712 = %broadcast_in_dim3A_646, %scan3A_713 = %broadcast_in_dim3A_648, %scan3A_714 = %broadcast_in_dim3A_650) -> (vector<16xf32>, vector<16xf32>, vector<16xf32>, vector<16xf32>, vector<16xf32>, vector<16xf32>, vector<16xf32>, vector<16xf32>)  : i32 {
        %mul3A_715 = arith.constant 2 : i32
        %mul3A_716 = arith.muli %mul3A_715, %scan3A_706 : i32
        %get3A = arith.index_cast %mul3A_716 : i32 to index
        %get3A_717 = arith.constant 0 : index
        %get3A_718 = tpu.vector_load %arg10[%get3A, %get3A_717] {strides = array<i32>} : memref<350x128xf32, #tpu.memory_space<vmem>>, vector<1x16xf32>,
        %get3A_719 = vector.shape_cast %get3A_718 : vector<1x16xf32> to vector<16xf32>
        %mul3A_720 = arith.constant 2 : i32
        %mul3A_721 = arith.muli %mul3A_720, %scan3A_706 : i32
        %add3A_722 = arith.constant 1 : i32
        %add3A_723 = arith.addi %mul3A_721, %add3A_722 : i32
        %get3A_724 = arith.index_cast %add3A_723 : i32 to index
        %get3A_725 = arith.constant 0 : index
        %get3A_726 = tpu.vector_load %arg10[%get3A_724, %get3A_725] {strides = array<i32>} : memref<350x128xf32, #tpu.memory_space<vmem>>, vector<1x16xf32>,
        %get3A_727 = vector.shape_cast %get3A_726 : vector<1x16xf32> to vector<16xf32>
        %add3A_728 = arith.addf %get3A_719, %get3A_727 : vector<16xf32>
        %add3A_729 = arith.addf %scan3A_707, %add3A_728 : vector<16xf32>
        %mul3A_730 = arith.constant 2 : i32
        %mul3A_731 = arith.muli %mul3A_730, %scan3A_706 : i32
        %get3A_732 = arith.index_cast %mul3A_731 : i32 to index
        %get3A_733 = arith.constant 16 : index
        %get3A_734 = tpu.vector_load %arg10[%get3A_732, %get3A_733] {strides = array<i32>} : memref<350x128xf32, #tpu.memory_space<vmem>>, vector<1x16xf32>,
        %get3A_735 = vector.shape_cast %get3A_734 : vector<1x16xf32> to vector<16xf32>
        %mul3A_736 = arith.constant 2 : i32
        %mul3A_737 = arith.muli %mul3A_736, %scan3A_706 : i32
        %add3A_738 = arith.constant 1 : i32
        %add3A_739 = arith.addi %mul3A_737, %add3A_738 : i32
        %get3A_740 = arith.index_cast %add3A_739 : i32 to index
        %get3A_741 = arith.constant 16 : index
        %get3A_742 = tpu.vector_load %arg10[%get3A_740, %get3A_741] {strides = array<i32>} : memref<350x128xf32, #tpu.memory_space<vmem>>, vector<1x16xf32>,
        %get3A_743 = vector.shape_cast %get3A_742 : vector<1x16xf32> to vector<16xf32>
        %add3A_744 = arith.addf %get3A_735, %get3A_743 : vector<16xf32>
        %add3A_745 = arith.addf %scan3A_708, %add3A_744 : vector<16xf32>
        %mul3A_746 = arith.constant 2 : i32
        %mul3A_747 = arith.muli %mul3A_746, %scan3A_706 : i32
        %get3A_748 = arith.index_cast %mul3A_747 : i32 to index
        %get3A_749 = arith.constant 32 : index
        %get3A_750 = tpu.vector_load %arg10[%get3A_748, %get3A_749] {strides = array<i32>} : memref<350x128xf32, #tpu.memory_space<vmem>>, vector<1x16xf32>,
        %get3A_751 = vector.shape_cast %get3A_750 : vector<1x16xf32> to vector<16xf32>
        %mul3A_752 = arith.constant 2 : i32
        %mul3A_753 = arith.muli %mul3A_752, %scan3A_706 : i32
        %add3A_754 = arith.constant 1 : i32
        %add3A_755 = arith.addi %mul3A_753, %add3A_754 : i32
        %get3A_756 = arith.index_cast %add3A_755 : i32 to index
        %get3A_757 = arith.constant 32 : index
        %get3A_758 = tpu.vector_load %arg10[%get3A_756, %get3A_757] {strides = array<i32>} : memref<350x128xf32, #tpu.memory_space<vmem>>, vector<1x16xf32>,
        %get3A_759 = vector.shape_cast %get3A_758 : vector<1x16xf32> to vector<16xf32>
        %add3A_760 = arith.addf %get3A_751, %get3A_759 : vector<16xf32>
        %add3A_761 = arith.addf %scan3A_709, %add3A_760 : vector<16xf32>
        %mul3A_762 = arith.constant 2 : i32
        %mul3A_763 = arith.muli %mul3A_762, %scan3A_706 : i32
        %get3A_764 = arith.index_cast %mul3A_763 : i32 to index
        %get3A_765 = arith.constant 48 : index
        %get3A_766 = tpu.vector_load %arg10[%get3A_764, %get3A_765] {strides = array<i32>} : memref<350x128xf32, #tpu.memory_space<vmem>>, vector<1x16xf32>,
        %get3A_767 = vector.shape_cast %get3A_766 : vector<1x16xf32> to vector<16xf32>
        %mul3A_768 = arith.constant 2 : i32
        %mul3A_769 = arith.muli %mul3A_768, %scan3A_706 : i32
        %add3A_770 = arith.constant 1 : i32
        %add3A_771 = arith.addi %mul3A_769, %add3A_770 : i32
        %get3A_772 = arith.index_cast %add3A_771 : i32 to index
        %get3A_773 = arith.constant 48 : index
        %get3A_774 = tpu.vector_load %arg10[%get3A_772, %get3A_773] {strides = array<i32>} : memref<350x128xf32, #tpu.memory_space<vmem>>, vector<1x16xf32>,
        %get3A_775 = vector.shape_cast %get3A_774 : vector<1x16xf32> to vector<16xf32>
        %add3A_776 = arith.addf %get3A_767, %get3A_775 : vector<16xf32>
        %add3A_777 = arith.addf %scan3A_710, %add3A_776 : vector<16xf32>
        %mul3A_778 = arith.constant 2 : i32
        %mul3A_779 = arith.muli %mul3A_778, %scan3A_706 : i32
        %get3A_780 = arith.index_cast %mul3A_779 : i32 to index
        %get3A_781 = arith.constant 64 : index
        %get3A_782 = tpu.vector_load %arg10[%get3A_780, %get3A_781] {strides = array<i32>} : memref<350x128xf32, #tpu.memory_space<vmem>>, vector<1x16xf32>,
        %get3A_783 = vector.shape_cast %get3A_782 : vector<1x16xf32> to vector<16xf32>
        %mul3A_784 = arith.constant 2 : i32
        %mul3A_785 = arith.muli %mul3A_784, %scan3A_706 : i32
        %add3A_786 = arith.constant 1 : i32
        %add3A_787 = arith.addi %mul3A_785, %add3A_786 : i32
        %get3A_788 = arith.index_cast %add3A_787 : i32 to index
        %get3A_789 = arith.constant 64 : index
        %get3A_790 = tpu.vector_load %arg10[%get3A_788, %get3A_789] {strides = array<i32>} : memref<350x128xf32, #tpu.memory_space<vmem>>, vector<1x16xf32>,
        %get3A_791 = vector.shape_cast %get3A_790 : vector<1x16xf32> to vector<16xf32>
        %add3A_792 = arith.addf %get3A_783, %get3A_791 : vector<16xf32>
        %add3A_793 = arith.addf %scan3A_711, %add3A_792 : vector<16xf32>
        %mul3A_794 = arith.constant 2 : i32
        %mul3A_795 = arith.muli %mul3A_794, %scan3A_706 : i32
        %get3A_796 = arith.index_cast %mul3A_795 : i32 to index
        %get3A_797 = arith.constant 80 : index
        %get3A_798 = tpu.vector_load %arg10[%get3A_796, %get3A_797] {strides = array<i32>} : memref<350x128xf32, #tpu.memory_space<vmem>>, vector<1x16xf32>,
        %get3A_799 = vector.shape_cast %get3A_798 : vector<1x16xf32> to vector<16xf32>
        %mul3A_800 = arith.constant 2 : i32
        %mul3A_801 = arith.muli %mul3A_800, %scan3A_706 : i32
        %add3A_802 = arith.constant 1 : i32
        %add3A_803 = arith.addi %mul3A_801, %add3A_802 : i32
        %get3A_804 = arith.index_cast %add3A_803 : i32 to index
        %get3A_805 = arith.constant 80 : index
        %get3A_806 = tpu.vector_load %arg10[%get3A_804, %get3A_805] {strides = array<i32>} : memref<350x128xf32, #tpu.memory_space<vmem>>, vector<1x16xf32>,
        %get3A_807 = vector.shape_cast %get3A_806 : vector<1x16xf32> to vector<16xf32>
        %add3A_808 = arith.addf %get3A_799, %get3A_807 : vector<16xf32>
        %add3A_809 = arith.addf %scan3A_712, %add3A_808 : vector<16xf32>
        %mul3A_810 = arith.constant 2 : i32
        %mul3A_811 = arith.muli %mul3A_810, %scan3A_706 : i32
        %get3A_812 = arith.index_cast %mul3A_811 : i32 to index
        %get3A_813 = arith.constant 96 : index
        %get3A_814 = tpu.vector_load %arg10[%get3A_812, %get3A_813] {strides = array<i32>} : memref<350x128xf32, #tpu.memory_space<vmem>>, vector<1x16xf32>,
        %get3A_815 = vector.shape_cast %get3A_814 : vector<1x16xf32> to vector<16xf32>
        %mul3A_816 = arith.constant 2 : i32
        %mul3A_817 = arith.muli %mul3A_816, %scan3A_706 : i32
        %add3A_818 = arith.constant 1 : i32
        %add3A_819 = arith.addi %mul3A_817, %add3A_818 : i32
        %get3A_820 = arith.index_cast %add3A_819 : i32 to index
        %get3A_821 = arith.constant 96 : index
        %get3A_822 = tpu.vector_load %arg10[%get3A_820, %get3A_821] {strides = array<i32>} : memref<350x128xf32, #tpu.memory_space<vmem>>, vector<1x16xf32>,
        %get3A_823 = vector.shape_cast %get3A_822 : vector<1x16xf32> to vector<16xf32>
        %add3A_824 = arith.addf %get3A_815, %get3A_823 : vector<16xf32>
        %add3A_825 = arith.addf %scan3A_713, %add3A_824 : vector<16xf32>
        %mul3A_826 = arith.constant 2 : i32
        %mul3A_827 = arith.muli %mul3A_826, %scan3A_706 : i32
        %get3A_828 = arith.index_cast %mul3A_827 : i32 to index
        %get3A_829 = arith.constant 112 : index
        %get3A_830 = tpu.vector_load %arg10[%get3A_828, %get3A_829] {strides = array<i32>} : memref<350x128xf32, #tpu.memory_space<vmem>>, vector<1x16xf32>,
        %get3A_831 = vector.shape_cast %get3A_830 : vector<1x16xf32> to vector<16xf32>
        %mul3A_832 = arith.constant 2 : i32
        %mul3A_833 = arith.muli %mul3A_832, %scan3A_706 : i32
        %add3A_834 = arith.constant 1 : i32
        %add3A_835 = arith.addi %mul3A_833, %add3A_834 : i32
        %get3A_836 = arith.index_cast %add3A_835 : i32 to index
        %get3A_837 = arith.constant 112 : index
        %get3A_838 = tpu.vector_load %arg10[%get3A_836, %get3A_837] {strides = array<i32>} : memref<350x128xf32, #tpu.memory_space<vmem>>, vector<1x16xf32>,
        %get3A_839 = vector.shape_cast %get3A_838 : vector<1x16xf32> to vector<16xf32>
        %add3A_840 = arith.addf %get3A_831, %get3A_839 : vector<16xf32>
        %add3A_841 = arith.addf %scan3A_714, %add3A_840 : vector<16xf32>
        scf.yield %add3A_729, %add3A_745, %add3A_761, %add3A_777, %add3A_793, %add3A_809, %add3A_825, %add3A_841 : vector<16xf32>, vector<16xf32>, vector<16xf32>, vector<16xf32>, vector<16xf32>, vector<16xf32>, vector<16xf32>, vector<16xf32>
      }
      %scan3A_656 = arith.constant 175 : i32
      %swap3A_657 = arith.index_cast %add3A_634 : i32 to index
      %swap3A_658 = arith.constant 0 : index
      %swap3A_659 = tpu.vector_load %arg11[%swap3A_657, %swap3A_658] {strides = array<i32>} : memref<32x128xf32, #tpu.memory_space<vmem>>, vector<1x16xf32>,
      %swap3A_660 = vector.shape_cast %swap3A_659 : vector<1x16xf32> to vector<16xf32>
      %swap3A_661 = vector.shape_cast %scan3A_655#0 : vector<16xf32> to vector<1x16xf32>
      tpu.vector_store %arg11[%swap3A_657, %swap3A_658], %swap3A_661 {strides = array<i32>} : memref<32x128xf32, #tpu.memory_space<vmem>>, vector<1x16xf32>,
      %swap3A_662 = arith.index_cast %add3A_634 : i32 to index
      %swap3A_663 = arith.constant 16 : index
      %swap3A_664 = tpu.vector_load %arg11[%swap3A_662, %swap3A_663] {strides = array<i32>} : memref<32x128xf32, #tpu.memory_space<vmem>>, vector<1x16xf32>,
      %swap3A_665 = vector.shape_cast %swap3A_664 : vector<1x16xf32> to vector<16xf32>
      %swap3A_666 = vector.shape_cast %scan3A_655#1 : vector<16xf32> to vector<1x16xf32>
      tpu.vector_store %arg11[%swap3A_662, %swap3A_663], %swap3A_666 {strides = array<i32>} : memref<32x128xf32, #tpu.memory_space<vmem>>, vector<1x16xf32>,
      %swap3A_667 = arith.index_cast %add3A_634 : i32 to index
      %swap3A_668 = arith.constant 32 : index
      %swap3A_669 = tpu.vector_load %arg11[%swap3A_667, %swap3A_668] {strides = array<i32>} : memref<32x128xf32, #tpu.memory_space<vmem>>, vector<1x16xf32>,
      %swap3A_670 = vector.shape_cast %swap3A_669 : vector<1x16xf32> to vector<16xf32>
      %swap3A_671 = vector.shape_cast %scan3A_655#2 : vector<16xf32> to vector<1x16xf32>
      tpu.vector_store %arg11[%swap3A_667, %swap3A_668], %swap3A_671 {strides = array<i32>} : memref<32x128xf32, #tpu.memory_space<vmem>>, vector<1x16xf32>,
      %swap3A_672 = arith.index_cast %add3A_634 : i32 to index
      %swap3A_673 = arith.constant 48 : index
      %swap3A_674 = tpu.vector_load %arg11[%swap3A_672, %swap3A_673] {strides = array<i32>} : memref<32x128xf32, #tpu.memory_space<vmem>>, vector<1x16xf32>,
      %swap3A_675 = vector.shape_cast %swap3A_674 : vector<1x16xf32> to vector<16xf32>
      %swap3A_676 = vector.shape_cast %scan3A_655#3 : vector<16xf32> to vector<1x16xf32>
      tpu.vector_store %arg11[%swap3A_672, %swap3A_673], %swap3A_676 {strides = array<i32>} : memref<32x128xf32, #tpu.memory_space<vmem>>, vector<1x16xf32>,
      %swap3A_677 = arith.index_cast %add3A_634 : i32 to index
      %swap3A_678 = arith.constant 64 : index
      %swap3A_679 = tpu.vector_load %arg11[%swap3A_677, %swap3A_678] {strides = array<i32>} : memref<32x128xf32, #tpu.memory_space<vmem>>, vector<1x16xf32>,
      %swap3A_680 = vector.shape_cast %swap3A_679 : vector<1x16xf32> to vector<16xf32>
      %swap3A_681 = vector.shape_cast %scan3A_655#4 : vector<16xf32> to vector<1x16xf32>
      tpu.vector_store %arg11[%swap3A_677, %swap3A_678], %swap3A_681 {strides = array<i32>} : memref<32x128xf32, #tpu.memory_space<vmem>>, vector<1x16xf32>,
      %swap3A_682 = arith.index_cast %add3A_634 : i32 to index
      %swap3A_683 = arith.constant 80 : index
      %swap3A_684 = tpu.vector_load %arg11[%swap3A_682, %swap3A_683] {strides = array<i32>} : memref<32x128xf32, #tpu.memory_space<vmem>>, vector<1x16xf32>,
      %swap3A_685 = vector.shape_cast %swap3A_684 : vector<1x16xf32> to vector<16xf32>
      %swap3A_686 = vector.shape_cast %scan3A_655#5 : vector<16xf32> to vector<1x16xf32>
      tpu.vector_store %arg11[%swap3A_682, %swap3A_683], %swap3A_686 {strides = array<i32>} : memref<32x128xf32, #tpu.memory_space<vmem>>, vector<1x16xf32>,
      %swap3A_687 = arith.index_cast %add3A_634 : i32 to index
      %swap3A_688 = arith.constant 96 : index
      %swap3A_689 = tpu.vector_load %arg11[%swap3A_687, %swap3A_688] {strides = array<i32>} : memref<32x128xf32, #tpu.memory_space<vmem>>, vector<1x16xf32>,
      %swap3A_690 = vector.shape_cast %swap3A_689 : vector<1x16xf32> to vector<16xf32>
      %swap3A_691 = vector.shape_cast %scan3A_655#6 : vector<16xf32> to vector<1x16xf32>
      tpu.vector_store %arg11[%swap3A_687, %swap3A_688], %swap3A_691 {strides = array<i32>} : memref<32x128xf32, #tpu.memory_space<vmem>>, vector<1x16xf32>,
      %swap3A_692 = arith.index_cast %add3A_634 : i32 to index
      %swap3A_693 = arith.constant 112 : index
      %swap3A_694 = tpu.vector_load %arg11[%swap3A_692, %swap3A_693] {strides = array<i32>} : memref<32x128xf32, #tpu.memory_space<vmem>>, vector<1x16xf32>,
      %swap3A_695 = vector.shape_cast %swap3A_694 : vector<1x16xf32> to vector<16xf32>
      %swap3A_696 = vector.shape_cast %scan3A_655#7 : vector<16xf32> to vector<1x16xf32>
      tpu.vector_store %arg11[%swap3A_692, %swap3A_693], %swap3A_696 {strides = array<i32>} : memref<32x128xf32, #tpu.memory_space<vmem>>, vector<1x16xf32>,
      %dma_wait3A_697 = arith.constant 0 : i32
      %dma_wait3A_698 = tpu.memref_slice %arg2[%mul3A_2, %dma_wait3A_697] : memref<1024x350xi32, #tpu.memory_space<hbm>> -> memref<1x350xi32, #tpu.memory_space<hbm>>
      %dma_wait3A_699 = tpu.memref_squeeze %dma_wait3A_698 : memref<1x350xi32, #tpu.memory_space<hbm>> -> memref<350xi32, #tpu.memory_space<hbm>>
      %dma_wait3A_700 = arith.constant 0 : i32
      %dma_wait3A_701 = tpu.memref_slice %arg2[%mul3A_2, %dma_wait3A_700] : memref<1024x350xi32, #tpu.memory_space<hbm>> -> memref<1x350xi32, #tpu.memory_space<hbm>>
      %dma_wait3A_702 = tpu.memref_squeeze %dma_wait3A_701 : memref<1x350xi32, #tpu.memory_space<hbm>> -> memref<350xi32, #tpu.memory_space<hbm>>
      tpu.wait_dma2 semaphore(%arg13 : memref<!tpu.dma_semaphore, #tpu.memory_space<semaphore_mem>>) src(%dma_wait3A_702 : memref<350xi32, #tpu.memory_space<hbm>>) dst(%arg6 : memref<350xi32, #tpu.memory_space<vmem>>)
      %dma_start3A_703 = arith.constant 0 : i32
      %dma_start3A_704 = arith.constant 0 : i32
      %dma_start3A_705 = tpu.memref_slice %arg3[%dma_start3A_703, %dma_start3A_704] : memref<1253446x128xf32, #tpu.memory_space<hbm>> -> memref<1253446x128xf32, #tpu.memory_space<hbm>>
      tpu.enqueue_indirect_dma source(%dma_start3A_705 : memref<1253446x128xf32, #tpu.memory_space<hbm>>) target(%arg10 : memref<350x128xf32, #tpu.memory_space<vmem>>) offsets(%arg6 : memref<350xi32, #tpu.memory_space<vmem>>) semaphore(%arg17 : memref<!tpu.dma_semaphore, #tpu.memory_space<semaphore_mem>>)
    }
    %scan3A_54 = arith.constant 7 : i32
    %dma_wait3A_55 = arith.constant 0 : i32
    %dma_wait3A_56 = arith.constant 0 : i32
    %dma_wait3A_57 = tpu.memref_slice %arg3[%dma_wait3A_55, %dma_wait3A_56] : memref<1253446x128xf32, #tpu.memory_space<hbm>> -> memref<1253446x128xf32, #tpu.memory_space<hbm>>
    tpu.wait_indirect_dma semaphore(%arg16 : memref<!tpu.dma_semaphore, #tpu.memory_space<semaphore_mem>>) src(%dma_wait3A_57 : memref<1253446x128xf32, #tpu.memory_space<hbm>>) dst(%arg9 : memref<350x128xf32, #tpu.memory_space<vmem>>)
    %broadcast_in_dim3A = arith.constant 0.000000e+00 : f32
    %broadcast_in_dim3A_58 = vector.broadcast %broadcast_in_dim3A : f32 to vector<16xf32>
    %broadcast_in_dim3A_59 = arith.constant 0.000000e+00 : f32
    %broadcast_in_dim3A_60 = vector.broadcast %broadcast_in_dim3A_59 : f32 to vector<16xf32>
    %broadcast_in_dim3A_61 = arith.constant 0.000000e+00 : f32
    %broadcast_in_dim3A_62 = vector.broadcast %broadcast_in_dim3A_61 : f32 to vector<16xf32>
    %broadcast_in_dim3A_63 = arith.constant 0.000000e+00 : f32
    %broadcast_in_dim3A_64 = vector.broadcast %broadcast_in_dim3A_63 : f32 to vector<16xf32>
    %broadcast_in_dim3A_65 = arith.constant 0.000000e+00 : f32
    %broadcast_in_dim3A_66 = vector.broadcast %broadcast_in_dim3A_65 : f32 to vector<16xf32>
    %broadcast_in_dim3A_67 = arith.constant 0.000000e+00 : f32
    %broadcast_in_dim3A_68 = vector.broadcast %broadcast_in_dim3A_67 : f32 to vector<16xf32>
    %broadcast_in_dim3A_69 = arith.constant 0.000000e+00 : f32
    %broadcast_in_dim3A_70 = vector.broadcast %broadcast_in_dim3A_69 : f32 to vector<16xf32>
    %broadcast_in_dim3A_71 = arith.constant 0.000000e+00 : f32
    %broadcast_in_dim3A_72 = vector.broadcast %broadcast_in_dim3A_71 : f32 to vector<16xf32>
    %scan3A_73 = arith.constant 0 : i32
    %scan3A_74 = arith.constant 175 : i32
    %scan3A_75 = arith.addi %scan3A_73, %scan3A_74 : i32
    %scan3A_76 = arith.constant 1 : i32
    %scan3A_77:8 = scf.for %scan3A_363 = %scan3A_73 to %scan3A_75 step %scan3A_76 iter_args(%scan3A_364 = %broadcast_in_dim3A_58, %scan3A_365 = %broadcast_in_dim3A_60, %scan3A_366 = %broadcast_in_dim3A_62, %scan3A_367 = %broadcast_in_dim3A_64, %scan3A_368 = %broadcast_in_dim3A_66, %scan3A_369 = %broadcast_in_dim3A_68, %scan3A_370 = %broadcast_in_dim3A_70, %scan3A_371 = %broadcast_in_dim3A_72) -> (vector<16xf32>, vector<16xf32>, vector<16xf32>, vector<16xf32>, vector<16xf32>, vector<16xf32>, vector<16xf32>, vector<16xf32>)  : i32 {
      %mul3A_372 = arith.constant 2 : i32
      %mul3A_373 = arith.muli %mul3A_372, %scan3A_363 : i32
      %get3A = arith.index_cast %mul3A_373 : i32 to index
      %get3A_374 = arith.constant 0 : index
      %get3A_375 = tpu.vector_load %arg9[%get3A, %get3A_374] {strides = array<i32>} : memref<350x128xf32, #tpu.memory_space<vmem>>, vector<1x16xf32>,
      %get3A_376 = vector.shape_cast %get3A_375 : vector<1x16xf32> to vector<16xf32>
      %mul3A_377 = arith.constant 2 : i32
      %mul3A_378 = arith.muli %mul3A_377, %scan3A_363 : i32
      %add3A_379 = arith.constant 1 : i32
      %add3A_380 = arith.addi %mul3A_378, %add3A_379 : i32
      %get3A_381 = arith.index_cast %add3A_380 : i32 to index
      %get3A_382 = arith.constant 0 : index
      %get3A_383 = tpu.vector_load %arg9[%get3A_381, %get3A_382] {strides = array<i32>} : memref<350x128xf32, #tpu.memory_space<vmem>>, vector<1x16xf32>,
      %get3A_384 = vector.shape_cast %get3A_383 : vector<1x16xf32> to vector<16xf32>
      %add3A_385 = arith.addf %get3A_376, %get3A_384 : vector<16xf32>
      %add3A_386 = arith.addf %scan3A_364, %add3A_385 : vector<16xf32>
      %mul3A_387 = arith.constant 2 : i32
      %mul3A_388 = arith.muli %mul3A_387, %scan3A_363 : i32
      %get3A_389 = arith.index_cast %mul3A_388 : i32 to index
      %get3A_390 = arith.constant 16 : index
      %get3A_391 = tpu.vector_load %arg9[%get3A_389, %get3A_390] {strides = array<i32>} : memref<350x128xf32, #tpu.memory_space<vmem>>, vector<1x16xf32>,
      %get3A_392 = vector.shape_cast %get3A_391 : vector<1x16xf32> to vector<16xf32>
      %mul3A_393 = arith.constant 2 : i32
      %mul3A_394 = arith.muli %mul3A_393, %scan3A_363 : i32
      %add3A_395 = arith.constant 1 : i32
      %add3A_396 = arith.addi %mul3A_394, %add3A_395 : i32
      %get3A_397 = arith.index_cast %add3A_396 : i32 to index
      %get3A_398 = arith.constant 16 : index
      %get3A_399 = tpu.vector_load %arg9[%get3A_397, %get3A_398] {strides = array<i32>} : memref<350x128xf32, #tpu.memory_space<vmem>>, vector<1x16xf32>,
      %get3A_400 = vector.shape_cast %get3A_399 : vector<1x16xf32> to vector<16xf32>
      %add3A_401 = arith.addf %get3A_392, %get3A_400 : vector<16xf32>
      %add3A_402 = arith.addf %scan3A_365, %add3A_401 : vector<16xf32>
      %mul3A_403 = arith.constant 2 : i32
      %mul3A_404 = arith.muli %mul3A_403, %scan3A_363 : i32
      %get3A_405 = arith.index_cast %mul3A_404 : i32 to index
      %get3A_406 = arith.constant 32 : index
      %get3A_407 = tpu.vector_load %arg9[%get3A_405, %get3A_406] {strides = array<i32>} : memref<350x128xf32, #tpu.memory_space<vmem>>, vector<1x16xf32>,
      %get3A_408 = vector.shape_cast %get3A_407 : vector<1x16xf32> to vector<16xf32>
      %mul3A_409 = arith.constant 2 : i32
      %mul3A_410 = arith.muli %mul3A_409, %scan3A_363 : i32
      %add3A_411 = arith.constant 1 : i32
      %add3A_412 = arith.addi %mul3A_410, %add3A_411 : i32
      %get3A_413 = arith.index_cast %add3A_412 : i32 to index
      %get3A_414 = arith.constant 32 : index
      %get3A_415 = tpu.vector_load %arg9[%get3A_413, %get3A_414] {strides = array<i32>} : memref<350x128xf32, #tpu.memory_space<vmem>>, vector<1x16xf32>,
      %get3A_416 = vector.shape_cast %get3A_415 : vector<1x16xf32> to vector<16xf32>
      %add3A_417 = arith.addf %get3A_408, %get3A_416 : vector<16xf32>
      %add3A_418 = arith.addf %scan3A_366, %add3A_417 : vector<16xf32>
      %mul3A_419 = arith.constant 2 : i32
      %mul3A_420 = arith.muli %mul3A_419, %scan3A_363 : i32
      %get3A_421 = arith.index_cast %mul3A_420 : i32 to index
      %get3A_422 = arith.constant 48 : index
      %get3A_423 = tpu.vector_load %arg9[%get3A_421, %get3A_422] {strides = array<i32>} : memref<350x128xf32, #tpu.memory_space<vmem>>, vector<1x16xf32>,
      %get3A_424 = vector.shape_cast %get3A_423 : vector<1x16xf32> to vector<16xf32>
      %mul3A_425 = arith.constant 2 : i32
      %mul3A_426 = arith.muli %mul3A_425, %scan3A_363 : i32
      %add3A_427 = arith.constant 1 : i32
      %add3A_428 = arith.addi %mul3A_426, %add3A_427 : i32
      %get3A_429 = arith.index_cast %add3A_428 : i32 to index
      %get3A_430 = arith.constant 48 : index
      %get3A_431 = tpu.vector_load %arg9[%get3A_429, %get3A_430] {strides = array<i32>} : memref<350x128xf32, #tpu.memory_space<vmem>>, vector<1x16xf32>,
      %get3A_432 = vector.shape_cast %get3A_431 : vector<1x16xf32> to vector<16xf32>
      %add3A_433 = arith.addf %get3A_424, %get3A_432 : vector<16xf32>
      %add3A_434 = arith.addf %scan3A_367, %add3A_433 : vector<16xf32>
      %mul3A_435 = arith.constant 2 : i32
      %mul3A_436 = arith.muli %mul3A_435, %scan3A_363 : i32
      %get3A_437 = arith.index_cast %mul3A_436 : i32 to index
      %get3A_438 = arith.constant 64 : index
      %get3A_439 = tpu.vector_load %arg9[%get3A_437, %get3A_438] {strides = array<i32>} : memref<350x128xf32, #tpu.memory_space<vmem>>, vector<1x16xf32>,
      %get3A_440 = vector.shape_cast %get3A_439 : vector<1x16xf32> to vector<16xf32>
      %mul3A_441 = arith.constant 2 : i32
      %mul3A_442 = arith.muli %mul3A_441, %scan3A_363 : i32
      %add3A_443 = arith.constant 1 : i32
      %add3A_444 = arith.addi %mul3A_442, %add3A_443 : i32
      %get3A_445 = arith.index_cast %add3A_444 : i32 to index
      %get3A_446 = arith.constant 64 : index
      %get3A_447 = tpu.vector_load %arg9[%get3A_445, %get3A_446] {strides = array<i32>} : memref<350x128xf32, #tpu.memory_space<vmem>>, vector<1x16xf32>,
      %get3A_448 = vector.shape_cast %get3A_447 : vector<1x16xf32> to vector<16xf32>
      %add3A_449 = arith.addf %get3A_440, %get3A_448 : vector<16xf32>
      %add3A_450 = arith.addf %scan3A_368, %add3A_449 : vector<16xf32>
      %mul3A_451 = arith.constant 2 : i32
      %mul3A_452 = arith.muli %mul3A_451, %scan3A_363 : i32
      %get3A_453 = arith.index_cast %mul3A_452 : i32 to index
      %get3A_454 = arith.constant 80 : index
      %get3A_455 = tpu.vector_load %arg9[%get3A_453, %get3A_454] {strides = array<i32>} : memref<350x128xf32, #tpu.memory_space<vmem>>, vector<1x16xf32>,
      %get3A_456 = vector.shape_cast %get3A_455 : vector<1x16xf32> to vector<16xf32>
      %mul3A_457 = arith.constant 2 : i32
      %mul3A_458 = arith.muli %mul3A_457, %scan3A_363 : i32
      %add3A_459 = arith.constant 1 : i32
      %add3A_460 = arith.addi %mul3A_458, %add3A_459 : i32
      %get3A_461 = arith.index_cast %add3A_460 : i32 to index
      %get3A_462 = arith.constant 80 : index
      %get3A_463 = tpu.vector_load %arg9[%get3A_461, %get3A_462] {strides = array<i32>} : memref<350x128xf32, #tpu.memory_space<vmem>>, vector<1x16xf32>,
      %get3A_464 = vector.shape_cast %get3A_463 : vector<1x16xf32> to vector<16xf32>
      %add3A_465 = arith.addf %get3A_456, %get3A_464 : vector<16xf32>
      %add3A_466 = arith.addf %scan3A_369, %add3A_465 : vector<16xf32>
      %mul3A_467 = arith.constant 2 : i32
      %mul3A_468 = arith.muli %mul3A_467, %scan3A_363 : i32
      %get3A_469 = arith.index_cast %mul3A_468 : i32 to index
      %get3A_470 = arith.constant 96 : index
      %get3A_471 = tpu.vector_load %arg9[%get3A_469, %get3A_470] {strides = array<i32>} : memref<350x128xf32, #tpu.memory_space<vmem>>, vector<1x16xf32>,
      %get3A_472 = vector.shape_cast %get3A_471 : vector<1x16xf32> to vector<16xf32>
      %mul3A_473 = arith.constant 2 : i32
      %mul3A_474 = arith.muli %mul3A_473, %scan3A_363 : i32
      %add3A_475 = arith.constant 1 : i32
      %add3A_476 = arith.addi %mul3A_474, %add3A_475 : i32
      %get3A_477 = arith.index_cast %add3A_476 : i32 to index
      %get3A_478 = arith.constant 96 : index
      %get3A_479 = tpu.vector_load %arg9[%get3A_477, %get3A_478] {strides = array<i32>} : memref<350x128xf32, #tpu.memory_space<vmem>>, vector<1x16xf32>,
      %get3A_480 = vector.shape_cast %get3A_479 : vector<1x16xf32> to vector<16xf32>
      %add3A_481 = arith.addf %get3A_472, %get3A_480 : vector<16xf32>
      %add3A_482 = arith.addf %scan3A_370, %add3A_481 : vector<16xf32>
      %mul3A_483 = arith.constant 2 : i32
      %mul3A_484 = arith.muli %mul3A_483, %scan3A_363 : i32
      %get3A_485 = arith.index_cast %mul3A_484 : i32 to index
      %get3A_486 = arith.constant 112 : index
      %get3A_487 = tpu.vector_load %arg9[%get3A_485, %get3A_486] {strides = array<i32>} : memref<350x128xf32, #tpu.memory_space<vmem>>, vector<1x16xf32>,
      %get3A_488 = vector.shape_cast %get3A_487 : vector<1x16xf32> to vector<16xf32>
      %mul3A_489 = arith.constant 2 : i32
      %mul3A_490 = arith.muli %mul3A_489, %scan3A_363 : i32
      %add3A_491 = arith.constant 1 : i32
      %add3A_492 = arith.addi %mul3A_490, %add3A_491 : i32
      %get3A_493 = arith.index_cast %add3A_492 : i32 to index
      %get3A_494 = arith.constant 112 : index
      %get3A_495 = tpu.vector_load %arg9[%get3A_493, %get3A_494] {strides = array<i32>} : memref<350x128xf32, #tpu.memory_space<vmem>>, vector<1x16xf32>,
      %get3A_496 = vector.shape_cast %get3A_495 : vector<1x16xf32> to vector<16xf32>
      %add3A_497 = arith.addf %get3A_488, %get3A_496 : vector<16xf32>
      %add3A_498 = arith.addf %scan3A_371, %add3A_497 : vector<16xf32>
      scf.yield %add3A_386, %add3A_402, %add3A_418, %add3A_434, %add3A_450, %add3A_466, %add3A_482, %add3A_498 : vector<16xf32>, vector<16xf32>, vector<16xf32>, vector<16xf32>, vector<16xf32>, vector<16xf32>, vector<16xf32>, vector<16xf32>
    }
    %scan3A_78 = arith.constant 175 : i32
    %swap3A = arith.constant 28 : i32
    %swap3A_79 = arith.index_cast %swap3A : i32 to index
    %swap3A_80 = arith.constant 0 : index
    %swap3A_81 = tpu.vector_load %arg11[%swap3A_79, %swap3A_80] {strides = array<i32>} : memref<32x128xf32, #tpu.memory_space<vmem>>, vector<1x16xf32>,
    %swap3A_82 = vector.shape_cast %swap3A_81 : vector<1x16xf32> to vector<16xf32>
    %swap3A_83 = vector.shape_cast %scan3A_77#0 : vector<16xf32> to vector<1x16xf32>
    tpu.vector_store %arg11[%swap3A_79, %swap3A_80], %swap3A_83 {strides = array<i32>} : memref<32x128xf32, #tpu.memory_space<vmem>>, vector<1x16xf32>,
    %swap3A_84 = arith.constant 28 : i32
    %swap3A_85 = arith.index_cast %swap3A_84 : i32 to index
    %swap3A_86 = arith.constant 16 : index
    %swap3A_87 = tpu.vector_load %arg11[%swap3A_85, %swap3A_86] {strides = array<i32>} : memref<32x128xf32, #tpu.memory_space<vmem>>, vector<1x16xf32>,
    %swap3A_88 = vector.shape_cast %swap3A_87 : vector<1x16xf32> to vector<16xf32>
    %swap3A_89 = vector.shape_cast %scan3A_77#1 : vector<16xf32> to vector<1x16xf32>
    tpu.vector_store %arg11[%swap3A_85, %swap3A_86], %swap3A_89 {strides = array<i32>} : memref<32x128xf32, #tpu.memory_space<vmem>>, vector<1x16xf32>,
    %swap3A_90 = arith.constant 28 : i32
    %swap3A_91 = arith.index_cast %swap3A_90 : i32 to index
    %swap3A_92 = arith.constant 32 : index
    %swap3A_93 = tpu.vector_load %arg11[%swap3A_91, %swap3A_92] {strides = array<i32>} : memref<32x128xf32, #tpu.memory_space<vmem>>, vector<1x16xf32>,
    %swap3A_94 = vector.shape_cast %swap3A_93 : vector<1x16xf32> to vector<16xf32>
    %swap3A_95 = vector.shape_cast %scan3A_77#2 : vector<16xf32> to vector<1x16xf32>
    tpu.vector_store %arg11[%swap3A_91, %swap3A_92], %swap3A_95 {strides = array<i32>} : memref<32x128xf32, #tpu.memory_space<vmem>>, vector<1x16xf32>,
    %swap3A_96 = arith.constant 28 : i32
    %swap3A_97 = arith.index_cast %swap3A_96 : i32 to index
    %swap3A_98 = arith.constant 48 : index
    %swap3A_99 = tpu.vector_load %arg11[%swap3A_97, %swap3A_98] {strides = array<i32>} : memref<32x128xf32, #tpu.memory_space<vmem>>, vector<1x16xf32>,
    %swap3A_100 = vector.shape_cast %swap3A_99 : vector<1x16xf32> to vector<16xf32>
    %swap3A_101 = vector.shape_cast %scan3A_77#3 : vector<16xf32> to vector<1x16xf32>
    tpu.vector_store %arg11[%swap3A_97, %swap3A_98], %swap3A_101 {strides = array<i32>} : memref<32x128xf32, #tpu.memory_space<vmem>>, vector<1x16xf32>,
    %swap3A_102 = arith.constant 28 : i32
    %swap3A_103 = arith.index_cast %swap3A_102 : i32 to index
    %swap3A_104 = arith.constant 64 : index
    %swap3A_105 = tpu.vector_load %arg11[%swap3A_103, %swap3A_104] {strides = array<i32>} : memref<32x128xf32, #tpu.memory_space<vmem>>, vector<1x16xf32>,
    %swap3A_106 = vector.shape_cast %swap3A_105 : vector<1x16xf32> to vector<16xf32>
    %swap3A_107 = vector.shape_cast %scan3A_77#4 : vector<16xf32> to vector<1x16xf32>
    tpu.vector_store %arg11[%swap3A_103, %swap3A_104], %swap3A_107 {strides = array<i32>} : memref<32x128xf32, #tpu.memory_space<vmem>>, vector<1x16xf32>,
    %swap3A_108 = arith.constant 28 : i32
    %swap3A_109 = arith.index_cast %swap3A_108 : i32 to index
    %swap3A_110 = arith.constant 80 : index
    %swap3A_111 = tpu.vector_load %arg11[%swap3A_109, %swap3A_110] {strides = array<i32>} : memref<32x128xf32, #tpu.memory_space<vmem>>, vector<1x16xf32>,
    %swap3A_112 = vector.shape_cast %swap3A_111 : vector<1x16xf32> to vector<16xf32>
    %swap3A_113 = vector.shape_cast %scan3A_77#5 : vector<16xf32> to vector<1x16xf32>
    tpu.vector_store %arg11[%swap3A_109, %swap3A_110], %swap3A_113 {strides = array<i32>} : memref<32x128xf32, #tpu.memory_space<vmem>>, vector<1x16xf32>,
    %swap3A_114 = arith.constant 28 : i32
    %swap3A_115 = arith.index_cast %swap3A_114 : i32 to index
    %swap3A_116 = arith.constant 96 : index
    %swap3A_117 = tpu.vector_load %arg11[%swap3A_115, %swap3A_116] {strides = array<i32>} : memref<32x128xf32, #tpu.memory_space<vmem>>, vector<1x16xf32>,
    %swap3A_118 = vector.shape_cast %swap3A_117 : vector<1x16xf32> to vector<16xf32>
    %swap3A_119 = vector.shape_cast %scan3A_77#6 : vector<16xf32> to vector<1x16xf32>
    tpu.vector_store %arg11[%swap3A_115, %swap3A_116], %swap3A_119 {strides = array<i32>} : memref<32x128xf32, #tpu.memory_space<vmem>>, vector<1x16xf32>,
    %swap3A_120 = arith.constant 28 : i32
    %swap3A_121 = arith.index_cast %swap3A_120 : i32 to index
    %swap3A_122 = arith.constant 112 : index
    %swap3A_123 = tpu.vector_load %arg11[%swap3A_121, %swap3A_122] {strides = array<i32>} : memref<32x128xf32, #tpu.memory_space<vmem>>, vector<1x16xf32>,
    %swap3A_124 = vector.shape_cast %swap3A_123 : vector<1x16xf32> to vector<16xf32>
    %swap3A_125 = vector.shape_cast %scan3A_77#7 : vector<16xf32> to vector<1x16xf32>
    tpu.vector_store %arg11[%swap3A_121, %swap3A_122], %swap3A_125 {strides = array<i32>} : memref<32x128xf32, #tpu.memory_space<vmem>>, vector<1x16xf32>,
    %dma_wait3A_126 = arith.constant 0 : i32
    %dma_wait3A_127 = tpu.memref_slice %arg2[%mul3A_2, %dma_wait3A_126] : memref<1024x350xi32, #tpu.memory_space<hbm>> -> memref<1x350xi32, #tpu.memory_space<hbm>>
    %dma_wait3A_128 = tpu.memref_squeeze %dma_wait3A_127 : memref<1x350xi32, #tpu.memory_space<hbm>> -> memref<350xi32, #tpu.memory_space<hbm>>
    %dma_wait3A_129 = arith.constant 0 : i32
    %dma_wait3A_130 = tpu.memref_slice %arg2[%mul3A_2, %dma_wait3A_129] : memref<1024x350xi32, #tpu.memory_space<hbm>> -> memref<1x350xi32, #tpu.memory_space<hbm>>
    %dma_wait3A_131 = tpu.memref_squeeze %dma_wait3A_130 : memref<1x350xi32, #tpu.memory_space<hbm>> -> memref<350xi32, #tpu.memory_space<hbm>>
    tpu.wait_dma2 semaphore(%arg14 : memref<!tpu.dma_semaphore, #tpu.memory_space<semaphore_mem>>) src(%dma_wait3A_131 : memref<350xi32, #tpu.memory_space<hbm>>) dst(%arg7 : memref<350xi32, #tpu.memory_space<vmem>>)
    %dma_start3A_132 = arith.constant 0 : i32
    %dma_start3A_133 = arith.constant 0 : i32
    %dma_start3A_134 = tpu.memref_slice %arg3[%dma_start3A_132, %dma_start3A_133] : memref<1253446x128xf32, #tpu.memory_space<hbm>> -> memref<1253446x128xf32, #tpu.memory_space<hbm>>
    tpu.enqueue_indirect_dma source(%dma_start3A_134 : memref<1253446x128xf32, #tpu.memory_space<hbm>>) target(%arg9 : memref<350x128xf32, #tpu.memory_space<vmem>>) offsets(%arg7 : memref<350xi32, #tpu.memory_space<vmem>>) semaphore(%arg16 : memref<!tpu.dma_semaphore, #tpu.memory_space<semaphore_mem>>)
    %dma_wait3A_135 = arith.constant 0 : i32
    %dma_wait3A_136 = arith.constant 0 : i32
    %dma_wait3A_137 = tpu.memref_slice %arg3[%dma_wait3A_135, %dma_wait3A_136] : memref<1253446x128xf32, #tpu.memory_space<hbm>> -> memref<1253446x128xf32, #tpu.memory_space<hbm>>
    tpu.wait_indirect_dma semaphore(%arg17 : memref<!tpu.dma_semaphore, #tpu.memory_space<semaphore_mem>>) src(%dma_wait3A_137 : memref<1253446x128xf32, #tpu.memory_space<hbm>>) dst(%arg10 : memref<350x128xf32, #tpu.memory_space<vmem>>)
    %broadcast_in_dim3A_138 = arith.constant 0.000000e+00 : f32
    %broadcast_in_dim3A_139 = vector.broadcast %broadcast_in_dim3A_138 : f32 to vector<16xf32>
    %broadcast_in_dim3A_140 = arith.constant 0.000000e+00 : f32
    %broadcast_in_dim3A_141 = vector.broadcast %broadcast_in_dim3A_140 : f32 to vector<16xf32>
    %broadcast_in_dim3A_142 = arith.constant 0.000000e+00 : f32
    %broadcast_in_dim3A_143 = vector.broadcast %broadcast_in_dim3A_142 : f32 to vector<16xf32>
    %broadcast_in_dim3A_144 = arith.constant 0.000000e+00 : f32
    %broadcast_in_dim3A_145 = vector.broadcast %broadcast_in_dim3A_144 : f32 to vector<16xf32>
    %broadcast_in_dim3A_146 = arith.constant 0.000000e+00 : f32
    %broadcast_in_dim3A_147 = vector.broadcast %broadcast_in_dim3A_146 : f32 to vector<16xf32>
    %broadcast_in_dim3A_148 = arith.constant 0.000000e+00 : f32
    %broadcast_in_dim3A_149 = vector.broadcast %broadcast_in_dim3A_148 : f32 to vector<16xf32>
    %broadcast_in_dim3A_150 = arith.constant 0.000000e+00 : f32
    %broadcast_in_dim3A_151 = vector.broadcast %broadcast_in_dim3A_150 : f32 to vector<16xf32>
    %broadcast_in_dim3A_152 = arith.constant 0.000000e+00 : f32
    %broadcast_in_dim3A_153 = vector.broadcast %broadcast_in_dim3A_152 : f32 to vector<16xf32>
    %scan3A_154 = arith.constant 0 : i32
    %scan3A_155 = arith.constant 175 : i32
    %scan3A_156 = arith.addi %scan3A_154, %scan3A_155 : i32
    %scan3A_157 = arith.constant 1 : i32
    %scan3A_158:8 = scf.for %scan3A_363 = %scan3A_154 to %scan3A_156 step %scan3A_157 iter_args(%scan3A_364 = %broadcast_in_dim3A_139, %scan3A_365 = %broadcast_in_dim3A_141, %scan3A_366 = %broadcast_in_dim3A_143, %scan3A_367 = %broadcast_in_dim3A_145, %scan3A_368 = %broadcast_in_dim3A_147, %scan3A_369 = %broadcast_in_dim3A_149, %scan3A_370 = %broadcast_in_dim3A_151, %scan3A_371 = %broadcast_in_dim3A_153) -> (vector<16xf32>, vector<16xf32>, vector<16xf32>, vector<16xf32>, vector<16xf32>, vector<16xf32>, vector<16xf32>, vector<16xf32>)  : i32 {
      %mul3A_372 = arith.constant 2 : i32
      %mul3A_373 = arith.muli %mul3A_372, %scan3A_363 : i32
      %get3A = arith.index_cast %mul3A_373 : i32 to index
      %get3A_374 = arith.constant 0 : index
      %get3A_375 = tpu.vector_load %arg10[%get3A, %get3A_374] {strides = array<i32>} : memref<350x128xf32, #tpu.memory_space<vmem>>, vector<1x16xf32>,
      %get3A_376 = vector.shape_cast %get3A_375 : vector<1x16xf32> to vector<16xf32>
      %mul3A_377 = arith.constant 2 : i32
      %mul3A_378 = arith.muli %mul3A_377, %scan3A_363 : i32
      %add3A_379 = arith.constant 1 : i32
      %add3A_380 = arith.addi %mul3A_378, %add3A_379 : i32
      %get3A_381 = arith.index_cast %add3A_380 : i32 to index
      %get3A_382 = arith.constant 0 : index
      %get3A_383 = tpu.vector_load %arg10[%get3A_381, %get3A_382] {strides = array<i32>} : memref<350x128xf32, #tpu.memory_space<vmem>>, vector<1x16xf32>,
      %get3A_384 = vector.shape_cast %get3A_383 : vector<1x16xf32> to vector<16xf32>
      %add3A_385 = arith.addf %get3A_376, %get3A_384 : vector<16xf32>
      %add3A_386 = arith.addf %scan3A_364, %add3A_385 : vector<16xf32>
      %mul3A_387 = arith.constant 2 : i32
      %mul3A_388 = arith.muli %mul3A_387, %scan3A_363 : i32
      %get3A_389 = arith.index_cast %mul3A_388 : i32 to index
      %get3A_390 = arith.constant 16 : index
      %get3A_391 = tpu.vector_load %arg10[%get3A_389, %get3A_390] {strides = array<i32>} : memref<350x128xf32, #tpu.memory_space<vmem>>, vector<1x16xf32>,
      %get3A_392 = vector.shape_cast %get3A_391 : vector<1x16xf32> to vector<16xf32>
      %mul3A_393 = arith.constant 2 : i32
      %mul3A_394 = arith.muli %mul3A_393, %scan3A_363 : i32
      %add3A_395 = arith.constant 1 : i32
      %add3A_396 = arith.addi %mul3A_394, %add3A_395 : i32
      %get3A_397 = arith.index_cast %add3A_396 : i32 to index
      %get3A_398 = arith.constant 16 : index
      %get3A_399 = tpu.vector_load %arg10[%get3A_397, %get3A_398] {strides = array<i32>} : memref<350x128xf32, #tpu.memory_space<vmem>>, vector<1x16xf32>,
      %get3A_400 = vector.shape_cast %get3A_399 : vector<1x16xf32> to vector<16xf32>
      %add3A_401 = arith.addf %get3A_392, %get3A_400 : vector<16xf32>
      %add3A_402 = arith.addf %scan3A_365, %add3A_401 : vector<16xf32>
      %mul3A_403 = arith.constant 2 : i32
      %mul3A_404 = arith.muli %mul3A_403, %scan3A_363 : i32
      %get3A_405 = arith.index_cast %mul3A_404 : i32 to index
      %get3A_406 = arith.constant 32 : index
      %get3A_407 = tpu.vector_load %arg10[%get3A_405, %get3A_406] {strides = array<i32>} : memref<350x128xf32, #tpu.memory_space<vmem>>, vector<1x16xf32>,
      %get3A_408 = vector.shape_cast %get3A_407 : vector<1x16xf32> to vector<16xf32>
      %mul3A_409 = arith.constant 2 : i32
      %mul3A_410 = arith.muli %mul3A_409, %scan3A_363 : i32
      %add3A_411 = arith.constant 1 : i32
      %add3A_412 = arith.addi %mul3A_410, %add3A_411 : i32
      %get3A_413 = arith.index_cast %add3A_412 : i32 to index
      %get3A_414 = arith.constant 32 : index
      %get3A_415 = tpu.vector_load %arg10[%get3A_413, %get3A_414] {strides = array<i32>} : memref<350x128xf32, #tpu.memory_space<vmem>>, vector<1x16xf32>,
      %get3A_416 = vector.shape_cast %get3A_415 : vector<1x16xf32> to vector<16xf32>
      %add3A_417 = arith.addf %get3A_408, %get3A_416 : vector<16xf32>
      %add3A_418 = arith.addf %scan3A_366, %add3A_417 : vector<16xf32>
      %mul3A_419 = arith.constant 2 : i32
      %mul3A_420 = arith.muli %mul3A_419, %scan3A_363 : i32
      %get3A_421 = arith.index_cast %mul3A_420 : i32 to index
      %get3A_422 = arith.constant 48 : index
      %get3A_423 = tpu.vector_load %arg10[%get3A_421, %get3A_422] {strides = array<i32>} : memref<350x128xf32, #tpu.memory_space<vmem>>, vector<1x16xf32>,
      %get3A_424 = vector.shape_cast %get3A_423 : vector<1x16xf32> to vector<16xf32>
      %mul3A_425 = arith.constant 2 : i32
      %mul3A_426 = arith.muli %mul3A_425, %scan3A_363 : i32
      %add3A_427 = arith.constant 1 : i32
      %add3A_428 = arith.addi %mul3A_426, %add3A_427 : i32
      %get3A_429 = arith.index_cast %add3A_428 : i32 to index
      %get3A_430 = arith.constant 48 : index
      %get3A_431 = tpu.vector_load %arg10[%get3A_429, %get3A_430] {strides = array<i32>} : memref<350x128xf32, #tpu.memory_space<vmem>>, vector<1x16xf32>,
      %get3A_432 = vector.shape_cast %get3A_431 : vector<1x16xf32> to vector<16xf32>
      %add3A_433 = arith.addf %get3A_424, %get3A_432 : vector<16xf32>
      %add3A_434 = arith.addf %scan3A_367, %add3A_433 : vector<16xf32>
      %mul3A_435 = arith.constant 2 : i32
      %mul3A_436 = arith.muli %mul3A_435, %scan3A_363 : i32
      %get3A_437 = arith.index_cast %mul3A_436 : i32 to index
      %get3A_438 = arith.constant 64 : index
      %get3A_439 = tpu.vector_load %arg10[%get3A_437, %get3A_438] {strides = array<i32>} : memref<350x128xf32, #tpu.memory_space<vmem>>, vector<1x16xf32>,
      %get3A_440 = vector.shape_cast %get3A_439 : vector<1x16xf32> to vector<16xf32>
      %mul3A_441 = arith.constant 2 : i32
      %mul3A_442 = arith.muli %mul3A_441, %scan3A_363 : i32
      %add3A_443 = arith.constant 1 : i32
      %add3A_444 = arith.addi %mul3A_442, %add3A_443 : i32
      %get3A_445 = arith.index_cast %add3A_444 : i32 to index
      %get3A_446 = arith.constant 64 : index
      %get3A_447 = tpu.vector_load %arg10[%get3A_445, %get3A_446] {strides = array<i32>} : memref<350x128xf32, #tpu.memory_space<vmem>>, vector<1x16xf32>,
      %get3A_448 = vector.shape_cast %get3A_447 : vector<1x16xf32> to vector<16xf32>
      %add3A_449 = arith.addf %get3A_440, %get3A_448 : vector<16xf32>
      %add3A_450 = arith.addf %scan3A_368, %add3A_449 : vector<16xf32>
      %mul3A_451 = arith.constant 2 : i32
      %mul3A_452 = arith.muli %mul3A_451, %scan3A_363 : i32
      %get3A_453 = arith.index_cast %mul3A_452 : i32 to index
      %get3A_454 = arith.constant 80 : index
      %get3A_455 = tpu.vector_load %arg10[%get3A_453, %get3A_454] {strides = array<i32>} : memref<350x128xf32, #tpu.memory_space<vmem>>, vector<1x16xf32>,
      %get3A_456 = vector.shape_cast %get3A_455 : vector<1x16xf32> to vector<16xf32>
      %mul3A_457 = arith.constant 2 : i32
      %mul3A_458 = arith.muli %mul3A_457, %scan3A_363 : i32
      %add3A_459 = arith.constant 1 : i32
      %add3A_460 = arith.addi %mul3A_458, %add3A_459 : i32
      %get3A_461 = arith.index_cast %add3A_460 : i32 to index
      %get3A_462 = arith.constant 80 : index
      %get3A_463 = tpu.vector_load %arg10[%get3A_461, %get3A_462] {strides = array<i32>} : memref<350x128xf32, #tpu.memory_space<vmem>>, vector<1x16xf32>,
      %get3A_464 = vector.shape_cast %get3A_463 : vector<1x16xf32> to vector<16xf32>
      %add3A_465 = arith.addf %get3A_456, %get3A_464 : vector<16xf32>
      %add3A_466 = arith.addf %scan3A_369, %add3A_465 : vector<16xf32>
      %mul3A_467 = arith.constant 2 : i32
      %mul3A_468 = arith.muli %mul3A_467, %scan3A_363 : i32
      %get3A_469 = arith.index_cast %mul3A_468 : i32 to index
      %get3A_470 = arith.constant 96 : index
      %get3A_471 = tpu.vector_load %arg10[%get3A_469, %get3A_470] {strides = array<i32>} : memref<350x128xf32, #tpu.memory_space<vmem>>, vector<1x16xf32>,
      %get3A_472 = vector.shape_cast %get3A_471 : vector<1x16xf32> to vector<16xf32>
      %mul3A_473 = arith.constant 2 : i32
      %mul3A_474 = arith.muli %mul3A_473, %scan3A_363 : i32
      %add3A_475 = arith.constant 1 : i32
      %add3A_476 = arith.addi %mul3A_474, %add3A_475 : i32
      %get3A_477 = arith.index_cast %add3A_476 : i32 to index
      %get3A_478 = arith.constant 96 : index
      %get3A_479 = tpu.vector_load %arg10[%get3A_477, %get3A_478] {strides = array<i32>} : memref<350x128xf32, #tpu.memory_space<vmem>>, vector<1x16xf32>,
      %get3A_480 = vector.shape_cast %get3A_479 : vector<1x16xf32> to vector<16xf32>
      %add3A_481 = arith.addf %get3A_472, %get3A_480 : vector<16xf32>
      %add3A_482 = arith.addf %scan3A_370, %add3A_481 : vector<16xf32>
      %mul3A_483 = arith.constant 2 : i32
      %mul3A_484 = arith.muli %mul3A_483, %scan3A_363 : i32
      %get3A_485 = arith.index_cast %mul3A_484 : i32 to index
      %get3A_486 = arith.constant 112 : index
      %get3A_487 = tpu.vector_load %arg10[%get3A_485, %get3A_486] {strides = array<i32>} : memref<350x128xf32, #tpu.memory_space<vmem>>, vector<1x16xf32>,
      %get3A_488 = vector.shape_cast %get3A_487 : vector<1x16xf32> to vector<16xf32>
      %mul3A_489 = arith.constant 2 : i32
      %mul3A_490 = arith.muli %mul3A_489, %scan3A_363 : i32
      %add3A_491 = arith.constant 1 : i32
      %add3A_492 = arith.addi %mul3A_490, %add3A_491 : i32
      %get3A_493 = arith.index_cast %add3A_492 : i32 to index
      %get3A_494 = arith.constant 112 : index
      %get3A_495 = tpu.vector_load %arg10[%get3A_493, %get3A_494] {strides = array<i32>} : memref<350x128xf32, #tpu.memory_space<vmem>>, vector<1x16xf32>,
      %get3A_496 = vector.shape_cast %get3A_495 : vector<1x16xf32> to vector<16xf32>
      %add3A_497 = arith.addf %get3A_488, %get3A_496 : vector<16xf32>
      %add3A_498 = arith.addf %scan3A_371, %add3A_497 : vector<16xf32>
      scf.yield %add3A_386, %add3A_402, %add3A_418, %add3A_434, %add3A_450, %add3A_466, %add3A_482, %add3A_498 : vector<16xf32>, vector<16xf32>, vector<16xf32>, vector<16xf32>, vector<16xf32>, vector<16xf32>, vector<16xf32>, vector<16xf32>
    }
    %scan3A_159 = arith.constant 175 : i32
    %swap3A_160 = arith.constant 29 : i32
    %swap3A_161 = arith.index_cast %swap3A_160 : i32 to index
    %swap3A_162 = arith.constant 0 : index
    %swap3A_163 = tpu.vector_load %arg11[%swap3A_161, %swap3A_162] {strides = array<i32>} : memref<32x128xf32, #tpu.memory_space<vmem>>, vector<1x16xf32>,
    %swap3A_164 = vector.shape_cast %swap3A_163 : vector<1x16xf32> to vector<16xf32>
    %swap3A_165 = vector.shape_cast %scan3A_158#0 : vector<16xf32> to vector<1x16xf32>
    tpu.vector_store %arg11[%swap3A_161, %swap3A_162], %swap3A_165 {strides = array<i32>} : memref<32x128xf32, #tpu.memory_space<vmem>>, vector<1x16xf32>,
    %swap3A_166 = arith.constant 29 : i32
    %swap3A_167 = arith.index_cast %swap3A_166 : i32 to index
    %swap3A_168 = arith.constant 16 : index
    %swap3A_169 = tpu.vector_load %arg11[%swap3A_167, %swap3A_168] {strides = array<i32>} : memref<32x128xf32, #tpu.memory_space<vmem>>, vector<1x16xf32>,
    %swap3A_170 = vector.shape_cast %swap3A_169 : vector<1x16xf32> to vector<16xf32>
    %swap3A_171 = vector.shape_cast %scan3A_158#1 : vector<16xf32> to vector<1x16xf32>
    tpu.vector_store %arg11[%swap3A_167, %swap3A_168], %swap3A_171 {strides = array<i32>} : memref<32x128xf32, #tpu.memory_space<vmem>>, vector<1x16xf32>,
    %swap3A_172 = arith.constant 29 : i32
    %swap3A_173 = arith.index_cast %swap3A_172 : i32 to index
    %swap3A_174 = arith.constant 32 : index
    %swap3A_175 = tpu.vector_load %arg11[%swap3A_173, %swap3A_174] {strides = array<i32>} : memref<32x128xf32, #tpu.memory_space<vmem>>, vector<1x16xf32>,
    %swap3A_176 = vector.shape_cast %swap3A_175 : vector<1x16xf32> to vector<16xf32>
    %swap3A_177 = vector.shape_cast %scan3A_158#2 : vector<16xf32> to vector<1x16xf32>
    tpu.vector_store %arg11[%swap3A_173, %swap3A_174], %swap3A_177 {strides = array<i32>} : memref<32x128xf32, #tpu.memory_space<vmem>>, vector<1x16xf32>,
    %swap3A_178 = arith.constant 29 : i32
    %swap3A_179 = arith.index_cast %swap3A_178 : i32 to index
    %swap3A_180 = arith.constant 48 : index
    %swap3A_181 = tpu.vector_load %arg11[%swap3A_179, %swap3A_180] {strides = array<i32>} : memref<32x128xf32, #tpu.memory_space<vmem>>, vector<1x16xf32>,
    %swap3A_182 = vector.shape_cast %swap3A_181 : vector<1x16xf32> to vector<16xf32>
    %swap3A_183 = vector.shape_cast %scan3A_158#3 : vector<16xf32> to vector<1x16xf32>
    tpu.vector_store %arg11[%swap3A_179, %swap3A_180], %swap3A_183 {strides = array<i32>} : memref<32x128xf32, #tpu.memory_space<vmem>>, vector<1x16xf32>,
    %swap3A_184 = arith.constant 29 : i32
    %swap3A_185 = arith.index_cast %swap3A_184 : i32 to index
    %swap3A_186 = arith.constant 64 : index
    %swap3A_187 = tpu.vector_load %arg11[%swap3A_185, %swap3A_186] {strides = array<i32>} : memref<32x128xf32, #tpu.memory_space<vmem>>, vector<1x16xf32>,
    %swap3A_188 = vector.shape_cast %swap3A_187 : vector<1x16xf32> to vector<16xf32>
    %swap3A_189 = vector.shape_cast %scan3A_158#4 : vector<16xf32> to vector<1x16xf32>
    tpu.vector_store %arg11[%swap3A_185, %swap3A_186], %swap3A_189 {strides = array<i32>} : memref<32x128xf32, #tpu.memory_space<vmem>>, vector<1x16xf32>,
    %swap3A_190 = arith.constant 29 : i32
    %swap3A_191 = arith.index_cast %swap3A_190 : i32 to index
    %swap3A_192 = arith.constant 80 : index
    %swap3A_193 = tpu.vector_load %arg11[%swap3A_191, %swap3A_192] {strides = array<i32>} : memref<32x128xf32, #tpu.memory_space<vmem>>, vector<1x16xf32>,
    %swap3A_194 = vector.shape_cast %swap3A_193 : vector<1x16xf32> to vector<16xf32>
    %swap3A_195 = vector.shape_cast %scan3A_158#5 : vector<16xf32> to vector<1x16xf32>
    tpu.vector_store %arg11[%swap3A_191, %swap3A_192], %swap3A_195 {strides = array<i32>} : memref<32x128xf32, #tpu.memory_space<vmem>>, vector<1x16xf32>,
    %swap3A_196 = arith.constant 29 : i32
    %swap3A_197 = arith.index_cast %swap3A_196 : i32 to index
    %swap3A_198 = arith.constant 96 : index
    %swap3A_199 = tpu.vector_load %arg11[%swap3A_197, %swap3A_198] {strides = array<i32>} : memref<32x128xf32, #tpu.memory_space<vmem>>, vector<1x16xf32>,
    %swap3A_200 = vector.shape_cast %swap3A_199 : vector<1x16xf32> to vector<16xf32>
    %swap3A_201 = vector.shape_cast %scan3A_158#6 : vector<16xf32> to vector<1x16xf32>
    tpu.vector_store %arg11[%swap3A_197, %swap3A_198], %swap3A_201 {strides = array<i32>} : memref<32x128xf32, #tpu.memory_space<vmem>>, vector<1x16xf32>,
    %swap3A_202 = arith.constant 29 : i32
    %swap3A_203 = arith.index_cast %swap3A_202 : i32 to index
    %swap3A_204 = arith.constant 112 : index
    %swap3A_205 = tpu.vector_load %arg11[%swap3A_203, %swap3A_204] {strides = array<i32>} : memref<32x128xf32, #tpu.memory_space<vmem>>, vector<1x16xf32>,
    %swap3A_206 = vector.shape_cast %swap3A_205 : vector<1x16xf32> to vector<16xf32>
    %swap3A_207 = vector.shape_cast %scan3A_158#7 : vector<16xf32> to vector<1x16xf32>
    tpu.vector_store %arg11[%swap3A_203, %swap3A_204], %swap3A_207 {strides = array<i32>} : memref<32x128xf32, #tpu.memory_space<vmem>>, vector<1x16xf32>,
    %dma_wait3A_208 = arith.constant 0 : i32
    %dma_wait3A_209 = tpu.memref_slice %arg2[%mul3A_2, %dma_wait3A_208] : memref<1024x350xi32, #tpu.memory_space<hbm>> -> memref<1x350xi32, #tpu.memory_space<hbm>>
    %dma_wait3A_210 = tpu.memref_squeeze %dma_wait3A_209 : memref<1x350xi32, #tpu.memory_space<hbm>> -> memref<350xi32, #tpu.memory_space<hbm>>
    %dma_wait3A_211 = arith.constant 0 : i32
    %dma_wait3A_212 = tpu.memref_slice %arg2[%mul3A_2, %dma_wait3A_211] : memref<1024x350xi32, #tpu.memory_space<hbm>> -> memref<1x350xi32, #tpu.memory_space<hbm>>
    %dma_wait3A_213 = tpu.memref_squeeze %dma_wait3A_212 : memref<1x350xi32, #tpu.memory_space<hbm>> -> memref<350xi32, #tpu.memory_space<hbm>>
    tpu.wait_dma2 semaphore(%arg15 : memref<!tpu.dma_semaphore, #tpu.memory_space<semaphore_mem>>) src(%dma_wait3A_213 : memref<350xi32, #tpu.memory_space<hbm>>) dst(%arg8 : memref<350xi32, #tpu.memory_space<vmem>>)
    %dma_start3A_214 = arith.constant 0 : i32
    %dma_start3A_215 = arith.constant 0 : i32
    %dma_start3A_216 = tpu.memref_slice %arg3[%dma_start3A_214, %dma_start3A_215] : memref<1253446x128xf32, #tpu.memory_space<hbm>> -> memref<1253446x128xf32, #tpu.memory_space<hbm>>
    tpu.enqueue_indirect_dma source(%dma_start3A_216 : memref<1253446x128xf32, #tpu.memory_space<hbm>>) target(%arg10 : memref<350x128xf32, #tpu.memory_space<vmem>>) offsets(%arg8 : memref<350xi32, #tpu.memory_space<vmem>>) semaphore(%arg17 : memref<!tpu.dma_semaphore, #tpu.memory_space<semaphore_mem>>)
    %dma_wait3A_217 = arith.constant 0 : i32
    %dma_wait3A_218 = arith.constant 0 : i32
    %dma_wait3A_219 = tpu.memref_slice %arg3[%dma_wait3A_217, %dma_wait3A_218] : memref<1253446x128xf32, #tpu.memory_space<hbm>> -> memref<1253446x128xf32, #tpu.memory_space<hbm>>
    tpu.wait_indirect_dma semaphore(%arg16 : memref<!tpu.dma_semaphore, #tpu.memory_space<semaphore_mem>>) src(%dma_wait3A_219 : memref<1253446x128xf32, #tpu.memory_space<hbm>>) dst(%arg9 : memref<350x128xf32, #tpu.memory_space<vmem>>)
    %broadcast_in_dim3A_220 = arith.constant 0.000000e+00 : f32
    %broadcast_in_dim3A_221 = vector.broadcast %broadcast_in_dim3A_220 : f32 to vector<16xf32>
    %broadcast_in_dim3A_222 = arith.constant 0.000000e+00 : f32
    %broadcast_in_dim3A_223 = vector.broadcast %broadcast_in_dim3A_222 : f32 to vector<16xf32>
    %broadcast_in_dim3A_224 = arith.constant 0.000000e+00 : f32
    %broadcast_in_dim3A_225 = vector.broadcast %broadcast_in_dim3A_224 : f32 to vector<16xf32>
    %broadcast_in_dim3A_226 = arith.constant 0.000000e+00 : f32
    %broadcast_in_dim3A_227 = vector.broadcast %broadcast_in_dim3A_226 : f32 to vector<16xf32>
    %broadcast_in_dim3A_228 = arith.constant 0.000000e+00 : f32
    %broadcast_in_dim3A_229 = vector.broadcast %broadcast_in_dim3A_228 : f32 to vector<16xf32>
    %broadcast_in_dim3A_230 = arith.constant 0.000000e+00 : f32
    %broadcast_in_dim3A_231 = vector.broadcast %broadcast_in_dim3A_230 : f32 to vector<16xf32>
    %broadcast_in_dim3A_232 = arith.constant 0.000000e+00 : f32
    %broadcast_in_dim3A_233 = vector.broadcast %broadcast_in_dim3A_232 : f32 to vector<16xf32>
    %broadcast_in_dim3A_234 = arith.constant 0.000000e+00 : f32
    %broadcast_in_dim3A_235 = vector.broadcast %broadcast_in_dim3A_234 : f32 to vector<16xf32>
    %scan3A_236 = arith.constant 0 : i32
    %scan3A_237 = arith.constant 175 : i32
    %scan3A_238 = arith.addi %scan3A_236, %scan3A_237 : i32
    %scan3A_239 = arith.constant 1 : i32
    %scan3A_240:8 = scf.for %scan3A_363 = %scan3A_236 to %scan3A_238 step %scan3A_239 iter_args(%scan3A_364 = %broadcast_in_dim3A_221, %scan3A_365 = %broadcast_in_dim3A_223, %scan3A_366 = %broadcast_in_dim3A_225, %scan3A_367 = %broadcast_in_dim3A_227, %scan3A_368 = %broadcast_in_dim3A_229, %scan3A_369 = %broadcast_in_dim3A_231, %scan3A_370 = %broadcast_in_dim3A_233, %scan3A_371 = %broadcast_in_dim3A_235) -> (vector<16xf32>, vector<16xf32>, vector<16xf32>, vector<16xf32>, vector<16xf32>, vector<16xf32>, vector<16xf32>, vector<16xf32>)  : i32 {
      %mul3A_372 = arith.constant 2 : i32
      %mul3A_373 = arith.muli %mul3A_372, %scan3A_363 : i32
      %get3A = arith.index_cast %mul3A_373 : i32 to index
      %get3A_374 = arith.constant 0 : index
      %get3A_375 = tpu.vector_load %arg9[%get3A, %get3A_374] {strides = array<i32>} : memref<350x128xf32, #tpu.memory_space<vmem>>, vector<1x16xf32>,
      %get3A_376 = vector.shape_cast %get3A_375 : vector<1x16xf32> to vector<16xf32>
      %mul3A_377 = arith.constant 2 : i32
      %mul3A_378 = arith.muli %mul3A_377, %scan3A_363 : i32
      %add3A_379 = arith.constant 1 : i32
      %add3A_380 = arith.addi %mul3A_378, %add3A_379 : i32
      %get3A_381 = arith.index_cast %add3A_380 : i32 to index
      %get3A_382 = arith.constant 0 : index
      %get3A_383 = tpu.vector_load %arg9[%get3A_381, %get3A_382] {strides = array<i32>} : memref<350x128xf32, #tpu.memory_space<vmem>>, vector<1x16xf32>,
      %get3A_384 = vector.shape_cast %get3A_383 : vector<1x16xf32> to vector<16xf32>
      %add3A_385 = arith.addf %get3A_376, %get3A_384 : vector<16xf32>
      %add3A_386 = arith.addf %scan3A_364, %add3A_385 : vector<16xf32>
      %mul3A_387 = arith.constant 2 : i32
      %mul3A_388 = arith.muli %mul3A_387, %scan3A_363 : i32
      %get3A_389 = arith.index_cast %mul3A_388 : i32 to index
      %get3A_390 = arith.constant 16 : index
      %get3A_391 = tpu.vector_load %arg9[%get3A_389, %get3A_390] {strides = array<i32>} : memref<350x128xf32, #tpu.memory_space<vmem>>, vector<1x16xf32>,
      %get3A_392 = vector.shape_cast %get3A_391 : vector<1x16xf32> to vector<16xf32>
      %mul3A_393 = arith.constant 2 : i32
      %mul3A_394 = arith.muli %mul3A_393, %scan3A_363 : i32
      %add3A_395 = arith.constant 1 : i32
      %add3A_396 = arith.addi %mul3A_394, %add3A_395 : i32
      %get3A_397 = arith.index_cast %add3A_396 : i32 to index
      %get3A_398 = arith.constant 16 : index
      %get3A_399 = tpu.vector_load %arg9[%get3A_397, %get3A_398] {strides = array<i32>} : memref<350x128xf32, #tpu.memory_space<vmem>>, vector<1x16xf32>,
      %get3A_400 = vector.shape_cast %get3A_399 : vector<1x16xf32> to vector<16xf32>
      %add3A_401 = arith.addf %get3A_392, %get3A_400 : vector<16xf32>
      %add3A_402 = arith.addf %scan3A_365, %add3A_401 : vector<16xf32>
      %mul3A_403 = arith.constant 2 : i32
      %mul3A_404 = arith.muli %mul3A_403, %scan3A_363 : i32
      %get3A_405 = arith.index_cast %mul3A_404 : i32 to index
      %get3A_406 = arith.constant 32 : index
      %get3A_407 = tpu.vector_load %arg9[%get3A_405, %get3A_406] {strides = array<i32>} : memref<350x128xf32, #tpu.memory_space<vmem>>, vector<1x16xf32>,
      %get3A_408 = vector.shape_cast %get3A_407 : vector<1x16xf32> to vector<16xf32>
      %mul3A_409 = arith.constant 2 : i32
      %mul3A_410 = arith.muli %mul3A_409, %scan3A_363 : i32
      %add3A_411 = arith.constant 1 : i32
      %add3A_412 = arith.addi %mul3A_410, %add3A_411 : i32
      %get3A_413 = arith.index_cast %add3A_412 : i32 to index
      %get3A_414 = arith.constant 32 : index
      %get3A_415 = tpu.vector_load %arg9[%get3A_413, %get3A_414] {strides = array<i32>} : memref<350x128xf32, #tpu.memory_space<vmem>>, vector<1x16xf32>,
      %get3A_416 = vector.shape_cast %get3A_415 : vector<1x16xf32> to vector<16xf32>
      %add3A_417 = arith.addf %get3A_408, %get3A_416 : vector<16xf32>
      %add3A_418 = arith.addf %scan3A_366, %add3A_417 : vector<16xf32>
      %mul3A_419 = arith.constant 2 : i32
      %mul3A_420 = arith.muli %mul3A_419, %scan3A_363 : i32
      %get3A_421 = arith.index_cast %mul3A_420 : i32 to index
      %get3A_422 = arith.constant 48 : index
      %get3A_423 = tpu.vector_load %arg9[%get3A_421, %get3A_422] {strides = array<i32>} : memref<350x128xf32, #tpu.memory_space<vmem>>, vector<1x16xf32>,
      %get3A_424 = vector.shape_cast %get3A_423 : vector<1x16xf32> to vector<16xf32>
      %mul3A_425 = arith.constant 2 : i32
      %mul3A_426 = arith.muli %mul3A_425, %scan3A_363 : i32
      %add3A_427 = arith.constant 1 : i32
      %add3A_428 = arith.addi %mul3A_426, %add3A_427 : i32
      %get3A_429 = arith.index_cast %add3A_428 : i32 to index
      %get3A_430 = arith.constant 48 : index
      %get3A_431 = tpu.vector_load %arg9[%get3A_429, %get3A_430] {strides = array<i32>} : memref<350x128xf32, #tpu.memory_space<vmem>>, vector<1x16xf32>,
      %get3A_432 = vector.shape_cast %get3A_431 : vector<1x16xf32> to vector<16xf32>
      %add3A_433 = arith.addf %get3A_424, %get3A_432 : vector<16xf32>
      %add3A_434 = arith.addf %scan3A_367, %add3A_433 : vector<16xf32>
      %mul3A_435 = arith.constant 2 : i32
      %mul3A_436 = arith.muli %mul3A_435, %scan3A_363 : i32
      %get3A_437 = arith.index_cast %mul3A_436 : i32 to index
      %get3A_438 = arith.constant 64 : index
      %get3A_439 = tpu.vector_load %arg9[%get3A_437, %get3A_438] {strides = array<i32>} : memref<350x128xf32, #tpu.memory_space<vmem>>, vector<1x16xf32>,
      %get3A_440 = vector.shape_cast %get3A_439 : vector<1x16xf32> to vector<16xf32>
      %mul3A_441 = arith.constant 2 : i32
      %mul3A_442 = arith.muli %mul3A_441, %scan3A_363 : i32
      %add3A_443 = arith.constant 1 : i32
      %add3A_444 = arith.addi %mul3A_442, %add3A_443 : i32
      %get3A_445 = arith.index_cast %add3A_444 : i32 to index
      %get3A_446 = arith.constant 64 : index
      %get3A_447 = tpu.vector_load %arg9[%get3A_445, %get3A_446] {strides = array<i32>} : memref<350x128xf32, #tpu.memory_space<vmem>>, vector<1x16xf32>,
      %get3A_448 = vector.shape_cast %get3A_447 : vector<1x16xf32> to vector<16xf32>
      %add3A_449 = arith.addf %get3A_440, %get3A_448 : vector<16xf32>
      %add3A_450 = arith.addf %scan3A_368, %add3A_449 : vector<16xf32>
      %mul3A_451 = arith.constant 2 : i32
      %mul3A_452 = arith.muli %mul3A_451, %scan3A_363 : i32
      %get3A_453 = arith.index_cast %mul3A_452 : i32 to index
      %get3A_454 = arith.constant 80 : index
      %get3A_455 = tpu.vector_load %arg9[%get3A_453, %get3A_454] {strides = array<i32>} : memref<350x128xf32, #tpu.memory_space<vmem>>, vector<1x16xf32>,
      %get3A_456 = vector.shape_cast %get3A_455 : vector<1x16xf32> to vector<16xf32>
      %mul3A_457 = arith.constant 2 : i32
      %mul3A_458 = arith.muli %mul3A_457, %scan3A_363 : i32
      %add3A_459 = arith.constant 1 : i32
      %add3A_460 = arith.addi %mul3A_458, %add3A_459 : i32
      %get3A_461 = arith.index_cast %add3A_460 : i32 to index
      %get3A_462 = arith.constant 80 : index
      %get3A_463 = tpu.vector_load %arg9[%get3A_461, %get3A_462] {strides = array<i32>} : memref<350x128xf32, #tpu.memory_space<vmem>>, vector<1x16xf32>,
      %get3A_464 = vector.shape_cast %get3A_463 : vector<1x16xf32> to vector<16xf32>
      %add3A_465 = arith.addf %get3A_456, %get3A_464 : vector<16xf32>
      %add3A_466 = arith.addf %scan3A_369, %add3A_465 : vector<16xf32>
      %mul3A_467 = arith.constant 2 : i32
      %mul3A_468 = arith.muli %mul3A_467, %scan3A_363 : i32
      %get3A_469 = arith.index_cast %mul3A_468 : i32 to index
      %get3A_470 = arith.constant 96 : index
      %get3A_471 = tpu.vector_load %arg9[%get3A_469, %get3A_470] {strides = array<i32>} : memref<350x128xf32, #tpu.memory_space<vmem>>, vector<1x16xf32>,
      %get3A_472 = vector.shape_cast %get3A_471 : vector<1x16xf32> to vector<16xf32>
      %mul3A_473 = arith.constant 2 : i32
      %mul3A_474 = arith.muli %mul3A_473, %scan3A_363 : i32
      %add3A_475 = arith.constant 1 : i32
      %add3A_476 = arith.addi %mul3A_474, %add3A_475 : i32
      %get3A_477 = arith.index_cast %add3A_476 : i32 to index
      %get3A_478 = arith.constant 96 : index
      %get3A_479 = tpu.vector_load %arg9[%get3A_477, %get3A_478] {strides = array<i32>} : memref<350x128xf32, #tpu.memory_space<vmem>>, vector<1x16xf32>,
      %get3A_480 = vector.shape_cast %get3A_479 : vector<1x16xf32> to vector<16xf32>
      %add3A_481 = arith.addf %get3A_472, %get3A_480 : vector<16xf32>
      %add3A_482 = arith.addf %scan3A_370, %add3A_481 : vector<16xf32>
      %mul3A_483 = arith.constant 2 : i32
      %mul3A_484 = arith.muli %mul3A_483, %scan3A_363 : i32
      %get3A_485 = arith.index_cast %mul3A_484 : i32 to index
      %get3A_486 = arith.constant 112 : index
      %get3A_487 = tpu.vector_load %arg9[%get3A_485, %get3A_486] {strides = array<i32>} : memref<350x128xf32, #tpu.memory_space<vmem>>, vector<1x16xf32>,
      %get3A_488 = vector.shape_cast %get3A_487 : vector<1x16xf32> to vector<16xf32>
      %mul3A_489 = arith.constant 2 : i32
      %mul3A_490 = arith.muli %mul3A_489, %scan3A_363 : i32
      %add3A_491 = arith.constant 1 : i32
      %add3A_492 = arith.addi %mul3A_490, %add3A_491 : i32
      %get3A_493 = arith.index_cast %add3A_492 : i32 to index
      %get3A_494 = arith.constant 112 : index
      %get3A_495 = tpu.vector_load %arg9[%get3A_493, %get3A_494] {strides = array<i32>} : memref<350x128xf32, #tpu.memory_space<vmem>>, vector<1x16xf32>,
      %get3A_496 = vector.shape_cast %get3A_495 : vector<1x16xf32> to vector<16xf32>
      %add3A_497 = arith.addf %get3A_488, %get3A_496 : vector<16xf32>
      %add3A_498 = arith.addf %scan3A_371, %add3A_497 : vector<16xf32>
      scf.yield %add3A_386, %add3A_402, %add3A_418, %add3A_434, %add3A_450, %add3A_466, %add3A_482, %add3A_498 : vector<16xf32>, vector<16xf32>, vector<16xf32>, vector<16xf32>, vector<16xf32>, vector<16xf32>, vector<16xf32>, vector<16xf32>
    }
    %scan3A_241 = arith.constant 175 : i32
    %swap3A_242 = arith.constant 30 : i32
    %swap3A_243 = arith.index_cast %swap3A_242 : i32 to index
    %swap3A_244 = arith.constant 0 : index
    %swap3A_245 = tpu.vector_load %arg11[%swap3A_243, %swap3A_244] {strides = array<i32>} : memref<32x128xf32, #tpu.memory_space<vmem>>, vector<1x16xf32>,
    %swap3A_246 = vector.shape_cast %swap3A_245 : vector<1x16xf32> to vector<16xf32>
    %swap3A_247 = vector.shape_cast %scan3A_240#0 : vector<16xf32> to vector<1x16xf32>
    tpu.vector_store %arg11[%swap3A_243, %swap3A_244], %swap3A_247 {strides = array<i32>} : memref<32x128xf32, #tpu.memory_space<vmem>>, vector<1x16xf32>,
    %swap3A_248 = arith.constant 30 : i32
    %swap3A_249 = arith.index_cast %swap3A_248 : i32 to index
    %swap3A_250 = arith.constant 16 : index
    %swap3A_251 = tpu.vector_load %arg11[%swap3A_249, %swap3A_250] {strides = array<i32>} : memref<32x128xf32, #tpu.memory_space<vmem>>, vector<1x16xf32>,
    %swap3A_252 = vector.shape_cast %swap3A_251 : vector<1x16xf32> to vector<16xf32>
    %swap3A_253 = vector.shape_cast %scan3A_240#1 : vector<16xf32> to vector<1x16xf32>
    tpu.vector_store %arg11[%swap3A_249, %swap3A_250], %swap3A_253 {strides = array<i32>} : memref<32x128xf32, #tpu.memory_space<vmem>>, vector<1x16xf32>,
    %swap3A_254 = arith.constant 30 : i32
    %swap3A_255 = arith.index_cast %swap3A_254 : i32 to index
    %swap3A_256 = arith.constant 32 : index
    %swap3A_257 = tpu.vector_load %arg11[%swap3A_255, %swap3A_256] {strides = array<i32>} : memref<32x128xf32, #tpu.memory_space<vmem>>, vector<1x16xf32>,
    %swap3A_258 = vector.shape_cast %swap3A_257 : vector<1x16xf32> to vector<16xf32>
    %swap3A_259 = vector.shape_cast %scan3A_240#2 : vector<16xf32> to vector<1x16xf32>
    tpu.vector_store %arg11[%swap3A_255, %swap3A_256], %swap3A_259 {strides = array<i32>} : memref<32x128xf32, #tpu.memory_space<vmem>>, vector<1x16xf32>,
    %swap3A_260 = arith.constant 30 : i32
    %swap3A_261 = arith.index_cast %swap3A_260 : i32 to index
    %swap3A_262 = arith.constant 48 : index
    %swap3A_263 = tpu.vector_load %arg11[%swap3A_261, %swap3A_262] {strides = array<i32>} : memref<32x128xf32, #tpu.memory_space<vmem>>, vector<1x16xf32>,
    %swap3A_264 = vector.shape_cast %swap3A_263 : vector<1x16xf32> to vector<16xf32>
    %swap3A_265 = vector.shape_cast %scan3A_240#3 : vector<16xf32> to vector<1x16xf32>
    tpu.vector_store %arg11[%swap3A_261, %swap3A_262], %swap3A_265 {strides = array<i32>} : memref<32x128xf32, #tpu.memory_space<vmem>>, vector<1x16xf32>,
    %swap3A_266 = arith.constant 30 : i32
    %swap3A_267 = arith.index_cast %swap3A_266 : i32 to index
    %swap3A_268 = arith.constant 64 : index
    %swap3A_269 = tpu.vector_load %arg11[%swap3A_267, %swap3A_268] {strides = array<i32>} : memref<32x128xf32, #tpu.memory_space<vmem>>, vector<1x16xf32>,
    %swap3A_270 = vector.shape_cast %swap3A_269 : vector<1x16xf32> to vector<16xf32>
    %swap3A_271 = vector.shape_cast %scan3A_240#4 : vector<16xf32> to vector<1x16xf32>
    tpu.vector_store %arg11[%swap3A_267, %swap3A_268], %swap3A_271 {strides = array<i32>} : memref<32x128xf32, #tpu.memory_space<vmem>>, vector<1x16xf32>,
    %swap3A_272 = arith.constant 30 : i32
    %swap3A_273 = arith.index_cast %swap3A_272 : i32 to index
    %swap3A_274 = arith.constant 80 : index
    %swap3A_275 = tpu.vector_load %arg11[%swap3A_273, %swap3A_274] {strides = array<i32>} : memref<32x128xf32, #tpu.memory_space<vmem>>, vector<1x16xf32>,
    %swap3A_276 = vector.shape_cast %swap3A_275 : vector<1x16xf32> to vector<16xf32>
    %swap3A_277 = vector.shape_cast %scan3A_240#5 : vector<16xf32> to vector<1x16xf32>
    tpu.vector_store %arg11[%swap3A_273, %swap3A_274], %swap3A_277 {strides = array<i32>} : memref<32x128xf32, #tpu.memory_space<vmem>>, vector<1x16xf32>,
    %swap3A_278 = arith.constant 30 : i32
    %swap3A_279 = arith.index_cast %swap3A_278 : i32 to index
    %swap3A_280 = arith.constant 96 : index
    %swap3A_281 = tpu.vector_load %arg11[%swap3A_279, %swap3A_280] {strides = array<i32>} : memref<32x128xf32, #tpu.memory_space<vmem>>, vector<1x16xf32>,
    %swap3A_282 = vector.shape_cast %swap3A_281 : vector<1x16xf32> to vector<16xf32>
    %swap3A_283 = vector.shape_cast %scan3A_240#6 : vector<16xf32> to vector<1x16xf32>
    tpu.vector_store %arg11[%swap3A_279, %swap3A_280], %swap3A_283 {strides = array<i32>} : memref<32x128xf32, #tpu.memory_space<vmem>>, vector<1x16xf32>,
    %swap3A_284 = arith.constant 30 : i32
    %swap3A_285 = arith.index_cast %swap3A_284 : i32 to index
    %swap3A_286 = arith.constant 112 : index
    %swap3A_287 = tpu.vector_load %arg11[%swap3A_285, %swap3A_286] {strides = array<i32>} : memref<32x128xf32, #tpu.memory_space<vmem>>, vector<1x16xf32>,
    %swap3A_288 = vector.shape_cast %swap3A_287 : vector<1x16xf32> to vector<16xf32>
    %swap3A_289 = vector.shape_cast %scan3A_240#7 : vector<16xf32> to vector<1x16xf32>
    tpu.vector_store %arg11[%swap3A_285, %swap3A_286], %swap3A_289 {strides = array<i32>} : memref<32x128xf32, #tpu.memory_space<vmem>>, vector<1x16xf32>,
    %dma_wait3A_290 = arith.constant 0 : i32
    %dma_wait3A_291 = arith.constant 0 : i32
    %dma_wait3A_292 = tpu.memref_slice %arg3[%dma_wait3A_290, %dma_wait3A_291] : memref<1253446x128xf32, #tpu.memory_space<hbm>> -> memref<1253446x128xf32, #tpu.memory_space<hbm>>
    tpu.wait_indirect_dma semaphore(%arg17 : memref<!tpu.dma_semaphore, #tpu.memory_space<semaphore_mem>>) src(%dma_wait3A_292 : memref<1253446x128xf32, #tpu.memory_space<hbm>>) dst(%arg10 : memref<350x128xf32, #tpu.memory_space<vmem>>)
    %broadcast_in_dim3A_293 = arith.constant 0.000000e+00 : f32
    %broadcast_in_dim3A_294 = vector.broadcast %broadcast_in_dim3A_293 : f32 to vector<16xf32>
    %broadcast_in_dim3A_295 = arith.constant 0.000000e+00 : f32
    %broadcast_in_dim3A_296 = vector.broadcast %broadcast_in_dim3A_295 : f32 to vector<16xf32>
    %broadcast_in_dim3A_297 = arith.constant 0.000000e+00 : f32
    %broadcast_in_dim3A_298 = vector.broadcast %broadcast_in_dim3A_297 : f32 to vector<16xf32>
    %broadcast_in_dim3A_299 = arith.constant 0.000000e+00 : f32
    %broadcast_in_dim3A_300 = vector.broadcast %broadcast_in_dim3A_299 : f32 to vector<16xf32>
    %broadcast_in_dim3A_301 = arith.constant 0.000000e+00 : f32
    %broadcast_in_dim3A_302 = vector.broadcast %broadcast_in_dim3A_301 : f32 to vector<16xf32>
    %broadcast_in_dim3A_303 = arith.constant 0.000000e+00 : f32
    %broadcast_in_dim3A_304 = vector.broadcast %broadcast_in_dim3A_303 : f32 to vector<16xf32>
    %broadcast_in_dim3A_305 = arith.constant 0.000000e+00 : f32
    %broadcast_in_dim3A_306 = vector.broadcast %broadcast_in_dim3A_305 : f32 to vector<16xf32>
    %broadcast_in_dim3A_307 = arith.constant 0.000000e+00 : f32
    %broadcast_in_dim3A_308 = vector.broadcast %broadcast_in_dim3A_307 : f32 to vector<16xf32>
    %scan3A_309 = arith.constant 0 : i32
    %scan3A_310 = arith.constant 175 : i32
    %scan3A_311 = arith.addi %scan3A_309, %scan3A_310 : i32
    %scan3A_312 = arith.constant 1 : i32
    %scan3A_313:8 = scf.for %scan3A_363 = %scan3A_309 to %scan3A_311 step %scan3A_312 iter_args(%scan3A_364 = %broadcast_in_dim3A_294, %scan3A_365 = %broadcast_in_dim3A_296, %scan3A_366 = %broadcast_in_dim3A_298, %scan3A_367 = %broadcast_in_dim3A_300, %scan3A_368 = %broadcast_in_dim3A_302, %scan3A_369 = %broadcast_in_dim3A_304, %scan3A_370 = %broadcast_in_dim3A_306, %scan3A_371 = %broadcast_in_dim3A_308) -> (vector<16xf32>, vector<16xf32>, vector<16xf32>, vector<16xf32>, vector<16xf32>, vector<16xf32>, vector<16xf32>, vector<16xf32>)  : i32 {
      %mul3A_372 = arith.constant 2 : i32
      %mul3A_373 = arith.muli %mul3A_372, %scan3A_363 : i32
      %get3A = arith.index_cast %mul3A_373 : i32 to index
      %get3A_374 = arith.constant 0 : index
      %get3A_375 = tpu.vector_load %arg10[%get3A, %get3A_374] {strides = array<i32>} : memref<350x128xf32, #tpu.memory_space<vmem>>, vector<1x16xf32>,
      %get3A_376 = vector.shape_cast %get3A_375 : vector<1x16xf32> to vector<16xf32>
      %mul3A_377 = arith.constant 2 : i32
      %mul3A_378 = arith.muli %mul3A_377, %scan3A_363 : i32
      %add3A_379 = arith.constant 1 : i32
      %add3A_380 = arith.addi %mul3A_378, %add3A_379 : i32
      %get3A_381 = arith.index_cast %add3A_380 : i32 to index
      %get3A_382 = arith.constant 0 : index
      %get3A_383 = tpu.vector_load %arg10[%get3A_381, %get3A_382] {strides = array<i32>} : memref<350x128xf32, #tpu.memory_space<vmem>>, vector<1x16xf32>,
      %get3A_384 = vector.shape_cast %get3A_383 : vector<1x16xf32> to vector<16xf32>
      %add3A_385 = arith.addf %get3A_376, %get3A_384 : vector<16xf32>
      %add3A_386 = arith.addf %scan3A_364, %add3A_385 : vector<16xf32>
      %mul3A_387 = arith.constant 2 : i32
      %mul3A_388 = arith.muli %mul3A_387, %scan3A_363 : i32
      %get3A_389 = arith.index_cast %mul3A_388 : i32 to index
      %get3A_390 = arith.constant 16 : index
      %get3A_391 = tpu.vector_load %arg10[%get3A_389, %get3A_390] {strides = array<i32>} : memref<350x128xf32, #tpu.memory_space<vmem>>, vector<1x16xf32>,
      %get3A_392 = vector.shape_cast %get3A_391 : vector<1x16xf32> to vector<16xf32>
      %mul3A_393 = arith.constant 2 : i32
      %mul3A_394 = arith.muli %mul3A_393, %scan3A_363 : i32
      %add3A_395 = arith.constant 1 : i32
      %add3A_396 = arith.addi %mul3A_394, %add3A_395 : i32
      %get3A_397 = arith.index_cast %add3A_396 : i32 to index
      %get3A_398 = arith.constant 16 : index
      %get3A_399 = tpu.vector_load %arg10[%get3A_397, %get3A_398] {strides = array<i32>} : memref<350x128xf32, #tpu.memory_space<vmem>>, vector<1x16xf32>,
      %get3A_400 = vector.shape_cast %get3A_399 : vector<1x16xf32> to vector<16xf32>
      %add3A_401 = arith.addf %get3A_392, %get3A_400 : vector<16xf32>
      %add3A_402 = arith.addf %scan3A_365, %add3A_401 : vector<16xf32>
      %mul3A_403 = arith.constant 2 : i32
      %mul3A_404 = arith.muli %mul3A_403, %scan3A_363 : i32
      %get3A_405 = arith.index_cast %mul3A_404 : i32 to index
      %get3A_406 = arith.constant 32 : index
      %get3A_407 = tpu.vector_load %arg10[%get3A_405, %get3A_406] {strides = array<i32>} : memref<350x128xf32, #tpu.memory_space<vmem>>, vector<1x16xf32>,
      %get3A_408 = vector.shape_cast %get3A_407 : vector<1x16xf32> to vector<16xf32>
      %mul3A_409 = arith.constant 2 : i32
      %mul3A_410 = arith.muli %mul3A_409, %scan3A_363 : i32
      %add3A_411 = arith.constant 1 : i32
      %add3A_412 = arith.addi %mul3A_410, %add3A_411 : i32
      %get3A_413 = arith.index_cast %add3A_412 : i32 to index
      %get3A_414 = arith.constant 32 : index
      %get3A_415 = tpu.vector_load %arg10[%get3A_413, %get3A_414] {strides = array<i32>} : memref<350x128xf32, #tpu.memory_space<vmem>>, vector<1x16xf32>,
      %get3A_416 = vector.shape_cast %get3A_415 : vector<1x16xf32> to vector<16xf32>
      %add3A_417 = arith.addf %get3A_408, %get3A_416 : vector<16xf32>
      %add3A_418 = arith.addf %scan3A_366, %add3A_417 : vector<16xf32>
      %mul3A_419 = arith.constant 2 : i32
      %mul3A_420 = arith.muli %mul3A_419, %scan3A_363 : i32
      %get3A_421 = arith.index_cast %mul3A_420 : i32 to index
      %get3A_422 = arith.constant 48 : index
      %get3A_423 = tpu.vector_load %arg10[%get3A_421, %get3A_422] {strides = array<i32>} : memref<350x128xf32, #tpu.memory_space<vmem>>, vector<1x16xf32>,
      %get3A_424 = vector.shape_cast %get3A_423 : vector<1x16xf32> to vector<16xf32>
      %mul3A_425 = arith.constant 2 : i32
      %mul3A_426 = arith.muli %mul3A_425, %scan3A_363 : i32
      %add3A_427 = arith.constant 1 : i32
      %add3A_428 = arith.addi %mul3A_426, %add3A_427 : i32
      %get3A_429 = arith.index_cast %add3A_428 : i32 to index
      %get3A_430 = arith.constant 48 : index
      %get3A_431 = tpu.vector_load %arg10[%get3A_429, %get3A_430] {strides = array<i32>} : memref<350x128xf32, #tpu.memory_space<vmem>>, vector<1x16xf32>,
      %get3A_432 = vector.shape_cast %get3A_431 : vector<1x16xf32> to vector<16xf32>
      %add3A_433 = arith.addf %get3A_424, %get3A_432 : vector<16xf32>
      %add3A_434 = arith.addf %scan3A_367, %add3A_433 : vector<16xf32>
      %mul3A_435 = arith.constant 2 : i32
      %mul3A_436 = arith.muli %mul3A_435, %scan3A_363 : i32
      %get3A_437 = arith.index_cast %mul3A_436 : i32 to index
      %get3A_438 = arith.constant 64 : index
      %get3A_439 = tpu.vector_load %arg10[%get3A_437, %get3A_438] {strides = array<i32>} : memref<350x128xf32, #tpu.memory_space<vmem>>, vector<1x16xf32>,
      %get3A_440 = vector.shape_cast %get3A_439 : vector<1x16xf32> to vector<16xf32>
      %mul3A_441 = arith.constant 2 : i32
      %mul3A_442 = arith.muli %mul3A_441, %scan3A_363 : i32
      %add3A_443 = arith.constant 1 : i32
      %add3A_444 = arith.addi %mul3A_442, %add3A_443 : i32
      %get3A_445 = arith.index_cast %add3A_444 : i32 to index
      %get3A_446 = arith.constant 64 : index
      %get3A_447 = tpu.vector_load %arg10[%get3A_445, %get3A_446] {strides = array<i32>} : memref<350x128xf32, #tpu.memory_space<vmem>>, vector<1x16xf32>,
      %get3A_448 = vector.shape_cast %get3A_447 : vector<1x16xf32> to vector<16xf32>
      %add3A_449 = arith.addf %get3A_440, %get3A_448 : vector<16xf32>
      %add3A_450 = arith.addf %scan3A_368, %add3A_449 : vector<16xf32>
      %mul3A_451 = arith.constant 2 : i32
      %mul3A_452 = arith.muli %mul3A_451, %scan3A_363 : i32
      %get3A_453 = arith.index_cast %mul3A_452 : i32 to index
      %get3A_454 = arith.constant 80 : index
      %get3A_455 = tpu.vector_load %arg10[%get3A_453, %get3A_454] {strides = array<i32>} : memref<350x128xf32, #tpu.memory_space<vmem>>, vector<1x16xf32>,
      %get3A_456 = vector.shape_cast %get3A_455 : vector<1x16xf32> to vector<16xf32>
      %mul3A_457 = arith.constant 2 : i32
      %mul3A_458 = arith.muli %mul3A_457, %scan3A_363 : i32
      %add3A_459 = arith.constant 1 : i32
      %add3A_460 = arith.addi %mul3A_458, %add3A_459 : i32
      %get3A_461 = arith.index_cast %add3A_460 : i32 to index
      %get3A_462 = arith.constant 80 : index
      %get3A_463 = tpu.vector_load %arg10[%get3A_461, %get3A_462] {strides = array<i32>} : memref<350x128xf32, #tpu.memory_space<vmem>>, vector<1x16xf32>,
      %get3A_464 = vector.shape_cast %get3A_463 : vector<1x16xf32> to vector<16xf32>
      %add3A_465 = arith.addf %get3A_456, %get3A_464 : vector<16xf32>
      %add3A_466 = arith.addf %scan3A_369, %add3A_465 : vector<16xf32>
      %mul3A_467 = arith.constant 2 : i32
      %mul3A_468 = arith.muli %mul3A_467, %scan3A_363 : i32
      %get3A_469 = arith.index_cast %mul3A_468 : i32 to index
      %get3A_470 = arith.constant 96 : index
      %get3A_471 = tpu.vector_load %arg10[%get3A_469, %get3A_470] {strides = array<i32>} : memref<350x128xf32, #tpu.memory_space<vmem>>, vector<1x16xf32>,
      %get3A_472 = vector.shape_cast %get3A_471 : vector<1x16xf32> to vector<16xf32>
      %mul3A_473 = arith.constant 2 : i32
      %mul3A_474 = arith.muli %mul3A_473, %scan3A_363 : i32
      %add3A_475 = arith.constant 1 : i32
      %add3A_476 = arith.addi %mul3A_474, %add3A_475 : i32
      %get3A_477 = arith.index_cast %add3A_476 : i32 to index
      %get3A_478 = arith.constant 96 : index
      %get3A_479 = tpu.vector_load %arg10[%get3A_477, %get3A_478] {strides = array<i32>} : memref<350x128xf32, #tpu.memory_space<vmem>>, vector<1x16xf32>,
      %get3A_480 = vector.shape_cast %get3A_479 : vector<1x16xf32> to vector<16xf32>
      %add3A_481 = arith.addf %get3A_472, %get3A_480 : vector<16xf32>
      %add3A_482 = arith.addf %scan3A_370, %add3A_481 : vector<16xf32>
      %mul3A_483 = arith.constant 2 : i32
      %mul3A_484 = arith.muli %mul3A_483, %scan3A_363 : i32
      %get3A_485 = arith.index_cast %mul3A_484 : i32 to index
      %get3A_486 = arith.constant 112 : index
      %get3A_487 = tpu.vector_load %arg10[%get3A_485, %get3A_486] {strides = array<i32>} : memref<350x128xf32, #tpu.memory_space<vmem>>, vector<1x16xf32>,
      %get3A_488 = vector.shape_cast %get3A_487 : vector<1x16xf32> to vector<16xf32>
      %mul3A_489 = arith.constant 2 : i32
      %mul3A_490 = arith.muli %mul3A_489, %scan3A_363 : i32
      %add3A_491 = arith.constant 1 : i32
      %add3A_492 = arith.addi %mul3A_490, %add3A_491 : i32
      %get3A_493 = arith.index_cast %add3A_492 : i32 to index
      %get3A_494 = arith.constant 112 : index
      %get3A_495 = tpu.vector_load %arg10[%get3A_493, %get3A_494] {strides = array<i32>} : memref<350x128xf32, #tpu.memory_space<vmem>>, vector<1x16xf32>,
      %get3A_496 = vector.shape_cast %get3A_495 : vector<1x16xf32> to vector<16xf32>
      %add3A_497 = arith.addf %get3A_488, %get3A_496 : vector<16xf32>
      %add3A_498 = arith.addf %scan3A_371, %add3A_497 : vector<16xf32>
      scf.yield %add3A_386, %add3A_402, %add3A_418, %add3A_434, %add3A_450, %add3A_466, %add3A_482, %add3A_498 : vector<16xf32>, vector<16xf32>, vector<16xf32>, vector<16xf32>, vector<16xf32>, vector<16xf32>, vector<16xf32>, vector<16xf32>
    }
    %scan3A_314 = arith.constant 175 : i32
    %swap3A_315 = arith.constant 31 : i32
    %swap3A_316 = arith.index_cast %swap3A_315 : i32 to index
    %swap3A_317 = arith.constant 0 : index
    %swap3A_318 = tpu.vector_load %arg11[%swap3A_316, %swap3A_317] {strides = array<i32>} : memref<32x128xf32, #tpu.memory_space<vmem>>, vector<1x16xf32>,
    %swap3A_319 = vector.shape_cast %swap3A_318 : vector<1x16xf32> to vector<16xf32>
    %swap3A_320 = vector.shape_cast %scan3A_313#0 : vector<16xf32> to vector<1x16xf32>
    tpu.vector_store %arg11[%swap3A_316, %swap3A_317], %swap3A_320 {strides = array<i32>} : memref<32x128xf32, #tpu.memory_space<vmem>>, vector<1x16xf32>,
    %swap3A_321 = arith.constant 31 : i32
    %swap3A_322 = arith.index_cast %swap3A_321 : i32 to index
    %swap3A_323 = arith.constant 16 : index
    %swap3A_324 = tpu.vector_load %arg11[%swap3A_322, %swap3A_323] {strides = array<i32>} : memref<32x128xf32, #tpu.memory_space<vmem>>, vector<1x16xf32>,
    %swap3A_325 = vector.shape_cast %swap3A_324 : vector<1x16xf32> to vector<16xf32>
    %swap3A_326 = vector.shape_cast %scan3A_313#1 : vector<16xf32> to vector<1x16xf32>
    tpu.vector_store %arg11[%swap3A_322, %swap3A_323], %swap3A_326 {strides = array<i32>} : memref<32x128xf32, #tpu.memory_space<vmem>>, vector<1x16xf32>,
    %swap3A_327 = arith.constant 31 : i32
    %swap3A_328 = arith.index_cast %swap3A_327 : i32 to index
    %swap3A_329 = arith.constant 32 : index
    %swap3A_330 = tpu.vector_load %arg11[%swap3A_328, %swap3A_329] {strides = array<i32>} : memref<32x128xf32, #tpu.memory_space<vmem>>, vector<1x16xf32>,
    %swap3A_331 = vector.shape_cast %swap3A_330 : vector<1x16xf32> to vector<16xf32>
    %swap3A_332 = vector.shape_cast %scan3A_313#2 : vector<16xf32> to vector<1x16xf32>
    tpu.vector_store %arg11[%swap3A_328, %swap3A_329], %swap3A_332 {strides = array<i32>} : memref<32x128xf32, #tpu.memory_space<vmem>>, vector<1x16xf32>,
    %swap3A_333 = arith.constant 31 : i32
    %swap3A_334 = arith.index_cast %swap3A_333 : i32 to index
    %swap3A_335 = arith.constant 48 : index
    %swap3A_336 = tpu.vector_load %arg11[%swap3A_334, %swap3A_335] {strides = array<i32>} : memref<32x128xf32, #tpu.memory_space<vmem>>, vector<1x16xf32>,
    %swap3A_337 = vector.shape_cast %swap3A_336 : vector<1x16xf32> to vector<16xf32>
    %swap3A_338 = vector.shape_cast %scan3A_313#3 : vector<16xf32> to vector<1x16xf32>
    tpu.vector_store %arg11[%swap3A_334, %swap3A_335], %swap3A_338 {strides = array<i32>} : memref<32x128xf32, #tpu.memory_space<vmem>>, vector<1x16xf32>,
    %swap3A_339 = arith.constant 31 : i32
    %swap3A_340 = arith.index_cast %swap3A_339 : i32 to index
    %swap3A_341 = arith.constant 64 : index
    %swap3A_342 = tpu.vector_load %arg11[%swap3A_340, %swap3A_341] {strides = array<i32>} : memref<32x128xf32, #tpu.memory_space<vmem>>, vector<1x16xf32>,
    %swap3A_343 = vector.shape_cast %swap3A_342 : vector<1x16xf32> to vector<16xf32>
    %swap3A_344 = vector.shape_cast %scan3A_313#4 : vector<16xf32> to vector<1x16xf32>
    tpu.vector_store %arg11[%swap3A_340, %swap3A_341], %swap3A_344 {strides = array<i32>} : memref<32x128xf32, #tpu.memory_space<vmem>>, vector<1x16xf32>,
    %swap3A_345 = arith.constant 31 : i32
    %swap3A_346 = arith.index_cast %swap3A_345 : i32 to index
    %swap3A_347 = arith.constant 80 : index
    %swap3A_348 = tpu.vector_load %arg11[%swap3A_346, %swap3A_347] {strides = array<i32>} : memref<32x128xf32, #tpu.memory_space<vmem>>, vector<1x16xf32>,
    %swap3A_349 = vector.shape_cast %swap3A_348 : vector<1x16xf32> to vector<16xf32>
    %swap3A_350 = vector.shape_cast %scan3A_313#5 : vector<16xf32> to vector<1x16xf32>
    tpu.vector_store %arg11[%swap3A_346, %swap3A_347], %swap3A_350 {strides = array<i32>} : memref<32x128xf32, #tpu.memory_space<vmem>>, vector<1x16xf32>,
    %swap3A_351 = arith.constant 31 : i32
    %swap3A_352 = arith.index_cast %swap3A_351 : i32 to index
    %swap3A_353 = arith.constant 96 : index
    %swap3A_354 = tpu.vector_load %arg11[%swap3A_352, %swap3A_353] {strides = array<i32>} : memref<32x128xf32, #tpu.memory_space<vmem>>, vector<1x16xf32>,
    %swap3A_355 = vector.shape_cast %swap3A_354 : vector<1x16xf32> to vector<16xf32>
    %swap3A_356 = vector.shape_cast %scan3A_313#6 : vector<16xf32> to vector<1x16xf32>
    tpu.vector_store %arg11[%swap3A_352, %swap3A_353], %swap3A_356 {strides = array<i32>} : memref<32x128xf32, #tpu.memory_space<vmem>>, vector<1x16xf32>,
    %swap3A_357 = arith.constant 31 : i32
    %swap3A_358 = arith.index_cast %swap3A_357 : i32 to index
    %swap3A_359 = arith.constant 112 : index
    %swap3A_360 = tpu.vector_load %arg11[%swap3A_358, %swap3A_359] {strides = array<i32>} : memref<32x128xf32, #tpu.memory_space<vmem>>, vector<1x16xf32>,
    %swap3A_361 = vector.shape_cast %swap3A_360 : vector<1x16xf32> to vector<16xf32>
    %swap3A_362 = vector.shape_cast %scan3A_313#7 : vector<16xf32> to vector<1x16xf32>
    tpu.vector_store %arg11[%swap3A_358, %swap3A_359], %swap3A_362 {strides = array<i32>} : memref<32x128xf32, #tpu.memory_space<vmem>>, vector<1x16xf32>,
    "tpu.region"() ({
      %run_scoped3A = tpu.sem_alloc : memref<!tpu.dma_semaphore, #tpu.memory_space<semaphore_mem>>
      %dma_start3A_363 = arith.constant 0 : i32
      %dma_start3A_364 = tpu.memref_slice %arg4[%mul3A_2, %dma_start3A_363] : memref<1024x128xf32, #tpu.memory_space<hbm>> -> memref<32x128xf32, #tpu.memory_space<hbm>>
      %dma_start3A_365 = arith.constant 0 : i32
      %dma_start3A_366 = tpu.memref_slice %arg4[%mul3A_2, %dma_start3A_365] : memref<1024x128xf32, #tpu.memory_space<hbm>> -> memref<32x128xf32, #tpu.memory_space<hbm>>
      tpu.enqueue_dma source(%arg11 : memref<32x128xf32, #tpu.memory_space<vmem>>) target(%dma_start3A_366 : memref<32x128xf32, #tpu.memory_space<hbm>>) target_semaphore(%run_scoped3A : memref<!tpu.dma_semaphore, #tpu.memory_space<semaphore_mem>>)
      %dma_wait3A_367 = arith.constant 0 : i32
      %dma_wait3A_368 = tpu.memref_slice %arg4[%mul3A_2, %dma_wait3A_367] : memref<1024x128xf32, #tpu.memory_space<hbm>> -> memref<32x128xf32, #tpu.memory_space<hbm>>
      %dma_wait3A_369 = arith.constant 0 : i32
      %dma_wait3A_370 = tpu.memref_slice %arg4[%mul3A_2, %dma_wait3A_369] : memref<1024x128xf32, #tpu.memory_space<hbm>> -> memref<32x128xf32, #tpu.memory_space<hbm>>
      tpu.wait_dma2 semaphore(%run_scoped3A : memref<!tpu.dma_semaphore, #tpu.memory_space<semaphore_mem>>) src(%arg11 : memref<32x128xf32, #tpu.memory_space<vmem>>) dst(%dma_wait3A_370 : memref<32x128xf32, #tpu.memory_space<hbm>>)
      tpu.yield
    }) : () -> ()
    return
  }
}

module attributes {stable_mosaic.version = 14 : i64} {
  func.func @body(%arg0: memref<1024x128xf32, #tpu.memory_space<vmem>>, %arg1: memref<1x128xf32, #tpu.memory_space<vmem>>, %arg2: memref<128x64xf32, #tpu.memory_space<vmem>>, %arg3: memref<1x64xf32, #tpu.memory_space<vmem>>, %arg4: memref<64x32xf32, #tpu.memory_space<vmem>>, %arg5: memref<1x32xf32, #tpu.memory_space<vmem>>, %arg6: memref<32x2xf32, #tpu.memory_space<vmem>>, %arg7: memref<1x2xf32, #tpu.memory_space<vmem>>, %arg8: memref<1024x2xf32, #tpu.memory_space<vmem>>) attributes {dimension_semantics = [], scalar_prefetch = 0 : i64, scratch_operands = 0 : i64, tpu.core_type = #tpu.core_type<tc>} {
    %get3A = arith.constant 0 : index
    %get3A_0 = arith.constant 0 : index
    %get3A_1 = vector.load %arg0[%get3A, %get3A_0] : memref<1024x128xf32, #tpu.memory_space<vmem>>, vector<1024x128xf32>
    %get3A_2 = arith.constant 0 : index
    %get3A_3 = arith.constant 0 : index
    %get3A_4 = vector.load %arg1[%get3A_2, %get3A_3] : memref<1x128xf32, #tpu.memory_space<vmem>>, vector<1x128xf32>
    %add3A = vector.broadcast %get3A_4 : vector<1x128xf32> to vector<1024x128xf32>
    %add3A_5 = arith.addf %get3A_1, %add3A : vector<1024x128xf32>
    %jit3A = arith.constant 0.000000e+00 : f32
    %jit3A_6 = arith.constant 1.000000e+00 : f32
    %max3A = vector.broadcast %jit3A : f32 to vector<1024x128xf32>
    %max3A_7 = arith.maximumf %max3A, %add3A_5 : vector<1024x128xf32>
    %min3A = vector.broadcast %jit3A_6 : f32 to vector<1024x128xf32>
    %min3A_8 = arith.minimumf %min3A, %max3A_7 : vector<1024x128xf32>
    %get3A_9 = arith.constant 0 : index
    %get3A_10 = arith.constant 0 : index
    %get3A_11 = vector.load %arg2[%get3A_9, %get3A_10] : memref<128x64xf32, #tpu.memory_space<vmem>>, vector<128x64xf32>
    %dot_general3A = arith.constant dense<0.000000e+00> : vector<1024x64xf32>
    %dot_general3A_12 = tpu.matmul %min3A_8, %get3A_11, %dot_general3A {dimension_numbers = #tpu.dot_dimension_numbers<[1], [0], [0], [1], [0, 0, 1, 1], [], []>, transpose_lhs_hint = false} : vector<1024x128xf32>, vector<128x64xf32>, vector<1024x64xf32> -> vector<1024x64xf32>
    %get3A_13 = arith.constant 0 : index
    %get3A_14 = arith.constant 0 : index
    %get3A_15 = vector.load %arg3[%get3A_13, %get3A_14] : memref<1x64xf32, #tpu.memory_space<vmem>>, vector<1x64xf32>
    %add3A_16 = vector.broadcast %get3A_15 : vector<1x64xf32> to vector<1024x64xf32>
    %add3A_17 = arith.addf %dot_general3A_12, %add3A_16 : vector<1024x64xf32>
    %jit3A_18 = arith.constant 0.000000e+00 : f32
    %jit3A_19 = arith.constant 1.000000e+00 : f32
    %max3A_20 = vector.broadcast %jit3A_18 : f32 to vector<1024x64xf32>
    %max3A_21 = arith.maximumf %max3A_20, %add3A_17 : vector<1024x64xf32>
    %min3A_22 = vector.broadcast %jit3A_19 : f32 to vector<1024x64xf32>
    %min3A_23 = arith.minimumf %min3A_22, %max3A_21 : vector<1024x64xf32>
    %get3A_24 = arith.constant 0 : index
    %get3A_25 = arith.constant 0 : index
    %get3A_26 = vector.load %arg4[%get3A_24, %get3A_25] : memref<64x32xf32, #tpu.memory_space<vmem>>, vector<64x32xf32>
    %dot_general3A_27 = arith.constant dense<0.000000e+00> : vector<1024x32xf32>
    %dot_general3A_28 = tpu.matmul %min3A_23, %get3A_26, %dot_general3A_27 {dimension_numbers = #tpu.dot_dimension_numbers<[1], [0], [0], [1], [0, 0, 1, 1], [], []>, transpose_lhs_hint = false} : vector<1024x64xf32>, vector<64x32xf32>, vector<1024x32xf32> -> vector<1024x32xf32>
    %get3A_29 = arith.constant 0 : index
    %get3A_30 = arith.constant 0 : index
    %get3A_31 = vector.load %arg5[%get3A_29, %get3A_30] : memref<1x32xf32, #tpu.memory_space<vmem>>, vector<1x32xf32>
    %add3A_32 = vector.broadcast %get3A_31 : vector<1x32xf32> to vector<1024x32xf32>
    %add3A_33 = arith.addf %dot_general3A_28, %add3A_32 : vector<1024x32xf32>
    %jit3A_34 = arith.constant 0.000000e+00 : f32
    %jit3A_35 = arith.constant 1.000000e+00 : f32
    %max3A_36 = vector.broadcast %jit3A_34 : f32 to vector<1024x32xf32>
    %max3A_37 = arith.maximumf %max3A_36, %add3A_33 : vector<1024x32xf32>
    %min3A_38 = vector.broadcast %jit3A_35 : f32 to vector<1024x32xf32>
    %min3A_39 = arith.minimumf %min3A_38, %max3A_37 : vector<1024x32xf32>
    %get3A_40 = arith.constant 0 : index
    %get3A_41 = arith.constant 0 : index
    %get3A_42 = vector.load %arg6[%get3A_40, %get3A_41] : memref<32x2xf32, #tpu.memory_space<vmem>>, vector<32x2xf32>
    %dot_general3A_43 = arith.constant dense<0.000000e+00> : vector<1024x2xf32>
    %dot_general3A_44 = tpu.matmul %min3A_39, %get3A_42, %dot_general3A_43 {dimension_numbers = #tpu.dot_dimension_numbers<[1], [0], [0], [1], [0, 0, 1, 1], [], []>, transpose_lhs_hint = false} : vector<1024x32xf32>, vector<32x2xf32>, vector<1024x2xf32> -> vector<1024x2xf32>
    %get3A_45 = arith.constant 0 : index
    %get3A_46 = arith.constant 0 : index
    %get3A_47 = vector.load %arg7[%get3A_45, %get3A_46] : memref<1x2xf32, #tpu.memory_space<vmem>>, vector<1x2xf32>
    %add3A_48 = vector.broadcast %get3A_47 : vector<1x2xf32> to vector<1024x2xf32>
    %add3A_49 = arith.addf %dot_general3A_44, %add3A_48 : vector<1024x2xf32>
    %iota3A = tpu.iota {dimensions = array<i32: 1>} : vector<1024x2xi32>
    %eq3A = arith.constant 0 : i32
    %eq3A_50 = vector.broadcast %eq3A : i32 to vector<1024x2xi32>
    %eq3A_51 = arith.cmpi eq, %iota3A, %eq3A_50 : vector<1024x2xi32>
    %min3A_52 = arith.constant 0.000000e+00 : f32
    %min3A_53 = vector.broadcast %min3A_52 : f32 to vector<1024x2xf32>
    %min3A_54 = arith.minimumf %add3A_49, %min3A_53 : vector<1024x2xf32>
    %mul3A = arith.constant 1.000000e+03 : f32
    %mul3A_55 = vector.broadcast %mul3A : f32 to vector<1024x2xf32>
    %mul3A_56 = arith.mulf %mul3A_55, %min3A_54 : vector<1024x2xf32>
    %max3A_57 = arith.constant 0.000000e+00 : f32
    %max3A_58 = vector.broadcast %max3A_57 : f32 to vector<1024x2xf32>
    %max3A_59 = arith.maximumf %add3A_49, %max3A_58 : vector<1024x2xf32>
    %select_n3A = arith.select %eq3A_51, %mul3A_56, %max3A_59 : vector<1024x2xi1>, vector<1024x2xf32>
    %swap3A = arith.constant 0 : index
    %swap3A_60 = arith.constant 0 : index
    %swap3A_61 = vector.load %arg8[%swap3A, %swap3A_60] : memref<1024x2xf32, #tpu.memory_space<vmem>>, vector<1024x2xf32>
    tpu.vector_store %arg8[%swap3A, %swap3A_60], %select_n3A {strides = array<i32>} : memref<1024x2xf32, #tpu.memory_space<vmem>>, vector<1024x2xf32>,
    return
  }
}

</mosaic_0001>

<sc_bundles>
// kernel: kernel.4.cloned.1.call-start
scs
__scs_entry_jumppad:
0x0: {  	(pc) =	sbr.rel $0x88, $3  }
0x1: {  	(tag) =	ssettag $0x0;
	lr =	simm.s32 $0x1  }
0x2: {  	[smem:$0x3F98] =	sst lr;
	_ =	strace $0xD0000000  }
0x3: {  	_ = 	snop  }
0x4: {  	_ = 	snop  }
0x5: {  	_ = 	snop  }
0x6: {  	_ = 	snop  }
0x7: {  	_ = 	snop  }
__scs_overlays_trampoline_lowered:
0x8: {  	[smem:$0x3FA7] =	sst s0  }
0x9: {  	[smem:$0x3FA8] =	sst s1  }
0xa: {  	[smem:$0x3FA9] =	sst s2  }
0xb: {  	[smem:$0x3FAA] =	sst s3  }
0xc: {  	[smem:$0x3FAB] =	sst s4  }
0xd: {  	[smem:$0x3FAC] =	sst s5  }
0xe: {  	[smem:$0x3FAD] =	sst s6  }
0xf: {  	[smem:$0x3FAE] =	sst s7  }
0x10: {  	[smem:$0x3FAF] =	sst s8  }
0x11: {  	[smem:$0x3FB0] =	sst s9;
	s0 =	simm.s32 @!p0 $0x0  }
0x12: {  	s1 =	sld [smem:$0x3F96];
	s0 =	simm.s32 @p0 $0x1  }
0x13: {  	[smem:$0x3FB1] =	sst s0;
	s0 =	simm.s32 @!p1 $0x0  }
0x14: {  	s2 =	sld [smem:$0x3F95];
	s0 =	simm.s32 @p1 $0x1  }
0x15: {  	[smem:$0x3FB2] =	sst s0;
	s0 =	simm.s32 @!p2 $0x0  }
0x16: {  	s3 =	sld [smem:$0x3FDB];
	s0 =	simm.s32 @p2 $0x1  }
0x17: {  	s4 =	simm.s32 $0x1BF5;
	[smem:$0x3FB4] =	sst s0  }
0x18: {  	s0 =	sld [smem:$0x3F97];
	_ =	swait.ge [sflag:s4], $0x0  }
0x19: {  	s7 =	sld [smem:$0x3F98]  }
0x1a: {  	s8 =	sadd.s32 $0xFFFFE003, lr  }
0x1b: {  	s9 =	sadd.s32 $0xFFFFFEF7, lr;
	s5 =	simm.s32 $0xFFFFFFFF;
	p2 =	slt.u32 s8, $0xFFFFF086  }
0x1c: {  	p1 =	slt.u32 s9, $0xF7A;
	s5 =	simm.s32 @!p2 $0x0  }
0x1d: {  	s5 =	simm.s32 @p1 $0x1;
	p0 =	seq.s32 s7, s2  }
0x1e: {  	s7 =	smul.u32 @!p0 $0xF7A, s2;
	p2 =	seq.s32 @!p0 s5, $0x0  }
0x1f: {  	s9 =	smul.u32 $0xF7A, s1;
	s8 =	simm.s32 @!p0 $0x1BF5;
	p2 =	por !p2, p0  }
0x20: {  	[sflag:s8] =	ssyncset.s32 @!p0 $0xFFFFF086;
	s6 =	sadd.s32 @!p0 s3, s7;
	s7 =	simm.s32 @!p0 $0x108  }
0x21: {  	s3 =	sadd.s32 s3, s9;
	s6 =	sadd.s32 @!p0 $0x88, s6;
	s7 =	simm.s32 @p2 $0x1082  }
0x22: {  	[simem:s7], [sflag:s8] =	dma.local @!p0 [hbm:s6], $0xF7A  }
0x23: {  	s9 =	sor.u32 $0xD0000000, s2;
	s6 =	simm.s32 $0x108;
	_ =	swait.ge @!p0 [sflag:s8], $0x0  }
0x24: {  	s3 =	sadd.s32 $0x88, s3;
	s6 =	simm.s32 @!p1 $0x1082;
	[sflag:s4] =	ssyncset.s32 $0xFFFFF086  }
0x25: {  	[simem:s6], [sflag:s4] =	dma.local [hbm:s3], $0xF7A  }
0x26: {  	[smem:$0x3F98] =	sst s1;
	(tag) =	ssettag s2;
	_ =	strace s9  }
0x27: {  	s1 =	sld [smem:$0x3FA8]  }
0x28: {  	s2 =	sld [smem:$0x3FA9]  }
0x29: {  	s4 =	sld [smem:$0x3FAB]  }
0x2a: {  	p0 =	seq.s32 s5, $0x0;
	s5 =	sld [smem:$0x3FAC]  }
0x2b: {  	s6 =	sld [smem:$0x3FAD]  }
0x2c: {  	s7 =	sld [smem:$0x3FAE]  }
0x2d: {  	s3 =	simm.s32 $0x108;
	s8 =	sld [smem:$0x3FAF]  }
0x2e: {  	s3 =	simm.s32 @!p0 $0x1082;
	s9 =	sld [smem:$0x3FB0]  }
0x2f: {  	lr =	sadd.s32 s0, s3;
	s0 =	sld [smem:$0x3FA7]  }
0x30: {  	s3 =	sld [smem:$0x3FAA]  }
0x31: {  	[smem:$0x3FB3] =	sst s10  }
0x32: {  	s10 =	sld [smem:$0x3FB1];
	_ =	sdelay $0x3  }
0x33: {  	p0 =	seq.s32 s10, $0x1;
	s10 =	sld [smem:$0x3FB3];
	_ =	sdelay $0x3  }
0x34: {  	[smem:$0x3FB3] =	sst s10  }
0x35: {  	s10 =	sld [smem:$0x3FB2];
	_ =	sdelay $0x3  }
0x36: {  	p1 =	seq.s32 s10, $0x1;
	s10 =	sld [smem:$0x3FB3];
	_ =	sdelay $0x3  }
0x37: {  	[smem:$0x3FB3] =	sst s10  }
0x38: {  	s10 =	sld [smem:$0x3FB4]  }
0x39: {  	_ = 	snop;
	(pc) =	sbr.ind lr, $3  }
0x3a: {  	_ = 	snop  }
0x3b: {  	_ = 	snop  }
0x3c: {  	p2 =	seq.s32 s10, $0x1;
	s10 =	sld [smem:$0x3FB3]  }
0x3d: {  	_ =	shalt  }
0x3e: {  	_ =	shalt  }
0x3f: {  	_ =	shalt  }
0x40: {  	_ =	shalt  }
0x41: {  	_ =	shalt  }
0x42: {  	_ =	shalt  }
0x43: {  	_ =	shalt  }
0x44: {  	_ =	shalt  }
0x45: {  	_ =	shalt  }
0x46: {  	_ =	shalt  }
0x47: {  	_ =	shalt  }
0x48: {  	_ =	shalt  }
0x49: {  	_ =	shalt  }
0x4a: {  	_ =	shalt  }
0x4b: {  	_ =	shalt  }
0x4c: {  	_ =	shalt  }
0x4d: {  	_ =	shalt  }
0x4e: {  	_ =	shalt  }
0x4f: {  	_ =	shalt  }
0x50: {  	_ =	shalt  }
0x51: {  	_ =	shalt  }
0x52: {  	_ =	shalt  }
0x53: {  	_ =	shalt  }
0x54: {  	_ =	shalt  }
0x55: {  	_ =	shalt  }
0x56: {  	_ =	shalt  }
0x57: {  	_ =	shalt  }
0x58: {  	_ =	shalt  }
0x59: {  	_ =	shalt  }
0x5a: {  	_ =	shalt  }
0x5b: {  	_ =	shalt  }
0x5c: {  	_ =	shalt  }
0x5d: {  	_ =	shalt  }
0x5e: {  	_ =	shalt  }
0x5f: {  	_ =	shalt  }
0x60: {  	_ =	shalt  }
0x61: {  	_ =	shalt  }
0x62: {  	_ =	shalt  }
0x63: {  	_ =	shalt  }
0x64: {  	_ =	shalt  }
0x65: {  	_ =	shalt  }
0x66: {  	_ =	shalt  }
0x67: {  	_ =	shalt  }
0x68: {  	_ =	shalt  }
0x69: {  	_ =	shalt  }
0x6a: {  	_ =	shalt  }
0x6b: {  	_ =	shalt  }
0x6c: {  	_ =	shalt  }
0x6d: {  	_ =	shalt  }
0x6e: {  	_ =	shalt  }
0x6f: {  	_ =	shalt  }
0x70: {  	_ =	shalt  }
0x71: {  	_ =	shalt  }
0x72: {  	_ =	shalt  }
0x73: {  	_ =	shalt  }
0x74: {  	_ =	shalt  }
0x75: {  	_ =	shalt  }
0x76: {  	_ =	shalt  }
0x77: {  	_ =	shalt  }
0x78: {  	_ =	shalt  }
0x79: {  	_ =	shalt  }
0x7a: {  	_ =	shalt  }
0x7b: {  	_ =	shalt  }
0x7c: {  	_ =	shalt  }
0x7d: {  	_ =	shalt  }
0x7e: {  	_ =	shalt  }
0x7f: {  	_ =	shalt  }
0x80: {  	_ =	shalt  }
0x81: {  	_ =	shalt  }
0x82: {  	_ =	shalt  }
0x83: {  	_ =	shalt  }
0x84: {  	_ =	shalt  }
0x85: {  	_ =	shalt  }
0x86: {  	_ =	shalt  }
0x87: {  	_ =	shalt  }
.Lfunc_end0:
.L_simem_size_0:
called_computation_lowered:
.L_overlay_start_0:
0x88: {  	s2 =	sld [smem:$0x3FD9]  }
0x89: {  	s3 =	sld [smem:$0x3FFE];
	_ =	sdelay $0x1  }
0x8a: {  	s1 =	srdreg.scid  }
0x8b: {  	s0 =	sand.u32 $0x1, s1  }
0x8c: {  	s17 =	sshll.u32 s0, $0xA;
	s2 =	sadd.s32 s3, s2  }
0x8d: {  	s2 =	sadd.s32 s2, s17  }
0x8e: {  	[smem:$0x3FBF] =	sst s2  }
0x8f: {  	_ = 	snop  }
0x90: {  	s2 =	sld [smem:$0x3FC8];
	(tm) =	ssettm $0x1  }
0x91: {  	s18 =	sld [smem:$0x3FFB];
	_ =	sdelay $0x3  }
0x92: {  	_ =	strace s18  }
0x93: {  	s3 =	sld [smem:$0x3FFC];
	_ =	sdelay $0x3  }
0x94: {  	_ =	strace s3  }
0x95: {  	s3 =	sld [smem:$0x3FFD];
	_ =	sdelay $0x3  }
0x96: {  	_ =	strace s3  }
0x97: {  	_ =	strace $0x8FFFFFFF  }
0x98: {  	s19 =	sld [smem:$0x3FDB];
	_ =	sdelay $0x1  }
0x99: {  	s4 =	simm.s32 $_scs_section_size  }
0x9a: {  	s5 =	simm.s32 $_size__tile_overlayer_lowered;
	s6 =	simm.s32 $_tile_overlayer_lowered  }
0x9b: {  	s22 =	simm.s32 $0x1BFF;
	s21 =	sshll.u32 s6, $0x1;
	s3 =	sadd.s32 s4, s19  }
0x9c: {  	s7 =	simm.s32 $0x0;
	s20 =	sshll.u32 s5, $0x1;
	s5 =	sadd.s32 s21, s3  }
0x9d: {  	[timem:s7], [sflag:s22] =	dma.local [hbm:s5], s20  }
0x9e: {  	_ =	swait.ge [sflag:s22], s20  }
0x9f: {  	s4 =	ssub.s32 $0x0, s20;
	[sflag:s22] =	ssyncset.done $0x0  }
0xa0: {  	[sflag:s22] =	ssyncadd.s32 s4;
	_ =	sdelay $0x1  }
0xa1: {  	s23 =	simm.s32 $0x1B8B  }
0xa2: {  	_ =	swait.ge [sflag:s23], $0x1  }
0xa3: {  	[sflag:s23] =	ssyncset.done $0x0  }
0xa4: {  	s25 =	simm.s32 $0x1B8E;
	s24 =	sld [smem:$0x3FFE];
	[sflag:s23] =	ssyncadd.s32 $0xFFFFFFFF  }
0xa5: {  	s26 =	simm.s32 $execute0_lowered;
	[smem:$0x3FD2] =	sst s25  }
0xa6: {  	s5 =	sshll.u32 s26, $0x1;
	_ =	strace $0x80000046;
	[dreg:$0x1] =	wrdreg $0xFFFFFFFF  }
0xa7: {  	s28 =	simm.s32 $_size_execute0_lowered;
	s3 =	sadd.s32 s3, s5;
	[dreg:$0x0] =	wrdreg $0x0  }
0xa8: {  	s5 =	sshll.u32 s28, $0x1;
	[dreg:$0x2] =	wrdreg s3  }
0xa9: {  	[dreg:$0x3] =	wrdreg s5  }
0xaa: {  	[dreg:$0x4] =	wrdreg $0xC0  }
0xab: {  	_ =	task [dreg:s7], $0x5FFFF  }
0xac: {  	[dreg:$0x1] =	wrdreg $0xFFFFFFFF  }
0xad: {  	[dreg:$0x0] =	wrdreg $0x60  }
0xae: {  	[dreg:$0x2] =	wrdreg s24  }
0xaf: {  	[dreg:$0x3] =	wrdreg s2  }
0xb0: {  	[dreg:$0x4] =	wrdreg $0x9  }
0xb1: {  	_ =	task.clear_ibuf [dreg:s7], $0x5FFFF;
	_ =	strace $0x90000046  }
0xb2: {  	s29 =	simm.s32 $0x9;
	_ =	strace $0x80000048  }
0xb3: {  	_ =	swait.ge [sflag:s29], $0x1  }
0xb4: {  	[sflag:s29] =	ssyncadd.s32 $0xFFFFFFFF  }
0xb5: {  	_ =	strace $0x90000048  }
0xb6: {  	_ =	sfence  }
0xb7: {  	s30 =	sld [smem:$0x0];
	_ =	sdelay $0x2  }
0xb8: {  	s31 =	sshll.u32 s1, $0xD;
	s1 =	sshrl.u32 s1, $0x2  }
0xb9: {  	s3 =	sand.u32 $0x4000, s31;
	s1 =	sadd.s32 s1, s30  }
0xba: {  	s0 =	sor.u32 s3, s0;
	s1 =	sshll.u32 s1, $0x11  }
0xbb: {  	s0 =	sor.u32 s1, s0  }
0xbc: {  	s0 =	sadd.s32 $0x8F2B, s0  }
0xbd: {  	[sflag:s0] =	ssyncadd.remote.s32 $0x1  }
0xbe: {  	_ =	sfence.sel $0xFFFF  }
0xbf: {  	[dreg:$0x0] =	wrdreg $0xFFFFFFFF;
	(pc) =	sbr.abs _section_cstart, $3  }
0xc0: {  	[dreg:$0x1] =	wrdreg $0xFFFFFFFF  }
0xc1: {  	_ =	task.clear_ibuf [dreg:s7], $0x2FFFF;
	_ =	strace $0x9FFFFFFF  }
0xc2: {  	(tm) =	ssettm $0x7FFFFFFF  }
0xc3: {  	_ =	shalt  }
tec
execute0_lowered:
.L_overlay_start_1:
0x0: {  	(tag) =	ssettag $0x1  }
0x1: {  	s0 =	srdreg.scid;
	s2 =	stileid.u32  }
0x2: {  	s1 =	rddreg [dreg:$0x0];
	s12 =	simm.s32 $0x80;
	s13 =	simm.s32 $0x400  }
0x3: {  	s14 =	simm.s32 $0x180;
	s15 =	simm.s32 $0x300;
	s16 =	simm.s32 $0x480  }
0x4: {  	s17 =	simm.s32 $0x1;
	s18 =	simm.s32 $0x15E;
	s19 =	simm.s32 $0x600  }
0x5: {  	s20 =	simm.s32 $0x2;
	s21 =	simm.s32 $0xB600;
	s22 =	simm.s32 $0x5  }
0x6: {  	s23 =	simm.s32 $0x3;
	s24 =	simm.s32 $0x6;
	s25 =	simm.s32 $0x4  }
0x7: {  	s28 =	simm.s32 $0x7;
	s29 =	simm.s32 $0x0;
	s0 =	sand.u32 $0x1, s0  }
0x8: {  	s3 =	sshll.u32 s2, $0x6;
	s2 =	rddreg [dreg:$0x1];
	s4 =	sshll.u32 s0, $0x5  }
0x9: {  	s0 =	ssub.s32 $0x2, s0;
	s3 =	sor.u32 s4, s3;
	s4 =	simm.s32 $0x0  }
0xa: {  	s8 =	sshrl.u32 s0, $0x1;
	s5 =	sshrl.u32 s3, $0x3;
	[smem:$0x7FF] =	sst s4  }
0xb: {  	s7 =	sshll.u32 s3, $0x4;
	s0 =	ssub.s32 s0, s8;
	s6 =	smul.u32 $0x180, s5  }
0xc: {  	_ =	strace $0x80000047;
	s5 =	sadd.s32 $0x1400, s1;
	s1 =	sadd.s32 s7, s1  }
0xd: {  	s11 =	smax.u32 s0, $0x1;
	s10 =	sadd.s32 $0xD400, s1;
	s6 =	sadd.s32 s5, s6  }
0xe: {  	s7 =	sadd.s32 $0x10, s6;
	s8 =	sadd.s32 $0x20, s6;
	s9 =	sadd.s32 $0x30, s6  }
.LBB2_1:
0xf: {  	[tilespmem:s4], [sflag:$0x1] =	stream.strided.gather [hbm4b:s6+s12], $0x180, s13, s12, $0x38;
	[tilespmem:$0x17600] =	vst v63  }
0x10: {  	_ = 	snop  }
0x11: {  	[tilespmem:s14], [sflag:$0x2] =	stream.strided.gather [hbm4b:s7+s12], $0x180, s13, s12, $0x38;
	[tilespmem:$0x17600] =	vst v63  }
0x12: {  	_ = 	snop  }
0x13: {  	[tilespmem:s15], [sflag:$0x3] =	stream.strided.gather [hbm4b:s8+s12], $0x180, s13, s12, $0x38;
	[tilespmem:$0x17600] =	vst v63  }
0x14: {  	_ = 	snop  }
0x15: {  	[tilespmem:s16], [sflag:$0x4] =	stream.strided.gather [hbm4b:s9+s12], $0x180, s13, s12, $0x38;
	[tilespmem:$0x17600] =	vst v63  }
0x16: {  	_ =	swait.ge [sflag:s17], $0x180  }
0x17: {  	[sflag:s17] =	ssyncset.done $0x0  }
0x18: {  	[sflag:s17] =	ssyncadd.s32 $0xFFFFFE80  }
0x19: {  	[tilespmem:s19], [sflag:$0x5] =	stream.indirect.gather [hbm4b:s2+s18], $0x80, s4, s18, $0xb8;
	[tilespmem:$0x17600] =	vst v63  }
0x1a: {  	_ =	swait.ge [sflag:s20], $0x180  }
0x1b: {  	[sflag:s20] =	ssyncset.done $0x0  }
0x1c: {  	s30 =	simm.s32 $0x0;
	[sflag:s20] =	ssyncadd.s32 $0xFFFFFE80  }
0x1d: {  	[tilespmem:s21], [sflag:$0x6] =	stream.indirect.gather [hbm4b:s2+s18], $0x80, s14, s18, $0xb8;
	[tilespmem:$0x17600] =	vst v63  }
.LBB2_2:
0x1e: {  	s1 =	sshll.u32 s30, $0x2  }
0x1f: {  	s0 =	sadd.s32 $0x4, s1  }
0x20: {  	s26 =	sadd.s32 s3, s0  }
0x21: {  	s26 =	sshrl.u32 s26, $0x3  }
0x22: {  	s0 =	sshll.u32 s0, $0x7;
	s26 =	smul.u32 $0xC00, s26  }
0x23: {  	s0 =	sand.u32 $0x200, s0  }
0x24: {  	_ =	swait.ge [sflag:s22], $0xAF00;
	s0 =	sor.u32 s0, s26  }
0x25: {  	[sflag:s22] =	ssyncset.done $0x0;
	s0 =	sshrl.u32 s0, $0x3  }
0x26: {  	[sflag:s22] =	ssyncadd.s32 $0xFFFF5100;
	s26 =	simm.s32 $0x0;
	s0 =	sadd.s32 s5, s0  }
0x27: {  	[tilespmem:s26], [sflag:$0x1] =	stream.strided.gather [hbm4b:s0+s12], $0x180, s13, s12, $0x38;
	[tilespmem:$0x17600] =	vst v63  }
0x28: {  	s26 =	simm.s32 $0x0  }
0x29: {  	v0 =	vld [tilespmem:s26+$0x670]  }
0x2a: {  	v1 =	vld [tilespmem:s26+$0x6F0]  }
0x2b: {  	v2 =	vld [tilespmem:s26+$0x600]  }
0x2c: {  	v3 =	vld [tilespmem:s26+$0x680]  }
0x2d: {  	v5 =	vld [tilespmem:s26+$0x610]  }
0x2e: {  	v6 =	vld [tilespmem:s26+$0x690]  }
0x2f: {  	v7 =	vld [tilespmem:s26+$0x620]  }
0x30: {  	v8 =	vld [tilespmem:s26+$0x6A0]  }
0x31: {  	v10 =	vld [tilespmem:s26+$0x630]  }
0x32: {  	v12 =	vld [tilespmem:s26+$0x6B0]  }
0x33: {  	v13 =	vld [tilespmem:s26+$0x640]  }
0x34: {  	v14 =	vld [tilespmem:s26+$0x6C0];
	_ =	sdelay $0x2  }
0x35: {  	v0 =	vadd.f32 v1, v0;
	v1 =	vadd.f32 v3, v2  }
0x36: {  	v9 =	vld [tilespmem:s26+$0x650];
	v2 =	vadd.f32 v6, v5;
	v6 =	vadd.f32 v8, v7  }
0x37: {  	v4 =	vimm.f32 $0.0e+00;
	v11 =	vld [tilespmem:s26+$0x6D0];
	v7 =	vadd.f32 v12, v10;
	v13 =	vadd.f32 v14, v13  }
0x38: {  	v10 =	vld [tilespmem:s26+$0x660];
	v0 =	vadd.f32 v0, v4;
	v5 =	vadd.f32 v1, v4  }
0x39: {  	s31 =	simm.s32 $0x100;
	v12 =	vld [tilespmem:s26+$0x6E0];
	v3 =	vadd.f32 v2, v4;
	v1 =	vadd.f32 v6, v4  }
0x3a: {  	s0 =	simm.s32 $0x800;
	v8 =	vld [tilespmem:s31+$0x670];
	v2 =	vadd.f32 v7, v4;
	v7 =	vimm.f32 $0.0e+00;
	v6 =	vimm.f32 $0.0e+00  }
.LBB2_3:
0x3b: {  	p0 =	sne.s32 s0, $0x2B800;
	v14 =	vld [tilespmem:s31+$0x6F0]  }
0x3c: {  	v15 =	vld [tilespmem:s31+$0x600];
	v4 =	vadd.f32 v13, v4;
	v9 =	vadd.f32 v11, v9  }
0x3d: {  	v11 =	vld [tilespmem:s31+$0x680]  }
0x3e: {  	v13 =	vld [tilespmem:s31+$0x610];
	v7 =	vadd.f32 v9, v7;
	v9 =	vadd.f32 v12, v10  }
0x3f: {  	v10 =	vld [tilespmem:s31+$0x690]  }
0x40: {  	v12 =	vld [tilespmem:s31+$0x620];
	v8 =	vadd.f32 v14, v8;
	v6 =	vadd.f32 v9, v6  }
0x41: {  	v9 =	vld [tilespmem:s31+$0x6A0]  }
0x42: {  	v11 =	vadd.f32 v11, v15;
	v14 =	vld [tilespmem:s31+$0x630];
	v0 =	vadd.f32 v8, v0  }
0x43: {  	v8 =	vld [tilespmem:s31+$0x6B0]  }
0x44: {  	v5 =	vadd.f32 v11, v5;
	v10 =	vadd.f32 v10, v13;
	v13 =	vld [tilespmem:s31+$0x640]  }
0x45: {  	v15 =	vld [tilespmem:s31+$0x6C0]  }
.Ltmp0:
0x46: {  	v3 =	vadd.f32 v10, v3;
	v10 =	vadd.f32 v9, v12;
	v9 =	vld [tilespmem:s31+$0x650];
	(pc) =	sbr.rel @p0 .LBB2_3-.Ltmp0, $4  }
0x47: {  	v11 =	vld [tilespmem:s31+$0x6D0]  }
0x48: {  	v1 =	vadd.f32 v10, v1;
	v14 =	vadd.f32 v8, v14;
	v10 =	vld [tilespmem:s31+$0x660]  }
0x49: {  	v12 =	vld [tilespmem:s31+$0x6E0];
	s31 =	sshra.s32 s0, $0x2  }
0x4a: {  	s0 =	sadd.s32 $0x400, s0;
	v8 =	vld [tilespmem:s31+$0x670];
	v2 =	vadd.f32 v14, v2;
	v13 =	vadd.f32 v15, v13  }
0x4b: {  	v14 =	vld [tilespmem:s31+$0x600]  }
0x4c: {  	v15 =	vld [tilespmem:s31+$0x680]  }
0x4d: {  	v16 =	vld [tilespmem:s31+$0x610]  }
0x4e: {  	v17 =	vld [tilespmem:s31+$0x690]  }
0x4f: {  	v18 =	vld [tilespmem:s31+$0x620]  }
0x50: {  	v19 =	vld [tilespmem:s31+$0x6A0]  }
0x51: {  	v20 =	vld [tilespmem:s31+$0x630]  }
0x52: {  	v21 =	vld [tilespmem:s31+$0x6B0]  }
0x53: {  	v22 =	vld [tilespmem:s31+$0x640]  }
0x54: {  	v23 =	vld [tilespmem:s31+$0x6C0]  }
0x55: {  	v9 =	vadd.f32 v11, v9;
	v11 =	vld [tilespmem:s31+$0x650]  }
0x56: {  	v4 =	vadd.f32 v13, v4;
	v13 =	vld [tilespmem:s31+$0x660];
	v10 =	vadd.f32 v12, v10  }
0x57: {  	v12 =	vld [tilespmem:s31+$0x6D0];
	v7 =	vadd.f32 v9, v7;
	v9 =	vadd.f32 v15, v14  }
0x58: {  	v6 =	vadd.f32 v10, v6;
	v10 =	vadd.f32 v17, v16;
	v14 =	vld [tilespmem:s31+$0x6E0]  }
0x59: {  	s0 =	sshll.u32 s30, $0x9;
	v15 =	vld [tilespmem:s31+$0x6F0];
	v5 =	vadd.f32 v9, v5;
	v9 =	vadd.f32 v19, v18  }
0x5a: {  	s31 =	sand.u32 $0x3FFFFE00, s0;
	v3 =	vadd.f32 v10, v3;
	v10 =	vadd.f32 v21, v20  }
0x5b: {  	v1 =	vadd.f32 v9, v1;
	v9 =	vadd.f32 v23, v22;
	[tilespmem:s31+$0x16600] =	vst v5  }
0x5c: {  	v2 =	vadd.f32 v10, v2;
	v5 =	vadd.f32 v12, v11;
	[tilespmem:s31+$0x16610] =	vst v3  }
0x5d: {  	v3 =	vadd.f32 v9, v4;
	v4 =	vadd.f32 v14, v13;
	[tilespmem:s31+$0x16620] =	vst v1  }
0x5e: {  	v1 =	vadd.f32 v15, v8;
	v5 =	vadd.f32 v5, v7;
	[tilespmem:s31+$0x16630] =	vst v2  }
0x5f: {  	v2 =	vadd.f32 v4, v6;
	[tilespmem:s31+$0x16640] =	vst v3  }
0x60: {  	v0 =	vadd.f32 v1, v0;
	[tilespmem:s31+$0x16650] =	vst v5  }
0x61: {  	[tilespmem:s31+$0x16660] =	vst v2  }
0x62: {  	s0 =	sadd.s32 $0x5, s1;
	[tilespmem:s31+$0x16670] =	vst v0  }
0x63: {  	s26 =	sadd.s32 s3, s0;
	_ =	swait.ge [sflag:s23], $0x180  }
0x64: {  	s0 =	sshll.u32 s0, $0x7;
	s26 =	sshrl.u32 s26, $0x3;
	[sflag:s23] =	ssyncset.done $0x0  }
0x65: {  	s0 =	sand.u32 $0x280, s0;
	s26 =	smul.u32 $0xC00, s26;
	[sflag:s23] =	ssyncadd.s32 $0xFFFFFE80  }
0x66: {  	[tilespmem:s19], [sflag:$0x5] =	stream.indirect.gather [hbm4b:s2+s18], $0x80, s15, s18, $0xb8;
	[tilespmem:$0x17600] =	vst v63  }
0x67: {  	s0 =	sor.u32 s0, s26;
	_ =	swait.ge [sflag:s24], $0xAF00  }
0x68: {  	s0 =	sshrl.u32 s0, $0x3;
	[sflag:s24] =	ssyncset.done $0x0  }
0x69: {  	s26 =	simm.s32 $0x0;
	s0 =	sadd.s32 s5, s0;
	[sflag:s24] =	ssyncadd.s32 $0xFFFF5100  }
0x6a: {  	[tilespmem:s14], [sflag:$0x2] =	stream.strided.gather [hbm4b:s0+s12], $0x180, s13, s12, $0x38;
	[tilespmem:$0x17600] =	vst v63  }
0x6b: {  	v0 =	vld [tilespmem:s26+$0xB670]  }
0x6c: {  	v1 =	vld [tilespmem:s26+$0xB6F0]  }
0x6d: {  	v2 =	vld [tilespmem:s26+$0xB600]  }
0x6e: {  	v3 =	vld [tilespmem:s26+$0xB680]  }
0x6f: {  	v5 =	vld [tilespmem:s26+$0xB610]  }
0x70: {  	v6 =	vld [tilespmem:s26+$0xB690]  }
0x71: {  	v7 =	vld [tilespmem:s26+$0xB620]  }
0x72: {  	v8 =	vld [tilespmem:s26+$0xB6A0]  }
0x73: {  	v10 =	vld [tilespmem:s26+$0xB630]  }
0x74: {  	v12 =	vld [tilespmem:s26+$0xB6B0]  }
0x75: {  	v13 =	vld [tilespmem:s26+$0xB640]  }
0x76: {  	v14 =	vld [tilespmem:s26+$0xB6C0];
	_ =	sdelay $0x1  }
0x77: {  	v0 =	vadd.f32 v1, v0  }
0x78: {  	v9 =	vld [tilespmem:s26+$0xB650];
	v1 =	vadd.f32 v3, v2;
	v2 =	vadd.f32 v6, v5  }
0x79: {  	v4 =	vimm.f32 $0.0e+00;
	v11 =	vld [tilespmem:s26+$0xB6D0];
	v3 =	vadd.f32 v8, v7;
	v6 =	vadd.f32 v12, v10  }
0x7a: {  	v10 =	vld [tilespmem:s26+$0xB660];
	v13 =	vadd.f32 v14, v13;
	v0 =	vadd.f32 v0, v4  }
0x7b: {  	s0 =	simm.s32 $0x100;
	v12 =	vld [tilespmem:s26+$0xB6E0];
	v7 =	vimm.f32 $0.0e+00;
	v5 =	vadd.f32 v1, v4;
	v1 =	vadd.f32 v2, v4  }
0x7c: {  	v8 =	vld [tilespmem:s0+$0xB670];
	s26 =	simm.s32 $0x800;
	v2 =	vadd.f32 v3, v4;
	v3 =	vadd.f32 v6, v4;
	v6 =	vimm.f32 $0.0e+00  }
.LBB2_5:
0x7d: {  	p0 =	sne.s32 s26, $0x2B800;
	v14 =	vld [tilespmem:s0+$0xB6F0]  }
0x7e: {  	v15 =	vld [tilespmem:s0+$0xB600];
	v4 =	vadd.f32 v13, v4;
	v9 =	vadd.f32 v11, v9  }
0x7f: {  	v11 =	vld [tilespmem:s0+$0xB680]  }
0x80: {  	v13 =	vld [tilespmem:s0+$0xB610];
	v7 =	vadd.f32 v9, v7;
	v9 =	vadd.f32 v12, v10  }
0x81: {  	v10 =	vld [tilespmem:s0+$0xB690]  }
0x82: {  	v12 =	vld [tilespmem:s0+$0xB620];
	v8 =	vadd.f32 v14, v8;
	v6 =	vadd.f32 v9, v6  }
0x83: {  	v9 =	vld [tilespmem:s0+$0xB6A0]  }
0x84: {  	v11 =	vadd.f32 v11, v15;
	v14 =	vld [tilespmem:s0+$0xB630];
	v0 =	vadd.f32 v8, v0  }
0x85: {  	v8 =	vld [tilespmem:s0+$0xB6B0]  }
0x86: {  	v5 =	vadd.f32 v11, v5;
	v10 =	vadd.f32 v10, v13;
	v13 =	vld [tilespmem:s0+$0xB640]  }
0x87: {  	v15 =	vld [tilespmem:s0+$0xB6C0]  }
.Ltmp1:
0x88: {  	v1 =	vadd.f32 v10, v1;
	v10 =	vadd.f32 v9, v12;
	v9 =	vld [tilespmem:s0+$0xB650];
	(pc) =	sbr.rel @p0 .LBB2_5-.Ltmp1, $4  }
0x89: {  	v11 =	vld [tilespmem:s0+$0xB6D0]  }
0x8a: {  	v2 =	vadd.f32 v10, v2;
	v14 =	vadd.f32 v8, v14;
	v10 =	vld [tilespmem:s0+$0xB660]  }
0x8b: {  	v12 =	vld [tilespmem:s0+$0xB6E0];
	s0 =	sshra.s32 s26, $0x2  }
0x8c: {  	s26 =	sadd.s32 $0x400, s26;
	v8 =	vld [tilespmem:s0+$0xB670];
	v3 =	vadd.f32 v14, v3;
	v13 =	vadd.f32 v15, v13  }
0x8d: {  	v14 =	vld [tilespmem:s0+$0xB600]  }
0x8e: {  	v15 =	vld [tilespmem:s0+$0xB680]  }
0x8f: {  	v16 =	vld [tilespmem:s0+$0xB610]  }
0x90: {  	v17 =	vld [tilespmem:s0+$0xB690]  }
0x91: {  	v18 =	vld [tilespmem:s0+$0xB620]  }
0x92: {  	v19 =	vld [tilespmem:s0+$0xB6A0]  }
0x93: {  	v20 =	vld [tilespmem:s0+$0xB630]  }
0x94: {  	v21 =	vld [tilespmem:s0+$0xB6B0]  }
0x95: {  	v22 =	vld [tilespmem:s0+$0xB640]  }
0x96: {  	v23 =	vld [tilespmem:s0+$0xB6C0]  }
0x97: {  	v9 =	vadd.f32 v11, v9;
	v11 =	vld [tilespmem:s0+$0xB650]  }
0x98: {  	v4 =	vadd.f32 v13, v4;
	v13 =	vld [tilespmem:s0+$0xB660];
	v10 =	vadd.f32 v12, v10  }
0x99: {  	v12 =	vld [tilespmem:s0+$0xB6D0];
	v7 =	vadd.f32 v9, v7;
	v9 =	vadd.f32 v15, v14  }
0x9a: {  	v6 =	vadd.f32 v10, v6;
	v10 =	vadd.f32 v17, v16;
	v14 =	vld [tilespmem:s0+$0xB6E0]  }
0x9b: {  	v15 =	vld [tilespmem:s0+$0xB6F0];
	v5 =	vadd.f32 v9, v5;
	v9 =	vadd.f32 v19, v18  }
0x9c: {  	v1 =	vadd.f32 v10, v1;
	v10 =	vadd.f32 v21, v20  }
0x9d: {  	v2 =	vadd.f32 v9, v2;
	v9 =	vadd.f32 v23, v22;
	[tilespmem:s31+$0x16680] =	vst v5  }
0x9e: {  	v3 =	vadd.f32 v10, v3;
	v5 =	vadd.f32 v12, v11;
	[tilespmem:s31+$0x16690] =	vst v1  }
0x9f: {  	v1 =	vadd.f32 v9, v4;
	v4 =	vadd.f32 v14, v13;
	[tilespmem:s31+$0x166A0] =	vst v2  }
0xa0: {  	v2 =	vadd.f32 v15, v8;
	v5 =	vadd.f32 v5, v7;
	[tilespmem:s31+$0x166B0] =	vst v3  }
0xa1: {  	v3 =	vadd.f32 v4, v6;
	[tilespmem:s31+$0x166C0] =	vst v1  }
0xa2: {  	v0 =	vadd.f32 v2, v0;
	[tilespmem:s31+$0x166D0] =	vst v5  }
0xa3: {  	[tilespmem:s31+$0x166E0] =	vst v3  }
0xa4: {  	s0 =	sadd.s32 $0x6, s1;
	[tilespmem:s31+$0x166F0] =	vst v0  }
0xa5: {  	s26 =	sadd.s32 s3, s0;
	_ =	swait.ge [sflag:s25], $0x180  }
0xa6: {  	s0 =	sshll.u32 s0, $0x7;
	s26 =	sshrl.u32 s26, $0x3;
	[sflag:s25] =	ssyncset.done $0x0  }
0xa7: {  	s0 =	sand.u32 $0x300, s0;
	s26 =	smul.u32 $0xC00, s26;
	[sflag:s25] =	ssyncadd.s32 $0xFFFFFE80  }
0xa8: {  	[tilespmem:s21], [sflag:$0x6] =	stream.indirect.gather [hbm4b:s2+s18], $0x80, s16, s18, $0xb8;
	[tilespmem:$0x17600] =	vst v63  }
0xa9: {  	s0 =	sor.u32 s0, s26;
	_ =	swait.ge [sflag:s22], $0xAF00  }
0xaa: {  	s0 =	sshrl.u32 s0, $0x3;
	[sflag:s22] =	ssyncset.done $0x0  }
0xab: {  	s26 =	simm.s32 $0x0;
	s0 =	sadd.s32 s5, s0;
	[sflag:s22] =	ssyncadd.s32 $0xFFFF5100  }
0xac: {  	[tilespmem:s15], [sflag:$0x3] =	stream.strided.gather [hbm4b:s0+s12], $0x180, s13, s12, $0x38;
	[tilespmem:$0x17600] =	vst v63  }
0xad: {  	v0 =	vld [tilespmem:s26+$0x670]  }
0xae: {  	v1 =	vld [tilespmem:s26+$0x6F0]  }
0xaf: {  	v2 =	vld [tilespmem:s26+$0x600]  }
0xb0: {  	v3 =	vld [tilespmem:s26+$0x680]  }
0xb1: {  	v5 =	vld [tilespmem:s26+$0x610]  }
0xb2: {  	v6 =	vld [tilespmem:s26+$0x690]  }
0xb3: {  	v7 =	vld [tilespmem:s26+$0x620]  }
0xb4: {  	v8 =	vld [tilespmem:s26+$0x6A0]  }
0xb5: {  	v10 =	vld [tilespmem:s26+$0x630]  }
0xb6: {  	v12 =	vld [tilespmem:s26+$0x6B0]  }
0xb7: {  	v13 =	vld [tilespmem:s26+$0x640]  }
0xb8: {  	v14 =	vld [tilespmem:s26+$0x6C0];
	_ =	sdelay $0x1  }
0xb9: {  	v0 =	vadd.f32 v1, v0  }
0xba: {  	v9 =	vld [tilespmem:s26+$0x650];
	v1 =	vadd.f32 v3, v2;
	v2 =	vadd.f32 v6, v5  }
0xbb: {  	v4 =	vimm.f32 $0.0e+00;
	v11 =	vld [tilespmem:s26+$0x6D0];
	v3 =	vadd.f32 v8, v7;
	v6 =	vadd.f32 v12, v10  }
0xbc: {  	v10 =	vld [tilespmem:s26+$0x660];
	v13 =	vadd.f32 v14, v13;
	v0 =	vadd.f32 v0, v4  }
0xbd: {  	s0 =	simm.s32 $0x100;
	v12 =	vld [tilespmem:s26+$0x6E0];
	v7 =	vimm.f32 $0.0e+00;
	v5 =	vadd.f32 v1, v4;
	v1 =	vadd.f32 v2, v4  }
0xbe: {  	v8 =	vld [tilespmem:s0+$0x670];
	s26 =	simm.s32 $0x800;
	v2 =	vadd.f32 v3, v4;
	v3 =	vadd.f32 v6, v4;
	v6 =	vimm.f32 $0.0e+00  }
.LBB2_7:
0xbf: {  	p0 =	sne.s32 s26, $0x2B800;
	v14 =	vld [tilespmem:s0+$0x6F0]  }
0xc0: {  	v15 =	vld [tilespmem:s0+$0x600];
	v4 =	vadd.f32 v13, v4;
	v9 =	vadd.f32 v11, v9  }
0xc1: {  	v11 =	vld [tilespmem:s0+$0x680]  }
0xc2: {  	v13 =	vld [tilespmem:s0+$0x610];
	v7 =	vadd.f32 v9, v7;
	v9 =	vadd.f32 v12, v10  }
0xc3: {  	v10 =	vld [tilespmem:s0+$0x690]  }
0xc4: {  	v12 =	vld [tilespmem:s0+$0x620];
	v8 =	vadd.f32 v14, v8;
	v6 =	vadd.f32 v9, v6  }
0xc5: {  	v9 =	vld [tilespmem:s0+$0x6A0]  }
0xc6: {  	v11 =	vadd.f32 v11, v15;
	v14 =	vld [tilespmem:s0+$0x630];
	v0 =	vadd.f32 v8, v0  }
0xc7: {  	v8 =	vld [tilespmem:s0+$0x6B0]  }
0xc8: {  	v5 =	vadd.f32 v11, v5;
	v10 =	vadd.f32 v10, v13;
	v13 =	vld [tilespmem:s0+$0x640]  }
0xc9: {  	v15 =	vld [tilespmem:s0+$0x6C0]  }
.Ltmp2:
0xca: {  	v1 =	vadd.f32 v10, v1;
	v10 =	vadd.f32 v9, v12;
	v9 =	vld [tilespmem:s0+$0x650];
	(pc) =	sbr.rel @p0 .LBB2_7-.Ltmp2, $4  }
0xcb: {  	v11 =	vld [tilespmem:s0+$0x6D0]  }
0xcc: {  	v2 =	vadd.f32 v10, v2;
	v14 =	vadd.f32 v8, v14;
	v10 =	vld [tilespmem:s0+$0x660]  }
0xcd: {  	v12 =	vld [tilespmem:s0+$0x6E0];
	s0 =	sshra.s32 s26, $0x2  }
0xce: {  	s26 =	sadd.s32 $0x400, s26;
	v8 =	vld [tilespmem:s0+$0x670];
	v3 =	vadd.f32 v14, v3;
	v13 =	vadd.f32 v15, v13  }
0xcf: {  	v14 =	vld [tilespmem:s0+$0x600]  }
0xd0: {  	v15 =	vld [tilespmem:s0+$0x680]  }
0xd1: {  	v16 =	vld [tilespmem:s0+$0x610]  }
0xd2: {  	v17 =	vld [tilespmem:s0+$0x690]  }
0xd3: {  	v18 =	vld [tilespmem:s0+$0x620]  }
0xd4: {  	v19 =	vld [tilespmem:s0+$0x6A0]  }
0xd5: {  	v20 =	vld [tilespmem:s0+$0x630]  }
0xd6: {  	v21 =	vld [tilespmem:s0+$0x6B0]  }
0xd7: {  	v22 =	vld [tilespmem:s0+$0x640]  }
0xd8: {  	v23 =	vld [tilespmem:s0+$0x6C0]  }
0xd9: {  	v9 =	vadd.f32 v11, v9;
	v11 =	vld [tilespmem:s0+$0x650]  }
0xda: {  	v4 =	vadd.f32 v13, v4;
	v13 =	vld [tilespmem:s0+$0x660];
	v10 =	vadd.f32 v12, v10  }
0xdb: {  	v12 =	vld [tilespmem:s0+$0x6D0];
	v7 =	vadd.f32 v9, v7;
	v9 =	vadd.f32 v15, v14  }
0xdc: {  	v6 =	vadd.f32 v10, v6;
	v10 =	vadd.f32 v17, v16;
	v14 =	vld [tilespmem:s0+$0x6E0]  }
0xdd: {  	v15 =	vld [tilespmem:s0+$0x6F0];
	v5 =	vadd.f32 v9, v5;
	v9 =	vadd.f32 v19, v18  }
0xde: {  	v1 =	vadd.f32 v10, v1;
	v10 =	vadd.f32 v21, v20  }
0xdf: {  	v2 =	vadd.f32 v9, v2;
	v9 =	vadd.f32 v23, v22;
	[tilespmem:s31+$0x16700] =	vst v5  }
0xe0: {  	v3 =	vadd.f32 v10, v3;
	v5 =	vadd.f32 v12, v11;
	[tilespmem:s31+$0x16710] =	vst v1  }
0xe1: {  	v1 =	vadd.f32 v9, v4;
	v4 =	vadd.f32 v14, v13;
	[tilespmem:s31+$0x16720] =	vst v2  }
0xe2: {  	v2 =	vadd.f32 v15, v8;
	v5 =	vadd.f32 v5, v7;
	[tilespmem:s31+$0x16730] =	vst v3  }
0xe3: {  	v3 =	vadd.f32 v4, v6;
	[tilespmem:s31+$0x16740] =	vst v1  }
0xe4: {  	v0 =	vadd.f32 v2, v0;
	[tilespmem:s31+$0x16750] =	vst v5  }
0xe5: {  	[tilespmem:s31+$0x16760] =	vst v3  }
0xe6: {  	[tilespmem:s31+$0x16770] =	vst v0  }
0xe7: {  	_ =	swait.ge [sflag:s17], $0x180  }
0xe8: {  	[sflag:s17] =	ssyncset.done $0x0  }
0xe9: {  	s26 =	simm.s32 $0x0;
	[sflag:s17] =	ssyncadd.s32 $0xFFFFFE80  }
0xea: {  	[tilespmem:s19], [sflag:$0x5] =	stream.indirect.gather [hbm4b:s2+s18], $0x80, s26, s18, $0xb8;
	[tilespmem:$0x17600] =	vst v63  }
0xeb: {  	s26 =	sadd.s32 $0x7, s1  }
0xec: {  	s1 =	sadd.s32 s3, s26  }
0xed: {  	s1 =	sshrl.u32 s1, $0x3  }
0xee: {  	s0 =	sshll.u32 s26, $0x7;
	s1 =	smul.u32 $0xC00, s1  }
0xef: {  	s0 =	sand.u32 $0x380, s0  }
0xf0: {  	_ =	swait.ge [sflag:s24], $0xAF00;
	s0 =	sor.u32 s0, s1  }
0xf1: {  	[sflag:s24] =	ssyncset.done $0x0;
	s0 =	sshrl.u32 s0, $0x3  }
0xf2: {  	s26 =	simm.s32 $0x0;
	[sflag:s24] =	ssyncadd.s32 $0xFFFF5100;
	s0 =	sadd.s32 s5, s0  }
0xf3: {  	[tilespmem:s16], [sflag:$0x4] =	stream.strided.gather [hbm4b:s0+s12], $0x180, s13, s12, $0x38;
	[tilespmem:$0x17600] =	vst v63  }
0xf4: {  	v0 =	vld [tilespmem:s26+$0xB670]  }
0xf5: {  	v1 =	vld [tilespmem:s26+$0xB6F0]  }
0xf6: {  	v2 =	vld [tilespmem:s26+$0xB600]  }
0xf7: {  	v3 =	vld [tilespmem:s26+$0xB680]  }
0xf8: {  	v5 =	vld [tilespmem:s26+$0xB610]  }
0xf9: {  	v6 =	vld [tilespmem:s26+$0xB690]  }
0xfa: {  	v7 =	vld [tilespmem:s26+$0xB620]  }
0xfb: {  	v8 =	vld [tilespmem:s26+$0xB6A0]  }
0xfc: {  	v10 =	vld [tilespmem:s26+$0xB630]  }
0xfd: {  	v12 =	vld [tilespmem:s26+$0xB6B0]  }
0xfe: {  	v13 =	vld [tilespmem:s26+$0xB640]  }
0xff: {  	v14 =	vld [tilespmem:s26+$0xB6C0];
	_ =	sdelay $0x1  }
0x100: {  	v0 =	vadd.f32 v1, v0  }
0x101: {  	v9 =	vld [tilespmem:s26+$0xB650];
	v1 =	vadd.f32 v3, v2;
	v2 =	vadd.f32 v6, v5  }
0x102: {  	v4 =	vimm.f32 $0.0e+00;
	v11 =	vld [tilespmem:s26+$0xB6D0];
	v3 =	vadd.f32 v8, v7;
	v6 =	vadd.f32 v12, v10  }
0x103: {  	v10 =	vld [tilespmem:s26+$0xB660];
	v13 =	vadd.f32 v14, v13;
	v0 =	vadd.f32 v0, v4  }
0x104: {  	s0 =	simm.s32 $0x100;
	v12 =	vld [tilespmem:s26+$0xB6E0];
	v7 =	vimm.f32 $0.0e+00;
	v5 =	vadd.f32 v1, v4;
	v1 =	vadd.f32 v2, v4  }
0x105: {  	s1 =	simm.s32 $0x800;
	v8 =	vld [tilespmem:s0+$0xB670];
	v2 =	vadd.f32 v3, v4;
	v3 =	vadd.f32 v6, v4;
	v6 =	vimm.f32 $0.0e+00  }
.LBB2_9:
0x106: {  	p0 =	sne.s32 s1, $0x2B800;
	v14 =	vld [tilespmem:s0+$0xB6F0]  }
0x107: {  	v15 =	vld [tilespmem:s0+$0xB600];
	v4 =	vadd.f32 v13, v4;
	v9 =	vadd.f32 v11, v9  }
0x108: {  	v11 =	vld [tilespmem:s0+$0xB680]  }
0x109: {  	v13 =	vld [tilespmem:s0+$0xB610];
	v7 =	vadd.f32 v9, v7;
	v9 =	vadd.f32 v12, v10  }
0x10a: {  	v10 =	vld [tilespmem:s0+$0xB690]  }
0x10b: {  	v12 =	vld [tilespmem:s0+$0xB620];
	v8 =	vadd.f32 v14, v8;
	v6 =	vadd.f32 v9, v6  }
0x10c: {  	v9 =	vld [tilespmem:s0+$0xB6A0]  }
0x10d: {  	v11 =	vadd.f32 v11, v15;
	v14 =	vld [tilespmem:s0+$0xB630];
	v0 =	vadd.f32 v8, v0  }
0x10e: {  	v8 =	vld [tilespmem:s0+$0xB6B0]  }
0x10f: {  	v5 =	vadd.f32 v11, v5;
	v10 =	vadd.f32 v10, v13;
	v13 =	vld [tilespmem:s0+$0xB640]  }
0x110: {  	v15 =	vld [tilespmem:s0+$0xB6C0]  }
.Ltmp3:
0x111: {  	v1 =	vadd.f32 v10, v1;
	v10 =	vadd.f32 v9, v12;
	v9 =	vld [tilespmem:s0+$0xB650];
	(pc) =	sbr.rel @p0 .LBB2_9-.Ltmp3, $4  }
0x112: {  	v11 =	vld [tilespmem:s0+$0xB6D0]  }
0x113: {  	v2 =	vadd.f32 v10, v2;
	v14 =	vadd.f32 v8, v14;
	v10 =	vld [tilespmem:s0+$0xB660]  }
0x114: {  	v12 =	vld [tilespmem:s0+$0xB6E0];
	s0 =	sshra.s32 s1, $0x2  }
0x115: {  	s1 =	sadd.s32 $0x400, s1;
	v8 =	vld [tilespmem:s0+$0xB670];
	v3 =	vadd.f32 v14, v3;
	v13 =	vadd.f32 v15, v13  }
0x116: {  	v14 =	vld [tilespmem:s0+$0xB600]  }
0x117: {  	v15 =	vld [tilespmem:s0+$0xB680]  }
0x118: {  	v16 =	vld [tilespmem:s0+$0xB610]  }
0x119: {  	v17 =	vld [tilespmem:s0+$0xB690]  }
0x11a: {  	v18 =	vld [tilespmem:s0+$0xB620]  }
0x11b: {  	v19 =	vld [tilespmem:s0+$0xB6A0]  }
0x11c: {  	v20 =	vld [tilespmem:s0+$0xB630]  }
0x11d: {  	v21 =	vld [tilespmem:s0+$0xB6B0]  }
0x11e: {  	v22 =	vld [tilespmem:s0+$0xB640]  }
0x11f: {  	v23 =	vld [tilespmem:s0+$0xB6C0]  }
0x120: {  	v49 =	vld [tilespmem:s0+$0xB650];
	v9 =	vadd.f32 v11, v9  }
0x121: {  	v52 =	vld [tilespmem:s0+$0xB660];
	v4 =	vadd.f32 v13, v4;
	v10 =	vadd.f32 v12, v10  }
0x122: {  	v54 =	vld [tilespmem:s0+$0xB6E0];
	v7 =	vadd.f32 v9, v7;
	v51 =	vadd.f32 v15, v14  }
0x123: {  	v56 =	vld [tilespmem:s0+$0xB6F0];
	v6 =	vadd.f32 v10, v6;
	v53 =	vadd.f32 v17, v16  }
0x124: {  	v50 =	vld [tilespmem:s0+$0xB6D0];
	v55 =	vadd.f32 v19, v18;
	v5 =	vadd.f32 v51, v5  }
0x125: {  	v57 =	vadd.f32 v21, v20;
	v1 =	vadd.f32 v53, v1  }
0x126: {  	v58 =	vadd.f32 v23, v22;
	v2 =	vadd.f32 v55, v2;
	[tilespmem:s31+$0x16780] =	vst v5  }
0x127: {  	v61 =	vadd.f32 v54, v52;
	v3 =	vadd.f32 v57, v3;
	[tilespmem:s31+$0x16790] =	vst v1  }
0x128: {  	v62 =	vadd.f32 v56, v8;
	v60 =	vadd.f32 v58, v4;
	[tilespmem:s31+$0x167A0] =	vst v2  }
0x129: {  	v59 =	vadd.f32 v50, v49;
	v63 =	vadd.f32 v61, v6;
	[tilespmem:s31+$0x167B0] =	vst v3  }
0x12a: {  	v0 =	vadd.f32 v62, v0;
	[tilespmem:s31+$0x167C0] =	vst v60  }
0x12b: {  	s30 =	sadd.s32 $0x1, s30;
	v5 =	vadd.f32 v59, v7;
	[tilespmem:s31+$0x167E0] =	vst v63  }
0x12c: {  	p0 =	sne.s32 s30, $0x7;
	[tilespmem:s31+$0x167F0] =	vst v0  }
.Ltmp4:
0x12d: {  	[tilespmem:s31+$0x167D0] =	vst v5;
	(pc) =	sbr.rel @p0 .LBB2_2-.Ltmp4, $4  }
0x12e: {  	_ =	swait.ge [sflag:s20], $0x180  }
0x12f: {  	[sflag:s20] =	ssyncset.done $0x0  }
0x130: {  	[sflag:s20] =	ssyncadd.s32 $0xFFFFFE80  }
0x131: {  	[tilespmem:s21], [sflag:$0x6] =	stream.indirect.gather [hbm4b:s2+s18], $0x80, s14, s18, $0xb8;
	[tilespmem:$0x17600] =	vst v63  }
0x132: {  	_ =	swait.ge [sflag:s22], $0xAF00  }
0x133: {  	[sflag:s22] =	ssyncset.done $0x0  }
0x134: {  	s1 =	simm.s32 $0x0;
	[sflag:s22] =	ssyncadd.s32 $0xFFFF5100  }
0x135: {  	v0 =	vld [tilespmem:s1+$0x670]  }
0x136: {  	v1 =	vld [tilespmem:s1+$0x6F0]  }
0x137: {  	v2 =	vld [tilespmem:s1+$0x600]  }
0x138: {  	v3 =	vld [tilespmem:s1+$0x680]  }
0x139: {  	v5 =	vld [tilespmem:s1+$0x610]  }
0x13a: {  	v6 =	vld [tilespmem:s1+$0x690]  }
0x13b: {  	v7 =	vld [tilespmem:s1+$0x620]  }
0x13c: {  	v8 =	vld [tilespmem:s1+$0x6A0]  }
0x13d: {  	v10 =	vld [tilespmem:s1+$0x630]  }
0x13e: {  	v12 =	vld [tilespmem:s1+$0x6B0]  }
0x13f: {  	v13 =	vld [tilespmem:s1+$0x640]  }
0x140: {  	v14 =	vld [tilespmem:s1+$0x6C0];
	_ =	sdelay $0x1  }
0x141: {  	v0 =	vadd.f32 v1, v0  }
0x142: {  	v9 =	vld [tilespmem:s1+$0x650];
	v1 =	vadd.f32 v3, v2;
	v2 =	vadd.f32 v6, v5  }
0x143: {  	v4 =	vimm.f32 $0.0e+00;
	v11 =	vld [tilespmem:s1+$0x6D0];
	v3 =	vadd.f32 v8, v7;
	v6 =	vadd.f32 v12, v10  }
0x144: {  	v10 =	vld [tilespmem:s1+$0x660];
	v13 =	vadd.f32 v14, v13;
	v0 =	vadd.f32 v0, v4  }
0x145: {  	s0 =	simm.s32 $0x100;
	v12 =	vld [tilespmem:s1+$0x6E0];
	v7 =	vimm.f32 $0.0e+00;
	v5 =	vadd.f32 v1, v4;
	v1 =	vadd.f32 v2, v4  }
0x146: {  	v8 =	vld [tilespmem:s0+$0x670];
	s1 =	simm.s32 $0x800;
	v2 =	vadd.f32 v3, v4;
	v3 =	vadd.f32 v6, v4;
	v6 =	vimm.f32 $0.0e+00  }
.LBB2_12:
0x147: {  	p0 =	sne.s32 s1, $0x2B800;
	v14 =	vld [tilespmem:s0+$0x6F0]  }
0x148: {  	v15 =	vld [tilespmem:s0+$0x600];
	v4 =	vadd.f32 v13, v4;
	v9 =	vadd.f32 v11, v9  }
0x149: {  	v11 =	vld [tilespmem:s0+$0x680]  }
0x14a: {  	v13 =	vld [tilespmem:s0+$0x610];
	v7 =	vadd.f32 v9, v7;
	v9 =	vadd.f32 v12, v10  }
0x14b: {  	v10 =	vld [tilespmem:s0+$0x690]  }
0x14c: {  	v12 =	vld [tilespmem:s0+$0x620];
	v8 =	vadd.f32 v14, v8;
	v6 =	vadd.f32 v9, v6  }
0x14d: {  	v9 =	vld [tilespmem:s0+$0x6A0]  }
0x14e: {  	v11 =	vadd.f32 v11, v15;
	v14 =	vld [tilespmem:s0+$0x630];
	v0 =	vadd.f32 v8, v0  }
0x14f: {  	v8 =	vld [tilespmem:s0+$0x6B0]  }
0x150: {  	v5 =	vadd.f32 v11, v5;
	v10 =	vadd.f32 v10, v13;
	v13 =	vld [tilespmem:s0+$0x640]  }
0x151: {  	v15 =	vld [tilespmem:s0+$0x6C0]  }
.Ltmp5:
0x152: {  	v1 =	vadd.f32 v10, v1;
	v10 =	vadd.f32 v9, v12;
	v9 =	vld [tilespmem:s0+$0x650];
	(pc) =	sbr.rel @p0 .LBB2_12-.Ltmp5, $4  }
0x153: {  	v11 =	vld [tilespmem:s0+$0x6D0]  }
0x154: {  	v2 =	vadd.f32 v10, v2;
	v14 =	vadd.f32 v8, v14;
	v10 =	vld [tilespmem:s0+$0x660]  }
0x155: {  	v12 =	vld [tilespmem:s0+$0x6E0];
	s0 =	sshra.s32 s1, $0x2  }
0x156: {  	s1 =	sadd.s32 $0x400, s1;
	v8 =	vld [tilespmem:s0+$0x670];
	v3 =	vadd.f32 v14, v3;
	v13 =	vadd.f32 v15, v13  }
0x157: {  	v14 =	vld [tilespmem:s0+$0x600]  }
0x158: {  	v15 =	vld [tilespmem:s0+$0x680]  }
0x159: {  	v16 =	vld [tilespmem:s0+$0x610]  }
0x15a: {  	v17 =	vld [tilespmem:s0+$0x690]  }
0x15b: {  	v18 =	vld [tilespmem:s0+$0x620]  }
0x15c: {  	v19 =	vld [tilespmem:s0+$0x6A0]  }
0x15d: {  	v20 =	vld [tilespmem:s0+$0x630]  }
0x15e: {  	v21 =	vld [tilespmem:s0+$0x6B0]  }
0x15f: {  	v22 =	vld [tilespmem:s0+$0x640]  }
0x160: {  	v23 =	vld [tilespmem:s0+$0x6C0]  }
0x161: {  	v9 =	vadd.f32 v11, v9;
	v11 =	vld [tilespmem:s0+$0x650]  }
0x162: {  	v4 =	vadd.f32 v13, v4;
	v13 =	vld [tilespmem:s0+$0x660];
	v10 =	vadd.f32 v12, v10  }
0x163: {  	v12 =	vld [tilespmem:s0+$0x6D0];
	v7 =	vadd.f32 v9, v7;
	v9 =	vadd.f32 v15, v14  }
0x164: {  	v6 =	vadd.f32 v10, v6;
	v10 =	vadd.f32 v17, v16;
	v14 =	vld [tilespmem:s0+$0x6E0]  }
0x165: {  	v15 =	vld [tilespmem:s0+$0x6F0];
	v5 =	vadd.f32 v9, v5;
	v9 =	vadd.f32 v19, v18  }
0x166: {  	v1 =	vadd.f32 v10, v1;
	v10 =	vadd.f32 v21, v20  }
0x167: {  	v2 =	vadd.f32 v9, v2;
	v9 =	vadd.f32 v23, v22;
	[tilespmem:$0x17400] =	vst v5  }
0x168: {  	v3 =	vadd.f32 v10, v3;
	v5 =	vadd.f32 v12, v11;
	[tilespmem:$0x17410] =	vst v1  }
0x169: {  	v1 =	vadd.f32 v9, v4;
	v4 =	vadd.f32 v14, v13;
	[tilespmem:$0x17420] =	vst v2  }
0x16a: {  	v2 =	vadd.f32 v15, v8;
	v5 =	vadd.f32 v5, v7;
	[tilespmem:$0x17430] =	vst v3  }
0x16b: {  	v3 =	vadd.f32 v4, v6;
	[tilespmem:$0x17440] =	vst v1  }
0x16c: {  	v0 =	vadd.f32 v2, v0;
	[tilespmem:$0x17450] =	vst v5  }
0x16d: {  	[tilespmem:$0x17460] =	vst v3  }
0x16e: {  	[tilespmem:$0x17470] =	vst v0  }
0x16f: {  	_ =	swait.ge [sflag:s23], $0x180  }
0x170: {  	[sflag:s23] =	ssyncset.done $0x0  }
0x171: {  	[sflag:s23] =	ssyncadd.s32 $0xFFFFFE80  }
0x172: {  	[tilespmem:s19], [sflag:$0x5] =	stream.indirect.gather [hbm4b:s2+s18], $0x80, s15, s18, $0xb8;
	[tilespmem:$0x17600] =	vst v63  }
0x173: {  	_ =	swait.ge [sflag:s24], $0xAF00  }
0x174: {  	[sflag:s24] =	ssyncset.done $0x0  }
0x175: {  	s1 =	simm.s32 $0x0;
	[sflag:s24] =	ssyncadd.s32 $0xFFFF5100  }
0x176: {  	v0 =	vld [tilespmem:s1+$0xB670]  }
0x177: {  	v1 =	vld [tilespmem:s1+$0xB6F0]  }
0x178: {  	v2 =	vld [tilespmem:s1+$0xB600]  }
0x179: {  	v3 =	vld [tilespmem:s1+$0xB680]  }
0x17a: {  	v5 =	vld [tilespmem:s1+$0xB610]  }
0x17b: {  	v6 =	vld [tilespmem:s1+$0xB690]  }
0x17c: {  	v7 =	vld [tilespmem:s1+$0xB620]  }
0x17d: {  	v8 =	vld [tilespmem:s1+$0xB6A0]  }
0x17e: {  	v10 =	vld [tilespmem:s1+$0xB630]  }
0x17f: {  	v12 =	vld [tilespmem:s1+$0xB6B0]  }
0x180: {  	v13 =	vld [tilespmem:s1+$0xB640]  }
0x181: {  	v14 =	vld [tilespmem:s1+$0xB6C0];
	_ =	sdelay $0x1  }
0x182: {  	v0 =	vadd.f32 v1, v0  }
0x183: {  	v9 =	vld [tilespmem:s1+$0xB650];
	v1 =	vadd.f32 v3, v2;
	v2 =	vadd.f32 v6, v5  }
0x184: {  	v4 =	vimm.f32 $0.0e+00;
	v11 =	vld [tilespmem:s1+$0xB6D0];
	v3 =	vadd.f32 v8, v7;
	v6 =	vadd.f32 v12, v10  }
0x185: {  	v10 =	vld [tilespmem:s1+$0xB660];
	v13 =	vadd.f32 v14, v13;
	v0 =	vadd.f32 v0, v4  }
0x186: {  	s0 =	simm.s32 $0x100;
	v12 =	vld [tilespmem:s1+$0xB6E0];
	v7 =	vimm.f32 $0.0e+00;
	v5 =	vadd.f32 v1, v4;
	v1 =	vadd.f32 v2, v4  }
0x187: {  	v8 =	vld [tilespmem:s0+$0xB670];
	s1 =	simm.s32 $0x800;
	v2 =	vadd.f32 v3, v4;
	v3 =	vadd.f32 v6, v4;
	v6 =	vimm.f32 $0.0e+00  }
.LBB2_14:
0x188: {  	p0 =	sne.s32 s1, $0x2B800;
	v14 =	vld [tilespmem:s0+$0xB6F0]  }
0x189: {  	v15 =	vld [tilespmem:s0+$0xB600];
	v4 =	vadd.f32 v13, v4;
	v9 =	vadd.f32 v11, v9  }
0x18a: {  	v11 =	vld [tilespmem:s0+$0xB680]  }
0x18b: {  	v13 =	vld [tilespmem:s0+$0xB610];
	v7 =	vadd.f32 v9, v7;
	v9 =	vadd.f32 v12, v10  }
0x18c: {  	v10 =	vld [tilespmem:s0+$0xB690]  }
0x18d: {  	v12 =	vld [tilespmem:s0+$0xB620];
	v8 =	vadd.f32 v14, v8;
	v6 =	vadd.f32 v9, v6  }
0x18e: {  	v9 =	vld [tilespmem:s0+$0xB6A0]  }
0x18f: {  	v11 =	vadd.f32 v11, v15;
	v14 =	vld [tilespmem:s0+$0xB630];
	v0 =	vadd.f32 v8, v0  }
0x190: {  	v8 =	vld [tilespmem:s0+$0xB6B0]  }
0x191: {  	v5 =	vadd.f32 v11, v5;
	v10 =	vadd.f32 v10, v13;
	v13 =	vld [tilespmem:s0+$0xB640]  }
0x192: {  	v15 =	vld [tilespmem:s0+$0xB6C0]  }
.Ltmp6:
0x193: {  	v1 =	vadd.f32 v10, v1;
	v10 =	vadd.f32 v9, v12;
	v9 =	vld [tilespmem:s0+$0xB650];
	(pc) =	sbr.rel @p0 .LBB2_14-.Ltmp6, $4  }
0x194: {  	v11 =	vld [tilespmem:s0+$0xB6D0]  }
0x195: {  	v2 =	vadd.f32 v10, v2;
	v14 =	vadd.f32 v8, v14;
	v10 =	vld [tilespmem:s0+$0xB660]  }
0x196: {  	v12 =	vld [tilespmem:s0+$0xB6E0];
	s0 =	sshra.s32 s1, $0x2  }
0x197: {  	s1 =	sadd.s32 $0x400, s1;
	v8 =	vld [tilespmem:s0+$0xB670];
	v3 =	vadd.f32 v14, v3;
	v13 =	vadd.f32 v15, v13  }
0x198: {  	v14 =	vld [tilespmem:s0+$0xB600]  }
0x199: {  	v15 =	vld [tilespmem:s0+$0xB680]  }
0x19a: {  	v16 =	vld [tilespmem:s0+$0xB610]  }
0x19b: {  	v17 =	vld [tilespmem:s0+$0xB690]  }
0x19c: {  	v18 =	vld [tilespmem:s0+$0xB620]  }
0x19d: {  	v19 =	vld [tilespmem:s0+$0xB6A0]  }
0x19e: {  	v20 =	vld [tilespmem:s0+$0xB630]  }
0x19f: {  	v21 =	vld [tilespmem:s0+$0xB6B0]  }
0x1a0: {  	v22 =	vld [tilespmem:s0+$0xB640]  }
0x1a1: {  	v23 =	vld [tilespmem:s0+$0xB6C0]  }
0x1a2: {  	v9 =	vadd.f32 v11, v9;
	v11 =	vld [tilespmem:s0+$0xB650]  }
0x1a3: {  	v4 =	vadd.f32 v13, v4;
	v13 =	vld [tilespmem:s0+$0xB660];
	v10 =	vadd.f32 v12, v10  }
0x1a4: {  	v12 =	vld [tilespmem:s0+$0xB6D0];
	v7 =	vadd.f32 v9, v7;
	v9 =	vadd.f32 v15, v14  }
0x1a5: {  	v6 =	vadd.f32 v10, v6;
	v10 =	vadd.f32 v17, v16;
	v14 =	vld [tilespmem:s0+$0xB6E0]  }
0x1a6: {  	v15 =	vld [tilespmem:s0+$0xB6F0];
	v5 =	vadd.f32 v9, v5;
	v9 =	vadd.f32 v19, v18  }
0x1a7: {  	v1 =	vadd.f32 v10, v1;
	v10 =	vadd.f32 v21, v20  }
0x1a8: {  	v2 =	vadd.f32 v9, v2;
	v9 =	vadd.f32 v23, v22;
	[tilespmem:$0x17480] =	vst v5  }
0x1a9: {  	v3 =	vadd.f32 v10, v3;
	v5 =	vadd.f32 v12, v11;
	[tilespmem:$0x17490] =	vst v1  }
0x1aa: {  	v1 =	vadd.f32 v9, v4;
	v4 =	vadd.f32 v14, v13;
	[tilespmem:$0x174A0] =	vst v2  }
0x1ab: {  	v2 =	vadd.f32 v15, v8;
	v5 =	vadd.f32 v5, v7;
	[tilespmem:$0x174B0] =	vst v3  }
0x1ac: {  	v3 =	vadd.f32 v4, v6;
	[tilespmem:$0x174C0] =	vst v1  }
0x1ad: {  	v0 =	vadd.f32 v2, v0;
	[tilespmem:$0x174D0] =	vst v5  }
0x1ae: {  	[tilespmem:$0x174E0] =	vst v3  }
0x1af: {  	[tilespmem:$0x174F0] =	vst v0  }
0x1b0: {  	_ =	swait.ge [sflag:s25], $0x180  }
0x1b1: {  	[sflag:s25] =	ssyncset.done $0x0  }
0x1b2: {  	[sflag:s25] =	ssyncadd.s32 $0xFFFFFE80  }
0x1b3: {  	[tilespmem:s21], [sflag:$0x6] =	stream.indirect.gather [hbm4b:s2+s18], $0x80, s16, s18, $0xb8;
	[tilespmem:$0x17600] =	vst v63  }
0x1b4: {  	_ =	swait.ge [sflag:s22], $0xAF00  }
0x1b5: {  	[sflag:s22] =	ssyncset.done $0x0  }
0x1b6: {  	s1 =	simm.s32 $0x0;
	[sflag:s22] =	ssyncadd.s32 $0xFFFF5100  }
0x1b7: {  	v0 =	vld [tilespmem:s1+$0x670]  }
0x1b8: {  	v1 =	vld [tilespmem:s1+$0x6F0]  }
0x1b9: {  	v2 =	vld [tilespmem:s1+$0x600]  }
0x1ba: {  	v3 =	vld [tilespmem:s1+$0x680]  }
0x1bb: {  	v5 =	vld [tilespmem:s1+$0x610]  }
0x1bc: {  	v6 =	vld [tilespmem:s1+$0x690]  }
0x1bd: {  	v7 =	vld [tilespmem:s1+$0x620]  }
0x1be: {  	v8 =	vld [tilespmem:s1+$0x6A0]  }
0x1bf: {  	v10 =	vld [tilespmem:s1+$0x630]  }
0x1c0: {  	v12 =	vld [tilespmem:s1+$0x6B0]  }
0x1c1: {  	v13 =	vld [tilespmem:s1+$0x640]  }
0x1c2: {  	v14 =	vld [tilespmem:s1+$0x6C0];
	_ =	sdelay $0x1  }
0x1c3: {  	v0 =	vadd.f32 v1, v0  }
0x1c4: {  	v9 =	vld [tilespmem:s1+$0x650];
	v1 =	vadd.f32 v3, v2;
	v2 =	vadd.f32 v6, v5  }
0x1c5: {  	v4 =	vimm.f32 $0.0e+00;
	v11 =	vld [tilespmem:s1+$0x6D0];
	v3 =	vadd.f32 v8, v7;
	v6 =	vadd.f32 v12, v10  }
0x1c6: {  	v10 =	vld [tilespmem:s1+$0x660];
	v13 =	vadd.f32 v14, v13;
	v0 =	vadd.f32 v0, v4  }
0x1c7: {  	s0 =	simm.s32 $0x100;
	v12 =	vld [tilespmem:s1+$0x6E0];
	v7 =	vimm.f32 $0.0e+00;
	v5 =	vadd.f32 v1, v4;
	v1 =	vadd.f32 v2, v4  }
0x1c8: {  	v8 =	vld [tilespmem:s0+$0x670];
	s1 =	simm.s32 $0x800;
	v2 =	vadd.f32 v3, v4;
	v3 =	vadd.f32 v6, v4;
	v6 =	vimm.f32 $0.0e+00  }
.LBB2_16:
0x1c9: {  	p0 =	sne.s32 s1, $0x2B800;
	v14 =	vld [tilespmem:s0+$0x6F0]  }
0x1ca: {  	v15 =	vld [tilespmem:s0+$0x600];
	v4 =	vadd.f32 v13, v4;
	v9 =	vadd.f32 v11, v9  }
0x1cb: {  	v11 =	vld [tilespmem:s0+$0x680]  }
0x1cc: {  	v13 =	vld [tilespmem:s0+$0x610];
	v7 =	vadd.f32 v9, v7;
	v9 =	vadd.f32 v12, v10  }
0x1cd: {  	v10 =	vld [tilespmem:s0+$0x690]  }
0x1ce: {  	v12 =	vld [tilespmem:s0+$0x620];
	v8 =	vadd.f32 v14, v8;
	v6 =	vadd.f32 v9, v6  }
0x1cf: {  	v9 =	vld [tilespmem:s0+$0x6A0]  }
0x1d0: {  	v11 =	vadd.f32 v11, v15;
	v14 =	vld [tilespmem:s0+$0x630];
	v0 =	vadd.f32 v8, v0  }
0x1d1: {  	v8 =	vld [tilespmem:s0+$0x6B0]  }
0x1d2: {  	v5 =	vadd.f32 v11, v5;
	v10 =	vadd.f32 v10, v13;
	v13 =	vld [tilespmem:s0+$0x640]  }
0x1d3: {  	v15 =	vld [tilespmem:s0+$0x6C0]  }
.Ltmp7:
0x1d4: {  	v1 =	vadd.f32 v10, v1;
	v10 =	vadd.f32 v9, v12;
	v9 =	vld [tilespmem:s0+$0x650];
	(pc) =	sbr.rel @p0 .LBB2_16-.Ltmp7, $4  }
0x1d5: {  	v11 =	vld [tilespmem:s0+$0x6D0]  }
0x1d6: {  	v2 =	vadd.f32 v10, v2;
	v14 =	vadd.f32 v8, v14;
	v10 =	vld [tilespmem:s0+$0x660]  }
0x1d7: {  	v12 =	vld [tilespmem:s0+$0x6E0];
	s0 =	sshra.s32 s1, $0x2  }
0x1d8: {  	s1 =	sadd.s32 $0x400, s1;
	v8 =	vld [tilespmem:s0+$0x670];
	v3 =	vadd.f32 v14, v3;
	v13 =	vadd.f32 v15, v13  }
0x1d9: {  	v14 =	vld [tilespmem:s0+$0x600]  }
0x1da: {  	v15 =	vld [tilespmem:s0+$0x680]  }
0x1db: {  	v16 =	vld [tilespmem:s0+$0x610]  }
0x1dc: {  	v17 =	vld [tilespmem:s0+$0x690]  }
0x1dd: {  	v18 =	vld [tilespmem:s0+$0x620]  }
0x1de: {  	v19 =	vld [tilespmem:s0+$0x6A0]  }
0x1df: {  	v20 =	vld [tilespmem:s0+$0x630]  }
0x1e0: {  	v21 =	vld [tilespmem:s0+$0x6B0]  }
0x1e1: {  	v22 =	vld [tilespmem:s0+$0x640]  }
0x1e2: {  	v23 =	vld [tilespmem:s0+$0x6C0]  }
0x1e3: {  	v9 =	vadd.f32 v11, v9;
	v11 =	vld [tilespmem:s0+$0x650]  }
0x1e4: {  	v4 =	vadd.f32 v13, v4;
	v13 =	vld [tilespmem:s0+$0x660];
	v10 =	vadd.f32 v12, v10  }
0x1e5: {  	v12 =	vld [tilespmem:s0+$0x6D0];
	v7 =	vadd.f32 v9, v7;
	v9 =	vadd.f32 v15, v14  }
0x1e6: {  	v6 =	vadd.f32 v10, v6;
	v10 =	vadd.f32 v17, v16;
	v14 =	vld [tilespmem:s0+$0x6E0]  }
0x1e7: {  	v15 =	vld [tilespmem:s0+$0x6F0];
	v5 =	vadd.f32 v9, v5;
	v9 =	vadd.f32 v19, v18  }
0x1e8: {  	v1 =	vadd.f32 v10, v1;
	v10 =	vadd.f32 v21, v20  }
0x1e9: {  	v2 =	vadd.f32 v9, v2;
	v9 =	vadd.f32 v23, v22;
	[tilespmem:$0x17500] =	vst v5  }
0x1ea: {  	v3 =	vadd.f32 v10, v3;
	v5 =	vadd.f32 v12, v11;
	[tilespmem:$0x17510] =	vst v1  }
0x1eb: {  	v1 =	vadd.f32 v9, v4;
	v4 =	vadd.f32 v14, v13;
	[tilespmem:$0x17520] =	vst v2  }
0x1ec: {  	v2 =	vadd.f32 v15, v8;
	v5 =	vadd.f32 v5, v7;
	[tilespmem:$0x17530] =	vst v3  }
0x1ed: {  	v3 =	vadd.f32 v4, v6;
	[tilespmem:$0x17540] =	vst v1  }
0x1ee: {  	v0 =	vadd.f32 v2, v0;
	[tilespmem:$0x17550] =	vst v5  }
0x1ef: {  	[tilespmem:$0x17560] =	vst v3  }
0x1f0: {  	[tilespmem:$0x17570] =	vst v0  }
0x1f1: {  	_ =	swait.ge [sflag:s24], $0xAF00  }
0x1f2: {  	[sflag:s24] =	ssyncset.done $0x0  }
0x1f3: {  	s1 =	simm.s32 $0x0;
	[sflag:s24] =	ssyncadd.s32 $0xFFFF5100  }
0x1f4: {  	v0 =	vld [tilespmem:s1+$0xB670]  }
0x1f5: {  	v1 =	vld [tilespmem:s1+$0xB6F0]  }
0x1f6: {  	v2 =	vld [tilespmem:s1+$0xB600]  }
0x1f7: {  	v3 =	vld [tilespmem:s1+$0xB680]  }
0x1f8: {  	v5 =	vld [tilespmem:s1+$0xB610]  }
0x1f9: {  	v6 =	vld [tilespmem:s1+$0xB690]  }
0x1fa: {  	v7 =	vld [tilespmem:s1+$0xB620]  }
0x1fb: {  	v8 =	vld [tilespmem:s1+$0xB6A0]  }
0x1fc: {  	v10 =	vld [tilespmem:s1+$0xB630]  }
0x1fd: {  	v12 =	vld [tilespmem:s1+$0xB6B0]  }
0x1fe: {  	v13 =	vld [tilespmem:s1+$0xB640]  }
0x1ff: {  	v14 =	vld [tilespmem:s1+$0xB6C0];
	_ =	sdelay $0x1  }
0x200: {  	v0 =	vadd.f32 v1, v0  }
0x201: {  	v9 =	vld [tilespmem:s1+$0xB650];
	v1 =	vadd.f32 v3, v2;
	v2 =	vadd.f32 v6, v5  }
0x202: {  	v4 =	vimm.f32 $0.0e+00;
	v11 =	vld [tilespmem:s1+$0xB6D0];
	v3 =	vadd.f32 v8, v7;
	v6 =	vadd.f32 v12, v10  }
0x203: {  	v10 =	vld [tilespmem:s1+$0xB660];
	v13 =	vadd.f32 v14, v13;
	v0 =	vadd.f32 v0, v4  }
0x204: {  	s0 =	simm.s32 $0x100;
	v12 =	vld [tilespmem:s1+$0xB6E0];
	v7 =	vimm.f32 $0.0e+00;
	v5 =	vadd.f32 v1, v4;
	v1 =	vadd.f32 v2, v4  }
0x205: {  	v8 =	vld [tilespmem:s0+$0xB670];
	s1 =	simm.s32 $0x800;
	v2 =	vadd.f32 v3, v4;
	v3 =	vadd.f32 v6, v4;
	v6 =	vimm.f32 $0.0e+00  }
.LBB2_18:
0x206: {  	p0 =	sne.s32 s1, $0x2B800;
	v14 =	vld [tilespmem:s0+$0xB6F0]  }
0x207: {  	v15 =	vld [tilespmem:s0+$0xB600];
	v4 =	vadd.f32 v13, v4;
	v9 =	vadd.f32 v11, v9  }
0x208: {  	v11 =	vld [tilespmem:s0+$0xB680]  }
0x209: {  	v13 =	vld [tilespmem:s0+$0xB610];
	v7 =	vadd.f32 v9, v7;
	v9 =	vadd.f32 v12, v10  }
0x20a: {  	v10 =	vld [tilespmem:s0+$0xB690]  }
0x20b: {  	v12 =	vld [tilespmem:s0+$0xB620];
	v8 =	vadd.f32 v14, v8;
	v6 =	vadd.f32 v9, v6  }
0x20c: {  	v9 =	vld [tilespmem:s0+$0xB6A0]  }
0x20d: {  	v11 =	vadd.f32 v11, v15;
	v14 =	vld [tilespmem:s0+$0xB630];
	v0 =	vadd.f32 v8, v0  }
0x20e: {  	v8 =	vld [tilespmem:s0+$0xB6B0]  }
0x20f: {  	v5 =	vadd.f32 v11, v5;
	v10 =	vadd.f32 v10, v13;
	v13 =	vld [tilespmem:s0+$0xB640]  }
0x210: {  	v15 =	vld [tilespmem:s0+$0xB6C0]  }
.Ltmp8:
0x211: {  	v1 =	vadd.f32 v10, v1;
	v10 =	vadd.f32 v9, v12;
	v9 =	vld [tilespmem:s0+$0xB650];
	(pc) =	sbr.rel @p0 .LBB2_18-.Ltmp8, $4  }
0x212: {  	v11 =	vld [tilespmem:s0+$0xB6D0]  }
0x213: {  	v2 =	vadd.f32 v10, v2;
	v14 =	vadd.f32 v8, v14;
	v10 =	vld [tilespmem:s0+$0xB660]  }
0x214: {  	v12 =	vld [tilespmem:s0+$0xB6E0];
	s0 =	sshra.s32 s1, $0x2  }
0x215: {  	s1 =	sadd.s32 $0x400, s1;
	v8 =	vld [tilespmem:s0+$0xB670];
	v3 =	vadd.f32 v14, v3;
	v13 =	vadd.f32 v15, v13  }
0x216: {  	v14 =	vld [tilespmem:s0+$0xB600]  }
0x217: {  	v15 =	vld [tilespmem:s0+$0xB680]  }
0x218: {  	v16 =	vld [tilespmem:s0+$0xB610]  }
0x219: {  	v17 =	vld [tilespmem:s0+$0xB690]  }
0x21a: {  	v18 =	vld [tilespmem:s0+$0xB620]  }
0x21b: {  	v19 =	vld [tilespmem:s0+$0xB6A0]  }
0x21c: {  	v20 =	vld [tilespmem:s0+$0xB630]  }
0x21d: {  	v21 =	vld [tilespmem:s0+$0xB6B0]  }
0x21e: {  	v22 =	vld [tilespmem:s0+$0xB640]  }
0x21f: {  	v23 =	vld [tilespmem:s0+$0xB6C0]  }
0x220: {  	v49 =	vld [tilespmem:s0+$0xB650];
	v9 =	vadd.f32 v11, v9  }
0x221: {  	v52 =	vld [tilespmem:s0+$0xB660];
	v4 =	vadd.f32 v13, v4;
	v10 =	vadd.f32 v12, v10  }
0x222: {  	v54 =	vld [tilespmem:s0+$0xB6E0];
	v7 =	vadd.f32 v9, v7;
	v51 =	vadd.f32 v15, v14  }
0x223: {  	v56 =	vld [tilespmem:s0+$0xB6F0];
	v6 =	vadd.f32 v10, v6;
	v53 =	vadd.f32 v17, v16  }
0x224: {  	v50 =	vld [tilespmem:s0+$0xB6D0];
	v55 =	vadd.f32 v19, v18;
	v5 =	vadd.f32 v51, v5  }
0x225: {  	v57 =	vadd.f32 v21, v20;
	v1 =	vadd.f32 v53, v1  }
0x226: {  	v58 =	vadd.f32 v23, v22;
	v2 =	vadd.f32 v55, v2;
	[tilespmem:$0x17580] =	vst v5  }
0x227: {  	v61 =	vadd.f32 v54, v52;
	v3 =	vadd.f32 v57, v3;
	[tilespmem:$0x17590] =	vst v1  }
0x228: {  	v62 =	vadd.f32 v56, v8;
	v60 =	vadd.f32 v58, v4;
	[tilespmem:$0x175A0] =	vst v2  }
0x229: {  	v59 =	vadd.f32 v50, v49;
	v63 =	vadd.f32 v61, v6;
	[tilespmem:$0x175B0] =	vst v3  }
0x22a: {  	v0 =	vadd.f32 v62, v0;
	[tilespmem:$0x175C0] =	vst v60  }
0x22b: {  	s29 =	sadd.s32 $0x1, s29;
	v5 =	vadd.f32 v59, v7;
	[tilespmem:$0x175E0] =	vst v63  }
0x22c: {  	p0 =	sne.s32 s29, s11;
	[tilespmem:$0x175F0] =	vst v0  }
.Ltmp9:
0x22d: {  	s31 =	simm.s32 $0x16600;
	[tilespmem:$0x175D0] =	vst v5;
	(pc) =	sbr.rel @p0 .LBB2_1-.Ltmp9, $4  }
0x22e: {  	[hbm4b:s10+s4] =	stream.linear.scatter [tilespmem:s31], [sflag:$0x7], $0x1000, $0x38;
	[tilespmem:$0x17600] =	vst v63  }
0x22f: {  	_ =	swait.ge [sflag:s28], $0x1000  }
0x230: {  	[sflag:s28] =	ssyncset.done $0x0  }
0x231: {  	[sflag:s28] =	ssyncadd.s32 $0xFFFFF000  }
0x232: {  	_ =	sfence.sel $0x180000  }
0x233: {  	[bflag:$0x0] =	sbarrier.arrive $0xFFFF  }
0x234: {  	_ =	strace $0x90000047  }
0x235: {  	s0 =	stileid.u32;
	[bflag:$0x2] =	sbarrier.arrive $0xFFFF  }
0x236: {  	p0 =	sne.s32 s0, $0x0;
	s0 =	rddreg [dreg:$0x2]  }
0x237: {  	s0 =	sadd.s32 @!p0 $0x100000, s0  }
0x238: {  	[sflag:s0] =	ssyncadd.tile.s32 @!p0 $0x1;
	_ =	shalt  }
.Lfunc_end2:
_tile_overlayer_lowered:
.L_overlay_start_2:
0x239: {  	(tag) =	ssettag $0x2  }
0x23a: {  	s0 =	rddreg [dreg:$0x0];
	s2 =	stileid.u32  }
0x23b: {  	s1 =	rddreg [dreg:$0x1];
	p0 =	sne.s32 s2, $0x0  }
0x23c: {  	s3 =	rddreg [dreg:$0x2];
	[bflag:$0x3] =	sbarrier.arrive $0xFFFF;
	s2 =	simm.s32 @!p0 $0x1C07  }
0x23d: {  	[timem:s3], [sflag:s2] =	dma.local @!p0 [hbm:s0], s1  }
0x23e: {  	s0 =	simm.s32 @!p0 $0x7  }
0x23f: {  	_ =	swait.ge @!p0 [sflag:s0], s1  }
0x240: {  	s1 =	ssub.s32 @!p0 $0x0, s1;
	[sflag:s0] =	ssyncset.done @!p0 $0x0  }
0x241: {  	[sflag:s0] =	ssyncadd.s32 @!p0 s1  }
0x242: {  	[bflag:$0x3] =	sbarrier.arrive $0xFFFF  }
0x243: {  	_ =	shalt  }

</sc_bundles>
